<compile_context>
chip_gen: v7x
topology: tpu7x:2x2x1
jax: 0.10.2.dev20260603
libtpu: 0.0.44.dev20260713+nightly
codegen_flags: <defaults>
</compile_context>

<pallas_src>
import jax
import jax.numpy as jnp
from jax import lax
from jax.experimental import pallas as pl
from jax.experimental.pallas import tpu as pltpu
from jax.experimental.pallas import tpu_sc as plsc

N = 10000
D = 128
HEADS = 8
CH = 16
OUT = 40

R = 10112
SW = D + CH
NSC = 2
NTILE = 16
CHUNK = 64
PER_TILE = 10112
NCHUNK = PER_TILE // CHUNK
EPAD = NSC * NTILE * PER_TILE
ROWS_PER_TILE = R // NTILE

BN = 2528
NBLK = R // BN



def _tc_pre_body(x_ref, w_ref, as_ref, ad_ref, h_out, a_out, d_out, ws_out):
    h = jnp.dot(x_ref[...], w_ref[...], preferred_element_type=jnp.float32)
    a = jnp.dot(h, as_ref[...], preferred_element_type=jnp.float32)
    dd = jnp.dot(h, ad_ref[...], preferred_element_type=jnp.float32)
    e = a + dd
    e = jnp.where(e > 0, e, 0.2 * e)
    h_out[...] = h
    a_out[...] = a
    d_out[...] = dd
    ws_out[...] = jnp.exp(e)


def _tc_pre(x, W, As_e, Ad_e):
    return pl.pallas_call(
        _tc_pre_body,
        grid=(NBLK,),
        in_specs=[
            pl.BlockSpec((BN, D), lambda i: (i, 0)),
            pl.BlockSpec((D, D), lambda i: (0, 0)),
            pl.BlockSpec((D, CH), lambda i: (0, 0)),
            pl.BlockSpec((D, CH), lambda i: (0, 0)),
        ],
        out_specs=[
            pl.BlockSpec((BN, D), lambda i: (i, 0)),
            pl.BlockSpec((BN, CH), lambda i: (i, 0)),
            pl.BlockSpec((BN, CH), lambda i: (i, 0)),
            pl.BlockSpec((BN, CH), lambda i: (i, 0)),
        ],
        out_shape=[
            jax.ShapeDtypeStruct((R, D), jnp.float32),
            jax.ShapeDtypeStruct((R, CH), jnp.float32),
            jax.ShapeDtypeStruct((R, CH), jnp.float32),
            jax.ShapeDtypeStruct((R, CH), jnp.float32),
        ],
    )(x, W, As_e, Ad_e)


def _tc_mid_body(sa_ref, sb_ref, h_ref, ws_ref, p_ref, b_ref,
                 w1_ref, as_ref, ad_ref,
                 h1_out, g1_out, a1_out, d1_out, ws1_out):
    i = pl.program_id(0)
    sfull = sa_ref[...] + sb_ref[...]
    s = sfull[:, :D]
    z16 = sfull[:, D:]
    z128 = jnp.dot(z16, p_ref[...], preferred_element_type=jnp.float32)
    w128 = jnp.dot(ws_ref[...], p_ref[...], preferred_element_type=jnp.float32)
    h0 = h_ref[...]
    out0 = (s + w128 * h0) / (z128 + w128 + 1e-16)
    h1 = out0 + b_ref[...]
    h1 = jnp.where(h1 > 0, h1, jnp.exp(h1) - 1.0)
    rows = i * BN + lax.broadcasted_iota(jnp.int32, h1.shape, 0)
    h1 = jnp.where(rows < N, h1, 0.0)
    g1 = jnp.dot(h1, w1_ref[...], preferred_element_type=jnp.float32)
    a1 = jnp.dot(g1, as_ref[...], preferred_element_type=jnp.float32)
    d1 = jnp.dot(g1, ad_ref[...], preferred_element_type=jnp.float32)
    e = a1 + d1
    e = jnp.where(e > 0, e, 0.2 * e)
    h1_out[...] = h1
    g1_out[...] = g1
    a1_out[...] = a1
    d1_out[...] = d1
    ws1_out[...] = jnp.exp(e)


def _tc_mid(S_out, h0, ws0, P, b0_row, W1, As_e, Ad_e):
    return pl.pallas_call(
        _tc_mid_body,
        grid=(NBLK,),
        in_specs=[
            pl.BlockSpec((BN, SW), lambda i: (i, 0)),
            pl.BlockSpec((BN, SW), lambda i: (i + NBLK, 0)),
            pl.BlockSpec((BN, D), lambda i: (i, 0)),
            pl.BlockSpec((BN, CH), lambda i: (i, 0)),
            pl.BlockSpec((CH, D), lambda i: (0, 0)),
            pl.BlockSpec((1, D), lambda i: (0, 0)),
            pl.BlockSpec((D, D), lambda i: (0, 0)),
            pl.BlockSpec((D, CH), lambda i: (0, 0)),
            pl.BlockSpec((D, CH), lambda i: (0, 0)),
        ],
        out_specs=[
            pl.BlockSpec((BN, D), lambda i: (i, 0)),
            pl.BlockSpec((BN, D), lambda i: (i, 0)),
            pl.BlockSpec((BN, CH), lambda i: (i, 0)),
            pl.BlockSpec((BN, CH), lambda i: (i, 0)),
            pl.BlockSpec((BN, CH), lambda i: (i, 0)),
        ],
        out_shape=[
            jax.ShapeDtypeStruct((R, D), jnp.float32),
            jax.ShapeDtypeStruct((R, D), jnp.float32),
            jax.ShapeDtypeStruct((R, CH), jnp.float32),
            jax.ShapeDtypeStruct((R, CH), jnp.float32),
            jax.ShapeDtypeStruct((R, CH), jnp.float32),
        ],
    )(S_out, S_out, h0, ws0, P, b0_row, W1, As_e, Ad_e)


def _tc_fin_body(sa_ref, sb_ref, g_ref, h_ref, ws_ref, p_ref,
                 b_ref, wf_ref, bf_ref, out_ref):
    sfull = sa_ref[...] + sb_ref[...]
    s = sfull[:, :D]
    z16 = sfull[:, D:]
    z128 = jnp.dot(z16, p_ref[...], preferred_element_type=jnp.float32)
    w128 = jnp.dot(ws_ref[...], p_ref[...], preferred_element_type=jnp.float32)
    h1 = h_ref[...]
    h2 = (s + w128 * g_ref[...]) / (z128 + w128 + 1e-16) + b_ref[...]
    jk = jnp.maximum(h1, h2)
    logits = jnp.dot(jk, wf_ref[...], preferred_element_type=jnp.float32)
    logits = logits + bf_ref[...]
    col = lax.broadcasted_iota(jnp.int32, logits.shape, 1)
    valid = col < OUT
    masked = jnp.where(valid, logits, -1e30)
    mx = jnp.max(masked, axis=1, keepdims=True)
    ex = jnp.where(valid, jnp.exp(logits - mx), 0.0)
    lse = jnp.log(jnp.sum(ex, axis=1, keepdims=True))
    res = logits - mx - lse
    out_ref[...] = res[:, :OUT]


def _tc_fin(S_out, g1, h1, ws1, P, b1_row, Wf_pad, bf_row):
    return pl.pallas_call(
        _tc_fin_body,
        grid=(NBLK,),
        in_specs=[
            pl.BlockSpec((BN, SW), lambda i: (i, 0)),
            pl.BlockSpec((BN, SW), lambda i: (i + NBLK, 0)),
            pl.BlockSpec((BN, D), lambda i: (i, 0)),
            pl.BlockSpec((BN, D), lambda i: (i, 0)),
            pl.BlockSpec((BN, CH), lambda i: (i, 0)),
            pl.BlockSpec((CH, D), lambda i: (0, 0)),
            pl.BlockSpec((1, D), lambda i: (0, 0)),
            pl.BlockSpec((D, D), lambda i: (0, 0)),
            pl.BlockSpec((1, D), lambda i: (0, 0)),
        ],
        out_specs=pl.BlockSpec((BN, OUT), lambda i: (i, 0)),
        out_shape=jax.ShapeDtypeStruct((N, OUT), jnp.float32),
    )(S_out, S_out, g1, h1, ws1, P, b1_row, Wf_pad, bf_row)



def _sc_edge_body(edg_hbm, a_hbm, d_hbm, h_hbm, zs_hbm,
                  s_out,
                  idx_v, a_v, d_v, h_v, msg_v, s_sh,
                  isem, gsem, ssem):
    c = lax.axis_index("c")
    s = lax.axis_index("s")
    wid = s * NSC + c
    r0 = s * ROWS_PER_TILE
    rows = pl.ds(r0, ROWS_PER_TILE)
    base = wid * PER_TILE

    def start_idx(j, dp):
        pltpu.async_copy(edg_hbm.at[:, pl.ds(base + j * CHUNK, CHUNK)],
                         idx_v.at[dp], isem)

    def wait_idx(dp):
        pltpu.make_async_copy(edg_hbm.at[:, pl.ds(base, CHUNK)],
                              idx_v.at[dp], isem).wait()

    def start_gathers(dp, p):
        pltpu.async_copy(a_hbm.at[idx_v.at[dp, 0]], a_v.at[p], gsem)
        pltpu.async_copy(d_hbm.at[idx_v.at[dp, 1]], d_v.at[p], gsem)
        pltpu.async_copy(h_hbm.at[idx_v.at[dp, 0]], h_v.at[p], gsem)

    def wait_gathers(dp, p):
        pltpu.make_async_copy(a_hbm.at[idx_v.at[dp, 0]], a_v.at[p], gsem).wait()
        pltpu.make_async_copy(d_hbm.at[idx_v.at[dp, 1]], d_v.at[p], gsem).wait()
        pltpu.make_async_copy(h_hbm.at[idx_v.at[dp, 0]], h_v.at[p], gsem).wait()

    zc = pltpu.async_copy(zs_hbm, s_sh.at[rows, :], isem)
    start_idx(0, 0)
    zc.wait()
    wait_idx(0)
    plsc.subcore_barrier()
    start_gathers(0, 0)
    start_idx(1, 1)

    def chunk_body(j, carry):
        p2 = lax.rem(j, 2)
        p4 = lax.rem(j, 4)
        @pl.when(j >= 2)
        def _():
            pltpu.make_async_copy(msg_v.at[p2], s_sh.at[idx_v.at[p4, 1]],
                                  ssem.at[p2]).wait()

        wait_gathers(p4, p2)

        @pl.when(j + 1 < NCHUNK)
        def _():
            wait_idx(lax.rem(j + 1, 4))
            start_gathers(lax.rem(j + 1, 4), 1 - p2)

        @pl.when(j + 2 < NCHUNK)
        def _():
            start_idx(j + 2, lax.rem(j + 2, 4))

        @plsc.parallel_loop(0, CHUNK, unroll=16)
        def row_body(i):
            e16 = a_v[p2, i, :] + d_v[p2, i, :]
            e16 = jnp.where(e16 > 0, e16, e16 * 0.2)
            w16 = jnp.exp(e16)
            msg_v[p2, i, pl.ds(D, CH)] = w16
            for hd in range(HEADS):
                ws = w16[hd]
                msg_v[p2, i, pl.ds(hd * CH, CH)] = (
                    ws * h_v[p2, i, pl.ds(hd * CH, CH)])

        pltpu.async_copy(msg_v.at[p2], s_sh.at[idx_v.at[p4, 1]], ssem.at[p2],
                         add=True)
        return carry

    lax.fori_loop(0, NCHUNK, chunk_body, 0)
    pltpu.make_async_copy(msg_v.at[0], s_sh.at[idx_v.at[0, 1]], ssem.at[0]).wait()
    pltpu.make_async_copy(msg_v.at[1], s_sh.at[idx_v.at[1, 1]], ssem.at[1]).wait()
    plsc.subcore_barrier()

    pltpu.sync_copy(s_sh.at[rows, :],
                    s_out.at[pl.ds(c * R + r0, ROWS_PER_TILE), :])


def _sc_edge_pass(edges, A, Dt, H, zeroS):
    mesh = plsc.VectorSubcoreMesh(core_axis_name="c", subcore_axis_name="s")
    fn = pl.kernel(
        _sc_edge_body,
        mesh=mesh,
        compiler_params=pltpu.CompilerParams(use_tc_tiling_on_sc=False),
        out_type=jax.ShapeDtypeStruct((NSC * R, SW), jnp.float32),
        scratch_types=[
            pltpu.VMEM((4, 2, CHUNK), jnp.int32),
            pltpu.VMEM((2, CHUNK, CH), jnp.float32),
            pltpu.VMEM((2, CHUNK, CH), jnp.float32),
            pltpu.VMEM((2, CHUNK, D), jnp.float32),
            pltpu.VMEM((2, CHUNK, SW), jnp.float32),
            pltpu.VMEM_SHARED((R, SW), jnp.float32),
            pltpu.SemaphoreType.DMA,
            pltpu.SemaphoreType.DMA,
            pltpu.SemaphoreType.DMA((2,)),
        ],
    )
    return fn(edges, A, Dt, H, zeroS)



def _expand_att(a):
    af = a.reshape(-1)
    heads = jnp.arange(D, dtype=jnp.int32) // CH
    cols = jnp.arange(CH, dtype=jnp.int32)
    m = (cols[None, :] % HEADS) == heads[:, None]
    return jnp.where(m, af[:, None], 0.0).astype(jnp.float32)


def kernel(x, edge_index, W0, a_s0, a_d0, b0, W1, a_s1, a_d1, b1, Wf, bf):
    f32 = jnp.float32
    pad_e = EPAD - edge_index.shape[1]
    pad_ids = N + (jnp.arange(pad_e, dtype=jnp.int32) % (R - N))
    edges = jnp.concatenate(
        [edge_index, jnp.tile(pad_ids, (2, 1))], axis=1)

    As0 = _expand_att(a_s0)
    Ad0 = _expand_att(a_d0)
    As1 = _expand_att(a_s1)
    Ad1 = _expand_att(a_d1)
    P = ((jnp.arange(CH)[:, None] == (jnp.arange(D)[None, :] // CH))
         .astype(f32))
    b0_row = b0.reshape(1, D).astype(f32)
    b1_row = b1.reshape(1, D).astype(f32)
    Wf_pad = jnp.zeros((D, D), f32).at[:, :OUT].set(Wf)
    bf_row = jnp.zeros((1, D), f32).at[0, :OUT].set(bf)
    zeroS = jnp.zeros((ROWS_PER_TILE, SW), f32)

    h0, a0, d0, ws0 = _tc_pre(x, W0, As0, Ad0)
    S0 = _sc_edge_pass(edges, a0, d0, h0, zeroS)
    h1, g1, a1, d1, ws1 = _tc_mid(S0, h0, ws0, P, b0_row, W1, As1, Ad1)
    S1 = _sc_edge_pass(edges, a1, d1, g1, zeroS)
    return _tc_fin(S1, g1, h1, ws1, P, b1_row, Wf_pad, bf_row)

# --- scband reference (transcript-rebuilt; emitter-appended) ---
"""Pipeline reference for scband-gatjk-24481313587665 (READ-ONLY COPY).

The authoritative reference and input builder live on the scoring server;
editing this copy changes nothing except your own understanding.
"""

import jax, jax.numpy as jnp
import numpy as np

N = 10000
E = 320000
D_IN = 128
HID = 128
HEADS = 8
CH = HID // HEADS
OUT = 40


def setup_inputs(seed: int = 0) -> dict:
    key = jax.random.key(seed)
    ks = jax.random.split(key, 12)
    x = jax.random.normal(ks[0], (N, D_IN), dtype=jnp.float32)
    edge_index = jax.random.randint(ks[1], (2, E), 0, N, dtype=jnp.int32)
    s0 = 1.0 / np.sqrt(D_IN)
    W0 = jax.random.normal(ks[2], (D_IN, HID), dtype=jnp.float32) * s0
    a_s0 = jax.random.normal(ks[3], (HEADS, CH), dtype=jnp.float32) * s0
    a_d0 = jax.random.normal(ks[4], (HEADS, CH), dtype=jnp.float32) * s0
    b0 = jnp.zeros((HID,), dtype=jnp.float32)
    s1 = 1.0 / np.sqrt(HID)
    W1 = jax.random.normal(ks[5], (HID, HID), dtype=jnp.float32) * s1
    a_s1 = jax.random.normal(ks[6], (HEADS, CH), dtype=jnp.float32) * s1
    a_d1 = jax.random.normal(ks[7], (HEADS, CH), dtype=jnp.float32) * s1
    b1 = jnp.zeros((HID,), dtype=jnp.float32)
    Wf = jax.random.normal(ks[8], (HID, OUT), dtype=jnp.float32) * s1
    bf = jnp.zeros((OUT,), dtype=jnp.float32)
    return {"x": x, "edge_index": edge_index, "W0": W0, "a_s0": a_s0, "a_d0": a_d0, "b0": b0,
            "W1": W1, "a_s1": a_s1, "a_d1": a_d1, "b1": b1, "Wf": Wf, "bf": bf}


def _gat_conv(x, src, dst, W, a_s, a_d, b):
    # PyG GATConv (concat=True, add_self_loops=True, eval mode -> dropout identity)
    n = x.shape[0]
    h = (x @ W).reshape(n, HEADS, CH)
    loop = jnp.arange(n, dtype=src.dtype)
    src = jnp.concatenate([src, loop])
    dst = jnp.concatenate([dst, loop])
    alpha_s = (h * a_s[None, :, :]).sum(-1)  # [n, H]
    alpha_d = (h * a_d[None, :, :]).sum(-1)
    e = alpha_s[src] + alpha_d[dst]          # [E+n, H]
    e = jax.nn.leaky_relu(e, negative_slope=0.2)
    m = jax.ops.segment_max(e, dst, num_segments=n)
    e = jnp.exp(e - jax.lax.stop_gradient(m)[dst])
    z = jax.ops.segment_sum(e, dst, num_segments=n)
    alpha = e / (z[dst] + 1e-16)
    msg = h[src] * alpha[:, :, None]
    out = jax.ops.segment_sum(msg, dst, num_segments=n)
    return out.reshape(n, HEADS * CH) + b


def reference(x, edge_index, W0, a_s0, a_d0, b0, W1, a_s1, a_d1, b1, Wf, bf):
    src, dst = edge_index[0], edge_index[1]
    h1 = jax.nn.elu(_gat_conv(x, src, dst, W0, a_s0, a_d0, b0))
    h2 = _gat_conv(h1, src, dst, W1, a_s1, a_d1, b1)
    jk = jnp.maximum(h1, h2)  # JumpingKnowledge 'max'
    logits = jk @ Wf + bf
    return jax.nn.log_softmax(logits, axis=1)

if __name__ == "__main__":
    import jax
    _d = setup_inputs()
    print(jax.jit(kernel)(*tuple(_d.values())))

</pallas_src>

<mosaic_0001>
#map = affine_map<(d0, d1) -> (0, 0)>
module attributes {stable_mosaic.version = 14 : i64} {
  func.func @_sc_edge_body(%arg0: i32, %arg1: i32, %arg2: memref<2x323584xi32, #tpu.memory_space<hbm>>, %arg3: memref<10112x16xf32, #tpu.memory_space<hbm>>, %arg4: memref<10112x16xf32, #tpu.memory_space<hbm>>, %arg5: memref<10112x128xf32, #tpu.memory_space<hbm>>, %arg6: memref<632x144xf32, #tpu.memory_space<hbm>>, %arg7: memref<20224x144xf32, #tpu.memory_space<hbm>>, %arg8: memref<4x2x64xi32, #tpu.memory_space<vmem>>, %arg9: memref<2x64x16xf32, #tpu.memory_space<vmem>>, %arg10: memref<2x64x16xf32, #tpu.memory_space<vmem>>, %arg11: memref<2x64x128xf32, #tpu.memory_space<vmem>>, %arg12: memref<2x64x144xf32, #tpu.memory_space<vmem>>, %arg13: memref<10112x144xf32, #tpu.memory_space<vmem_shared>>, %arg14: memref<!tpu.dma_semaphore, #tpu.memory_space<semaphore_mem>>, %arg15: memref<!tpu.dma_semaphore, #tpu.memory_space<semaphore_mem>>, %arg16: memref<2x!tpu.dma_semaphore, #tpu.memory_space<semaphore_mem>>) attributes {dimension_semantics = [#tpu.dimension_semantics<core_parallel>, #tpu.dimension_semantics<subcore_parallel>], iteration_bounds = array<i64: 2, 16>, scalar_prefetch = 0 : i64, scratch_operands = 9 : i64, tpu.core_type = #tpu.core_type<sc_vector_subcore>, window_params = [{transform_indices = #map}, {transform_indices = #map}, {transform_indices = #map}, {transform_indices = #map}, {transform_indices = #map}, {transform_indices = #map}]} {
    %mul3A = arith.constant 2 : i32
    %mul3A_0 = arith.muli %arg1, %mul3A : i32
    %add3A = arith.addi %mul3A_0, %arg0 : i32
    %mul3A_1 = arith.constant 632 : i32
    %mul3A_2 = arith.muli %arg1, %mul3A_1 : i32
    %mul3A_3 = arith.constant 10112 : i32
    %mul3A_4 = arith.muli %add3A, %mul3A_3 : i32
    %dma_start3A = arith.constant 0 : i32
    %dma_start3A_5 = tpu.memref_slice %arg13[%mul3A_2, %dma_start3A] : memref<10112x144xf32, #tpu.memory_space<vmem_shared>> -> memref<632x144xf32, #tpu.memory_space<vmem_shared>>
    tpu.enqueue_dma source(%arg6 : memref<632x144xf32, #tpu.memory_space<hbm>>) target(%dma_start3A_5 : memref<632x144xf32, #tpu.memory_space<vmem_shared>>) target_semaphore(%arg14 : memref<!tpu.dma_semaphore, #tpu.memory_space<semaphore_mem>>)
    %add3A_6 = arith.constant 0 : i32
    %add3A_7 = arith.addi %mul3A_4, %add3A_6 : i32
    %dma_start3A_8 = arith.constant 0 : i32
    %dma_start3A_9 = arith.constant 0 : i32
    %dma_start3A_10 = arith.constant 0 : i32
    %dma_start3A_11 = tpu.memref_slice %arg8[%dma_start3A_8, %dma_start3A_9, %dma_start3A_10] : memref<4x2x64xi32, #tpu.memory_space<vmem>> -> memref<1x2x64xi32, #tpu.memory_space<vmem>>
    %dma_start3A_12 = tpu.memref_squeeze %dma_start3A_11 : memref<1x2x64xi32, #tpu.memory_space<vmem>> -> memref<2x64xi32, #tpu.memory_space<vmem>>
    %dma_start3A_13 = arith.constant 0 : i32
    %dma_start3A_14 = tpu.memref_slice %arg2[%dma_start3A_13, %add3A_7] : memref<2x323584xi32, #tpu.memory_space<hbm>> -> memref<2x64xi32, #tpu.memory_space<hbm>>
    %dma_start3A_15 = arith.constant 0 : i32
    %dma_start3A_16 = arith.constant 0 : i32
    %dma_start3A_17 = tpu.memref_slice %arg8[%dma_start3A_8, %dma_start3A_15, %dma_start3A_16] : memref<4x2x64xi32, #tpu.memory_space<vmem>> -> memref<1x2x64xi32, #tpu.memory_space<vmem>>
    %dma_start3A_18 = tpu.memref_squeeze %dma_start3A_17 : memref<1x2x64xi32, #tpu.memory_space<vmem>> -> memref<2x64xi32, #tpu.memory_space<vmem>>
    %dma_start3A_19 = arith.constant 0 : i32
    %dma_start3A_20 = tpu.memref_slice %arg2[%dma_start3A_19, %add3A_7] : memref<2x323584xi32, #tpu.memory_space<hbm>> -> memref<2x64xi32, #tpu.memory_space<hbm>>
    tpu.enqueue_dma source(%dma_start3A_20 : memref<2x64xi32, #tpu.memory_space<hbm>>) target(%dma_start3A_18 : memref<2x64xi32, #tpu.memory_space<vmem>>) target_semaphore(%arg14 : memref<!tpu.dma_semaphore, #tpu.memory_space<semaphore_mem>>)
    %dma_wait3A = arith.constant 0 : i32
    %dma_wait3A_21 = tpu.memref_slice %arg13[%mul3A_2, %dma_wait3A] : memref<10112x144xf32, #tpu.memory_space<vmem_shared>> -> memref<632x144xf32, #tpu.memory_space<vmem_shared>>
    tpu.wait_dma2 semaphore(%arg14 : memref<!tpu.dma_semaphore, #tpu.memory_space<semaphore_mem>>) src(%arg6 : memref<632x144xf32, #tpu.memory_space<hbm>>) dst(%dma_wait3A_21 : memref<632x144xf32, #tpu.memory_space<vmem_shared>>)
    %dma_wait3A_22 = arith.constant 0 : i32
    %dma_wait3A_23 = arith.constant 0 : i32
    %dma_wait3A_24 = arith.constant 0 : i32
    %dma_wait3A_25 = tpu.memref_slice %arg8[%dma_wait3A_22, %dma_wait3A_23, %dma_wait3A_24] : memref<4x2x64xi32, #tpu.memory_space<vmem>> -> memref<1x2x64xi32, #tpu.memory_space<vmem>>
    %dma_wait3A_26 = tpu.memref_squeeze %dma_wait3A_25 : memref<1x2x64xi32, #tpu.memory_space<vmem>> -> memref<2x64xi32, #tpu.memory_space<vmem>>
    %dma_wait3A_27 = arith.constant 0 : i32
    %dma_wait3A_28 = tpu.memref_slice %arg2[%dma_wait3A_27, %mul3A_4] : memref<2x323584xi32, #tpu.memory_space<hbm>> -> memref<2x64xi32, #tpu.memory_space<hbm>>
    %dma_wait3A_29 = arith.constant 0 : i32
    %dma_wait3A_30 = arith.constant 0 : i32
    %dma_wait3A_31 = tpu.memref_slice %arg8[%dma_wait3A_22, %dma_wait3A_29, %dma_wait3A_30] : memref<4x2x64xi32, #tpu.memory_space<vmem>> -> memref<1x2x64xi32, #tpu.memory_space<vmem>>
    %dma_wait3A_32 = tpu.memref_squeeze %dma_wait3A_31 : memref<1x2x64xi32, #tpu.memory_space<vmem>> -> memref<2x64xi32, #tpu.memory_space<vmem>>
    %dma_wait3A_33 = arith.constant 0 : i32
    %dma_wait3A_34 = tpu.memref_slice %arg2[%dma_wait3A_33, %mul3A_4] : memref<2x323584xi32, #tpu.memory_space<hbm>> -> memref<2x64xi32, #tpu.memory_space<hbm>>
    tpu.wait_dma2 semaphore(%arg14 : memref<!tpu.dma_semaphore, #tpu.memory_space<semaphore_mem>>) src(%dma_wait3A_34 : memref<2x64xi32, #tpu.memory_space<hbm>>) dst(%dma_wait3A_32 : memref<2x64xi32, #tpu.memory_space<vmem>>)
    %barrier3A = arith.constant 0 : index
    tpu.barrier barrier_id(%barrier3A)
    %dma_start3A_35 = arith.constant 0 : i32
    %dma_start3A_36 = arith.constant 0 : i32
    %dma_start3A_37 = arith.constant 0 : i32
    %dma_start3A_38 = arith.constant 0 : i32
    %dma_start3A_39 = arith.constant 0 : i32
    %dma_start3A_40 = tpu.memref_slice %arg9[%dma_start3A_37, %dma_start3A_38, %dma_start3A_39] : memref<2x64x16xf32, #tpu.memory_space<vmem>> -> memref<1x64x16xf32, #tpu.memory_space<vmem>>
    %dma_start3A_41 = tpu.memref_squeeze %dma_start3A_40 : memref<1x64x16xf32, #tpu.memory_space<vmem>> -> memref<64x16xf32, #tpu.memory_space<vmem>>
    %dma_start3A_42 = arith.constant 0 : i32
    %dma_start3A_43 = tpu.memref_slice %arg8[%dma_start3A_35, %dma_start3A_36, %dma_start3A_42] : memref<4x2x64xi32, #tpu.memory_space<vmem>> -> memref<1x1x64xi32, #tpu.memory_space<vmem>>
    %dma_start3A_44 = tpu.memref_squeeze %dma_start3A_43 : memref<1x1x64xi32, #tpu.memory_space<vmem>> -> memref<64xi32, #tpu.memory_space<vmem>>
    %dma_start3A_45 = arith.constant 0 : i32
    %dma_start3A_46 = arith.constant 0 : i32
    %dma_start3A_47 = tpu.memref_slice %arg3[%dma_start3A_45, %dma_start3A_46] : memref<10112x16xf32, #tpu.memory_space<hbm>> -> memref<10112x16xf32, #tpu.memory_space<hbm>>
    tpu.enqueue_indirect_dma source(%dma_start3A_47 : memref<10112x16xf32, #tpu.memory_space<hbm>>) target(%dma_start3A_41 : memref<64x16xf32, #tpu.memory_space<vmem>>) offsets(%dma_start3A_44 : memref<64xi32, #tpu.memory_space<vmem>>) semaphore(%arg15 : memref<!tpu.dma_semaphore, #tpu.memory_space<semaphore_mem>>)
    %dma_start3A_48 = arith.constant 0 : i32
    %dma_start3A_49 = arith.constant 1 : i32
    %dma_start3A_50 = arith.constant 0 : i32
    %dma_start3A_51 = arith.constant 0 : i32
    %dma_start3A_52 = arith.constant 0 : i32
    %dma_start3A_53 = tpu.memref_slice %arg10[%dma_start3A_50, %dma_start3A_51, %dma_start3A_52] : memref<2x64x16xf32, #tpu.memory_space<vmem>> -> memref<1x64x16xf32, #tpu.memory_space<vmem>>
    %dma_start3A_54 = tpu.memref_squeeze %dma_start3A_53 : memref<1x64x16xf32, #tpu.memory_space<vmem>> -> memref<64x16xf32, #tpu.memory_space<vmem>>
    %dma_start3A_55 = arith.constant 0 : i32
    %dma_start3A_56 = tpu.memref_slice %arg8[%dma_start3A_48, %dma_start3A_49, %dma_start3A_55] : memref<4x2x64xi32, #tpu.memory_space<vmem>> -> memref<1x1x64xi32, #tpu.memory_space<vmem>>
    %dma_start3A_57 = tpu.memref_squeeze %dma_start3A_56 : memref<1x1x64xi32, #tpu.memory_space<vmem>> -> memref<64xi32, #tpu.memory_space<vmem>>
    %dma_start3A_58 = arith.constant 0 : i32
    %dma_start3A_59 = arith.constant 0 : i32
    %dma_start3A_60 = tpu.memref_slice %arg4[%dma_start3A_58, %dma_start3A_59] : memref<10112x16xf32, #tpu.memory_space<hbm>> -> memref<10112x16xf32, #tpu.memory_space<hbm>>
    tpu.enqueue_indirect_dma source(%dma_start3A_60 : memref<10112x16xf32, #tpu.memory_space<hbm>>) target(%dma_start3A_54 : memref<64x16xf32, #tpu.memory_space<vmem>>) offsets(%dma_start3A_57 : memref<64xi32, #tpu.memory_space<vmem>>) semaphore(%arg15 : memref<!tpu.dma_semaphore, #tpu.memory_space<semaphore_mem>>)
    %dma_start3A_61 = arith.constant 0 : i32
    %dma_start3A_62 = arith.constant 0 : i32
    %dma_start3A_63 = arith.constant 0 : i32
    %dma_start3A_64 = arith.constant 0 : i32
    %dma_start3A_65 = arith.constant 0 : i32
    %dma_start3A_66 = tpu.memref_slice %arg11[%dma_start3A_63, %dma_start3A_64, %dma_start3A_65] : memref<2x64x128xf32, #tpu.memory_space<vmem>> -> memref<1x64x128xf32, #tpu.memory_space<vmem>>
    %dma_start3A_67 = tpu.memref_squeeze %dma_start3A_66 : memref<1x64x128xf32, #tpu.memory_space<vmem>> -> memref<64x128xf32, #tpu.memory_space<vmem>>
    %dma_start3A_68 = arith.constant 0 : i32
    %dma_start3A_69 = tpu.memref_slice %arg8[%dma_start3A_61, %dma_start3A_62, %dma_start3A_68] : memref<4x2x64xi32, #tpu.memory_space<vmem>> -> memref<1x1x64xi32, #tpu.memory_space<vmem>>
    %dma_start3A_70 = tpu.memref_squeeze %dma_start3A_69 : memref<1x1x64xi32, #tpu.memory_space<vmem>> -> memref<64xi32, #tpu.memory_space<vmem>>
    %dma_start3A_71 = arith.constant 0 : i32
    %dma_start3A_72 = arith.constant 0 : i32
    %dma_start3A_73 = tpu.memref_slice %arg5[%dma_start3A_71, %dma_start3A_72] : memref<10112x128xf32, #tpu.memory_space<hbm>> -> memref<10112x128xf32, #tpu.memory_space<hbm>>
    tpu.enqueue_indirect_dma source(%dma_start3A_73 : memref<10112x128xf32, #tpu.memory_space<hbm>>) target(%dma_start3A_67 : memref<64x128xf32, #tpu.memory_space<vmem>>) offsets(%dma_start3A_70 : memref<64xi32, #tpu.memory_space<vmem>>) semaphore(%arg15 : memref<!tpu.dma_semaphore, #tpu.memory_space<semaphore_mem>>)
    %add3A_74 = arith.constant 64 : i32
    %add3A_75 = arith.addi %mul3A_4, %add3A_74 : i32
    %dma_start3A_76 = arith.constant 1 : i32
    %dma_start3A_77 = arith.constant 0 : i32
    %dma_start3A_78 = arith.constant 0 : i32
    %dma_start3A_79 = tpu.memref_slice %arg8[%dma_start3A_76, %dma_start3A_77, %dma_start3A_78] : memref<4x2x64xi32, #tpu.memory_space<vmem>> -> memref<1x2x64xi32, #tpu.memory_space<vmem>>
    %dma_start3A_80 = tpu.memref_squeeze %dma_start3A_79 : memref<1x2x64xi32, #tpu.memory_space<vmem>> -> memref<2x64xi32, #tpu.memory_space<vmem>>
    %dma_start3A_81 = arith.constant 0 : i32
    %dma_start3A_82 = tpu.memref_slice %arg2[%dma_start3A_81, %add3A_75] : memref<2x323584xi32, #tpu.memory_space<hbm>> -> memref<2x64xi32, #tpu.memory_space<hbm>>
    %dma_start3A_83 = arith.constant 0 : i32
    %dma_start3A_84 = arith.constant 0 : i32
    %dma_start3A_85 = tpu.memref_slice %arg8[%dma_start3A_76, %dma_start3A_83, %dma_start3A_84] : memref<4x2x64xi32, #tpu.memory_space<vmem>> -> memref<1x2x64xi32, #tpu.memory_space<vmem>>
    %dma_start3A_86 = tpu.memref_squeeze %dma_start3A_85 : memref<1x2x64xi32, #tpu.memory_space<vmem>> -> memref<2x64xi32, #tpu.memory_space<vmem>>
    %dma_start3A_87 = arith.constant 0 : i32
    %dma_start3A_88 = tpu.memref_slice %arg2[%dma_start3A_87, %add3A_75] : memref<2x323584xi32, #tpu.memory_space<hbm>> -> memref<2x64xi32, #tpu.memory_space<hbm>>
    tpu.enqueue_dma source(%dma_start3A_88 : memref<2x64xi32, #tpu.memory_space<hbm>>) target(%dma_start3A_86 : memref<2x64xi32, #tpu.memory_space<vmem>>) target_semaphore(%arg14 : memref<!tpu.dma_semaphore, #tpu.memory_space<semaphore_mem>>)
    %scan3A = arith.constant 0 : i32
    %scan3A_89 = arith.constant 0 : i32
    %scan3A_90 = arith.constant 158 : i32
    %scan3A_91 = arith.addi %scan3A_89, %scan3A_90 : i32
    %scan3A_92 = arith.constant 1 : i32
    scf.for %scan3A_130 = %scan3A_89 to %scan3A_91 step %scan3A_92  : i32 {
      %rem3A = arith.constant 2 : i32
      %rem3A_131 = arith.remsi %scan3A_130, %rem3A : i32
      %rem3A_132 = arith.constant 4 : i32
      %rem3A_133 = arith.remsi %scan3A_130, %rem3A_132 : i32
      %ge3A = arith.constant 2 : i32
      %ge3A_134 = arith.cmpi sge, %scan3A_130, %ge3A : i32
      %convert_element_type3A = arith.extui %ge3A_134 : i1 to i32
      %cond3A = arith.constant 0 : i32
      %cond3A_135 = arith.cmpi ne, %convert_element_type3A, %cond3A : i32
      scf.if %cond3A_135 {
        %dma_wait3A_197 = arith.constant 1 : i32
        %dma_wait3A_198 = arith.constant 0 : i32
        %dma_wait3A_199 = arith.constant 0 : i32
        %dma_wait3A_200 = tpu.memref_slice %arg12[%rem3A_131, %dma_wait3A_198, %dma_wait3A_199] : memref<2x64x144xf32, #tpu.memory_space<vmem>> -> memref<1x64x144xf32, #tpu.memory_space<vmem>>
        %dma_wait3A_201 = tpu.memref_squeeze %dma_wait3A_200 : memref<1x64x144xf32, #tpu.memory_space<vmem>> -> memref<64x144xf32, #tpu.memory_space<vmem>>
        %dma_wait3A_202 = arith.constant 0 : i32
        %dma_wait3A_203 = tpu.memref_slice %arg8[%rem3A_133, %dma_wait3A_197, %dma_wait3A_202] : memref<4x2x64xi32, #tpu.memory_space<vmem>> -> memref<1x1x64xi32, #tpu.memory_space<vmem>>
        %dma_wait3A_204 = tpu.memref_squeeze %dma_wait3A_203 : memref<1x1x64xi32, #tpu.memory_space<vmem>> -> memref<64xi32, #tpu.memory_space<vmem>>
        %dma_wait3A_205 = arith.constant 0 : i32
        %dma_wait3A_206 = arith.constant 0 : i32
        %dma_wait3A_207 = tpu.memref_slice %arg13[%dma_wait3A_205, %dma_wait3A_206] : memref<10112x144xf32, #tpu.memory_space<vmem_shared>> -> memref<10112x144xf32, #tpu.memory_space<vmem_shared>>
        %dma_wait3A_208 = tpu.memref_slice %arg16[%rem3A_131] : memref<2x!tpu.dma_semaphore, #tpu.memory_space<semaphore_mem>> -> memref<1x!tpu.dma_semaphore, #tpu.memory_space<semaphore_mem>>
        %dma_wait3A_209 = tpu.memref_squeeze %dma_wait3A_208 : memref<1x!tpu.dma_semaphore, #tpu.memory_space<semaphore_mem>> -> memref<!tpu.dma_semaphore, #tpu.memory_space<semaphore_mem>>
        tpu.wait_indirect_dma semaphore(%dma_wait3A_209 : memref<!tpu.dma_semaphore, #tpu.memory_space<semaphore_mem>>) src(%dma_wait3A_201 : memref<64x144xf32, #tpu.memory_space<vmem>>) dst(%dma_wait3A_207 : memref<10112x144xf32, #tpu.memory_space<vmem_shared>>)
      } else {
      }
      %dma_wait3A_136 = arith.constant 0 : i32
      %dma_wait3A_137 = arith.constant 0 : i32
      %dma_wait3A_138 = arith.constant 0 : i32
      %dma_wait3A_139 = tpu.memref_slice %arg9[%rem3A_131, %dma_wait3A_137, %dma_wait3A_138] : memref<2x64x16xf32, #tpu.memory_space<vmem>> -> memref<1x64x16xf32, #tpu.memory_space<vmem>>
      %dma_wait3A_140 = tpu.memref_squeeze %dma_wait3A_139 : memref<1x64x16xf32, #tpu.memory_space<vmem>> -> memref<64x16xf32, #tpu.memory_space<vmem>>
      %dma_wait3A_141 = arith.constant 0 : i32
      %dma_wait3A_142 = tpu.memref_slice %arg8[%rem3A_133, %dma_wait3A_136, %dma_wait3A_141] : memref<4x2x64xi32, #tpu.memory_space<vmem>> -> memref<1x1x64xi32, #tpu.memory_space<vmem>>
      %dma_wait3A_143 = tpu.memref_squeeze %dma_wait3A_142 : memref<1x1x64xi32, #tpu.memory_space<vmem>> -> memref<64xi32, #tpu.memory_space<vmem>>
      %dma_wait3A_144 = arith.constant 0 : i32
      %dma_wait3A_145 = arith.constant 0 : i32
      %dma_wait3A_146 = tpu.memref_slice %arg3[%dma_wait3A_144, %dma_wait3A_145] : memref<10112x16xf32, #tpu.memory_space<hbm>> -> memref<10112x16xf32, #tpu.memory_space<hbm>>
      tpu.wait_indirect_dma semaphore(%arg15 : memref<!tpu.dma_semaphore, #tpu.memory_space<semaphore_mem>>) src(%dma_wait3A_146 : memref<10112x16xf32, #tpu.memory_space<hbm>>) dst(%dma_wait3A_140 : memref<64x16xf32, #tpu.memory_space<vmem>>)
      %dma_wait3A_147 = arith.constant 1 : i32
      %dma_wait3A_148 = arith.constant 0 : i32
      %dma_wait3A_149 = arith.constant 0 : i32
      %dma_wait3A_150 = tpu.memref_slice %arg10[%rem3A_131, %dma_wait3A_148, %dma_wait3A_149] : memref<2x64x16xf32, #tpu.memory_space<vmem>> -> memref<1x64x16xf32, #tpu.memory_space<vmem>>
      %dma_wait3A_151 = tpu.memref_squeeze %dma_wait3A_150 : memref<1x64x16xf32, #tpu.memory_space<vmem>> -> memref<64x16xf32, #tpu.memory_space<vmem>>
      %dma_wait3A_152 = arith.constant 0 : i32
      %dma_wait3A_153 = tpu.memref_slice %arg8[%rem3A_133, %dma_wait3A_147, %dma_wait3A_152] : memref<4x2x64xi32, #tpu.memory_space<vmem>> -> memref<1x1x64xi32, #tpu.memory_space<vmem>>
      %dma_wait3A_154 = tpu.memref_squeeze %dma_wait3A_153 : memref<1x1x64xi32, #tpu.memory_space<vmem>> -> memref<64xi32, #tpu.memory_space<vmem>>
      %dma_wait3A_155 = arith.constant 0 : i32
      %dma_wait3A_156 = arith.constant 0 : i32
      %dma_wait3A_157 = tpu.memref_slice %arg4[%dma_wait3A_155, %dma_wait3A_156] : memref<10112x16xf32, #tpu.memory_space<hbm>> -> memref<10112x16xf32, #tpu.memory_space<hbm>>
      tpu.wait_indirect_dma semaphore(%arg15 : memref<!tpu.dma_semaphore, #tpu.memory_space<semaphore_mem>>) src(%dma_wait3A_157 : memref<10112x16xf32, #tpu.memory_space<hbm>>) dst(%dma_wait3A_151 : memref<64x16xf32, #tpu.memory_space<vmem>>)
      %dma_wait3A_158 = arith.constant 0 : i32
      %dma_wait3A_159 = arith.constant 0 : i32
      %dma_wait3A_160 = arith.constant 0 : i32
      %dma_wait3A_161 = tpu.memref_slice %arg11[%rem3A_131, %dma_wait3A_159, %dma_wait3A_160] : memref<2x64x128xf32, #tpu.memory_space<vmem>> -> memref<1x64x128xf32, #tpu.memory_space<vmem>>
      %dma_wait3A_162 = tpu.memref_squeeze %dma_wait3A_161 : memref<1x64x128xf32, #tpu.memory_space<vmem>> -> memref<64x128xf32, #tpu.memory_space<vmem>>
      %dma_wait3A_163 = arith.constant 0 : i32
      %dma_wait3A_164 = tpu.memref_slice %arg8[%rem3A_133, %dma_wait3A_158, %dma_wait3A_163] : memref<4x2x64xi32, #tpu.memory_space<vmem>> -> memref<1x1x64xi32, #tpu.memory_space<vmem>>
      %dma_wait3A_165 = tpu.memref_squeeze %dma_wait3A_164 : memref<1x1x64xi32, #tpu.memory_space<vmem>> -> memref<64xi32, #tpu.memory_space<vmem>>
      %dma_wait3A_166 = arith.constant 0 : i32
      %dma_wait3A_167 = arith.constant 0 : i32
      %dma_wait3A_168 = tpu.memref_slice %arg5[%dma_wait3A_166, %dma_wait3A_167] : memref<10112x128xf32, #tpu.memory_space<hbm>> -> memref<10112x128xf32, #tpu.memory_space<hbm>>
      tpu.wait_indirect_dma semaphore(%arg15 : memref<!tpu.dma_semaphore, #tpu.memory_space<semaphore_mem>>) src(%dma_wait3A_168 : memref<10112x128xf32, #tpu.memory_space<hbm>>) dst(%dma_wait3A_162 : memref<64x128xf32, #tpu.memory_space<vmem>>)
      %add3A_169 = arith.constant 1 : i32
      %add3A_170 = arith.addi %scan3A_130, %add3A_169 : i32
      %lt3A = arith.constant 158 : i32
      %lt3A_171 = arith.cmpi slt, %add3A_170, %lt3A : i32
      %convert_element_type3A_172 = arith.extui %lt3A_171 : i1 to i32
      %cond3A_173 = arith.constant 0 : i32
      %cond3A_174 = arith.cmpi ne, %convert_element_type3A_172, %cond3A_173 : i32
      scf.if %cond3A_174 {
        %add3A_197 = arith.constant 1 : i32
        %add3A_198 = arith.addi %scan3A_130, %add3A_197 : i32
        %rem3A_199 = arith.constant 4 : i32
        %rem3A_200 = arith.remsi %add3A_198, %rem3A_199 : i32
        %dma_wait3A_201 = arith.constant 0 : i32
        %dma_wait3A_202 = arith.constant 0 : i32
        %dma_wait3A_203 = tpu.memref_slice %arg8[%rem3A_200, %dma_wait3A_201, %dma_wait3A_202] : memref<4x2x64xi32, #tpu.memory_space<vmem>> -> memref<1x2x64xi32, #tpu.memory_space<vmem>>
        %dma_wait3A_204 = tpu.memref_squeeze %dma_wait3A_203 : memref<1x2x64xi32, #tpu.memory_space<vmem>> -> memref<2x64xi32, #tpu.memory_space<vmem>>
        %dma_wait3A_205 = arith.constant 0 : i32
        %dma_wait3A_206 = tpu.memref_slice %arg2[%dma_wait3A_205, %mul3A_4] : memref<2x323584xi32, #tpu.memory_space<hbm>> -> memref<2x64xi32, #tpu.memory_space<hbm>>
        %dma_wait3A_207 = arith.constant 0 : i32
        %dma_wait3A_208 = arith.constant 0 : i32
        %dma_wait3A_209 = tpu.memref_slice %arg8[%rem3A_200, %dma_wait3A_207, %dma_wait3A_208] : memref<4x2x64xi32, #tpu.memory_space<vmem>> -> memref<1x2x64xi32, #tpu.memory_space<vmem>>
        %dma_wait3A_210 = tpu.memref_squeeze %dma_wait3A_209 : memref<1x2x64xi32, #tpu.memory_space<vmem>> -> memref<2x64xi32, #tpu.memory_space<vmem>>
        %dma_wait3A_211 = arith.constant 0 : i32
        %dma_wait3A_212 = tpu.memref_slice %arg2[%dma_wait3A_211, %mul3A_4] : memref<2x323584xi32, #tpu.memory_space<hbm>> -> memref<2x64xi32, #tpu.memory_space<hbm>>
        tpu.wait_dma2 semaphore(%arg14 : memref<!tpu.dma_semaphore, #tpu.memory_space<semaphore_mem>>) src(%dma_wait3A_212 : memref<2x64xi32, #tpu.memory_space<hbm>>) dst(%dma_wait3A_210 : memref<2x64xi32, #tpu.memory_space<vmem>>)
        %add3A_213 = arith.constant 1 : i32
        %add3A_214 = arith.addi %scan3A_130, %add3A_213 : i32
        %rem3A_215 = arith.constant 4 : i32
        %rem3A_216 = arith.remsi %add3A_214, %rem3A_215 : i32
        %sub3A = arith.constant 1 : i32
        %sub3A_217 = arith.subi %sub3A, %rem3A_131 : i32
        %dma_start3A_218 = arith.constant 0 : i32
        %dma_start3A_219 = arith.constant 0 : i32
        %dma_start3A_220 = arith.constant 0 : i32
        %dma_start3A_221 = tpu.memref_slice %arg9[%sub3A_217, %dma_start3A_219, %dma_start3A_220] : memref<2x64x16xf32, #tpu.memory_space<vmem>> -> memref<1x64x16xf32, #tpu.memory_space<vmem>>
        %dma_start3A_222 = tpu.memref_squeeze %dma_start3A_221 : memref<1x64x16xf32, #tpu.memory_space<vmem>> -> memref<64x16xf32, #tpu.memory_space<vmem>>
        %dma_start3A_223 = arith.constant 0 : i32
        %dma_start3A_224 = tpu.memref_slice %arg8[%rem3A_216, %dma_start3A_218, %dma_start3A_223] : memref<4x2x64xi32, #tpu.memory_space<vmem>> -> memref<1x1x64xi32, #tpu.memory_space<vmem>>
        %dma_start3A_225 = tpu.memref_squeeze %dma_start3A_224 : memref<1x1x64xi32, #tpu.memory_space<vmem>> -> memref<64xi32, #tpu.memory_space<vmem>>
        %dma_start3A_226 = arith.constant 0 : i32
        %dma_start3A_227 = arith.constant 0 : i32
        %dma_start3A_228 = tpu.memref_slice %arg3[%dma_start3A_226, %dma_start3A_227] : memref<10112x16xf32, #tpu.memory_space<hbm>> -> memref<10112x16xf32, #tpu.memory_space<hbm>>
        tpu.enqueue_indirect_dma source(%dma_start3A_228 : memref<10112x16xf32, #tpu.memory_space<hbm>>) target(%dma_start3A_222 : memref<64x16xf32, #tpu.memory_space<vmem>>) offsets(%dma_start3A_225 : memref<64xi32, #tpu.memory_space<vmem>>) semaphore(%arg15 : memref<!tpu.dma_semaphore, #tpu.memory_space<semaphore_mem>>)
        %dma_start3A_229 = arith.constant 1 : i32
        %dma_start3A_230 = arith.constant 0 : i32
        %dma_start3A_231 = arith.constant 0 : i32
        %dma_start3A_232 = tpu.memref_slice %arg10[%sub3A_217, %dma_start3A_230, %dma_start3A_231] : memref<2x64x16xf32, #tpu.memory_space<vmem>> -> memref<1x64x16xf32, #tpu.memory_space<vmem>>
        %dma_start3A_233 = tpu.memref_squeeze %dma_start3A_232 : memref<1x64x16xf32, #tpu.memory_space<vmem>> -> memref<64x16xf32, #tpu.memory_space<vmem>>
        %dma_start3A_234 = arith.constant 0 : i32
        %dma_start3A_235 = tpu.memref_slice %arg8[%rem3A_216, %dma_start3A_229, %dma_start3A_234] : memref<4x2x64xi32, #tpu.memory_space<vmem>> -> memref<1x1x64xi32, #tpu.memory_space<vmem>>
        %dma_start3A_236 = tpu.memref_squeeze %dma_start3A_235 : memref<1x1x64xi32, #tpu.memory_space<vmem>> -> memref<64xi32, #tpu.memory_space<vmem>>
        %dma_start3A_237 = arith.constant 0 : i32
        %dma_start3A_238 = arith.constant 0 : i32
        %dma_start3A_239 = tpu.memref_slice %arg4[%dma_start3A_237, %dma_start3A_238] : memref<10112x16xf32, #tpu.memory_space<hbm>> -> memref<10112x16xf32, #tpu.memory_space<hbm>>
        tpu.enqueue_indirect_dma source(%dma_start3A_239 : memref<10112x16xf32, #tpu.memory_space<hbm>>) target(%dma_start3A_233 : memref<64x16xf32, #tpu.memory_space<vmem>>) offsets(%dma_start3A_236 : memref<64xi32, #tpu.memory_space<vmem>>) semaphore(%arg15 : memref<!tpu.dma_semaphore, #tpu.memory_space<semaphore_mem>>)
        %dma_start3A_240 = arith.constant 0 : i32
        %dma_start3A_241 = arith.constant 0 : i32
        %dma_start3A_242 = arith.constant 0 : i32
        %dma_start3A_243 = tpu.memref_slice %arg11[%sub3A_217, %dma_start3A_241, %dma_start3A_242] : memref<2x64x128xf32, #tpu.memory_space<vmem>> -> memref<1x64x128xf32, #tpu.memory_space<vmem>>
        %dma_start3A_244 = tpu.memref_squeeze %dma_start3A_243 : memref<1x64x128xf32, #tpu.memory_space<vmem>> -> memref<64x128xf32, #tpu.memory_space<vmem>>
        %dma_start3A_245 = arith.constant 0 : i32
        %dma_start3A_246 = tpu.memref_slice %arg8[%rem3A_216, %dma_start3A_240, %dma_start3A_245] : memref<4x2x64xi32, #tpu.memory_space<vmem>> -> memref<1x1x64xi32, #tpu.memory_space<vmem>>
        %dma_start3A_247 = tpu.memref_squeeze %dma_start3A_246 : memref<1x1x64xi32, #tpu.memory_space<vmem>> -> memref<64xi32, #tpu.memory_space<vmem>>
        %dma_start3A_248 = arith.constant 0 : i32
        %dma_start3A_249 = arith.constant 0 : i32
        %dma_start3A_250 = tpu.memref_slice %arg5[%dma_start3A_248, %dma_start3A_249] : memref<10112x128xf32, #tpu.memory_space<hbm>> -> memref<10112x128xf32, #tpu.memory_space<hbm>>
        tpu.enqueue_indirect_dma source(%dma_start3A_250 : memref<10112x128xf32, #tpu.memory_space<hbm>>) target(%dma_start3A_244 : memref<64x128xf32, #tpu.memory_space<vmem>>) offsets(%dma_start3A_247 : memref<64xi32, #tpu.memory_space<vmem>>) semaphore(%arg15 : memref<!tpu.dma_semaphore, #tpu.memory_space<semaphore_mem>>)
      } else {
      }
      %add3A_175 = arith.constant 2 : i32
      %add3A_176 = arith.addi %scan3A_130, %add3A_175 : i32
      %lt3A_177 = arith.constant 158 : i32
      %lt3A_178 = arith.cmpi slt, %add3A_176, %lt3A_177 : i32
      %convert_element_type3A_179 = arith.extui %lt3A_178 : i1 to i32
      %cond3A_180 = arith.constant 0 : i32
      %cond3A_181 = arith.cmpi ne, %convert_element_type3A_179, %cond3A_180 : i32
      scf.if %cond3A_181 {
        %add3A_197 = arith.constant 2 : i32
        %add3A_198 = arith.addi %scan3A_130, %add3A_197 : i32
        %add3A_199 = arith.constant 2 : i32
        %add3A_200 = arith.addi %scan3A_130, %add3A_199 : i32
        %rem3A_201 = arith.constant 4 : i32
        %rem3A_202 = arith.remsi %add3A_200, %rem3A_201 : i32
        %mul3A_203 = arith.constant 64 : i32
        %mul3A_204 = arith.muli %add3A_198, %mul3A_203 : i32
        %add3A_205 = arith.addi %mul3A_4, %mul3A_204 : i32
        %dma_start3A_206 = arith.constant 0 : i32
        %dma_start3A_207 = arith.constant 0 : i32
        %dma_start3A_208 = tpu.memref_slice %arg8[%rem3A_202, %dma_start3A_206, %dma_start3A_207] : memref<4x2x64xi32, #tpu.memory_space<vmem>> -> memref<1x2x64xi32, #tpu.memory_space<vmem>>
        %dma_start3A_209 = tpu.memref_squeeze %dma_start3A_208 : memref<1x2x64xi32, #tpu.memory_space<vmem>> -> memref<2x64xi32, #tpu.memory_space<vmem>>
        %dma_start3A_210 = arith.constant 0 : i32
        %dma_start3A_211 = tpu.memref_slice %arg2[%dma_start3A_210, %add3A_205] : memref<2x323584xi32, #tpu.memory_space<hbm>> -> memref<2x64xi32, #tpu.memory_space<hbm>>
        %dma_start3A_212 = arith.constant 0 : i32
        %dma_start3A_213 = arith.constant 0 : i32
        %dma_start3A_214 = tpu.memref_slice %arg8[%rem3A_202, %dma_start3A_212, %dma_start3A_213] : memref<4x2x64xi32, #tpu.memory_space<vmem>> -> memref<1x2x64xi32, #tpu.memory_space<vmem>>
        %dma_start3A_215 = tpu.memref_squeeze %dma_start3A_214 : memref<1x2x64xi32, #tpu.memory_space<vmem>> -> memref<2x64xi32, #tpu.memory_space<vmem>>
        %dma_start3A_216 = arith.constant 0 : i32
        %dma_start3A_217 = tpu.memref_slice %arg2[%dma_start3A_216, %add3A_205] : memref<2x323584xi32, #tpu.memory_space<hbm>> -> memref<2x64xi32, #tpu.memory_space<hbm>>
        tpu.enqueue_dma source(%dma_start3A_217 : memref<2x64xi32, #tpu.memory_space<hbm>>) target(%dma_start3A_215 : memref<2x64xi32, #tpu.memory_space<vmem>>) target_semaphore(%arg14 : memref<!tpu.dma_semaphore, #tpu.memory_space<semaphore_mem>>)
      } else {
      }
      %parallel_loop3A = arith.constant 0 : i32
      %parallel_loop3A_182 = arith.constant 64 : i32
      %parallel_loop3A_183 = arith.constant 1 : i32
      scf.for %parallel_loop3A_197 = %parallel_loop3A to %parallel_loop3A_182 step %parallel_loop3A_183  : i32 {
        %parallel_loop3A_198 = arith.index_cast %rem3A_131 : i32 to index
        %parallel_loop3A_199 = arith.index_cast %parallel_loop3A_197 : i32 to index
        %parallel_loop3A_200 = arith.constant 0 : index
        %parallel_loop3A_201 = tpu.vector_load %arg9[%parallel_loop3A_198, %parallel_loop3A_199, %parallel_loop3A_200] {strides = array<i32>} : memref<2x64x16xf32, #tpu.memory_space<vmem>>, vector<1x1x16xf32>,
        %parallel_loop3A_202 = vector.shape_cast %parallel_loop3A_201 : vector<1x1x16xf32> to vector<16xf32>
        %parallel_loop3A_203 = arith.index_cast %rem3A_131 : i32 to index
        %parallel_loop3A_204 = arith.index_cast %parallel_loop3A_197 : i32 to index
        %parallel_loop3A_205 = arith.constant 0 : index
        %parallel_loop3A_206 = tpu.vector_load %arg10[%parallel_loop3A_203, %parallel_loop3A_204, %parallel_loop3A_205] {strides = array<i32>} : memref<2x64x16xf32, #tpu.memory_space<vmem>>, vector<1x1x16xf32>,
        %parallel_loop3A_207 = vector.shape_cast %parallel_loop3A_206 : vector<1x1x16xf32> to vector<16xf32>
        %parallel_loop3A_208 = arith.addf %parallel_loop3A_202, %parallel_loop3A_207 : vector<16xf32>
        %parallel_loop3A_209 = arith.constant 0.000000e+00 : f32
        %parallel_loop3A_210 = vector.broadcast %parallel_loop3A_209 : f32 to vector<16xf32>
        %parallel_loop3A_211 = arith.cmpf ogt, %parallel_loop3A_208, %parallel_loop3A_210 : vector<16xf32>
        %parallel_loop3A_212 = arith.constant 2.000000e-01 : f32
        %parallel_loop3A_213 = vector.broadcast %parallel_loop3A_212 : f32 to vector<16xf32>
        %parallel_loop3A_214 = arith.mulf %parallel_loop3A_208, %parallel_loop3A_213 : vector<16xf32>
        %parallel_loop3A_215 = arith.select %parallel_loop3A_211, %parallel_loop3A_208, %parallel_loop3A_214 : vector<16xi1>, vector<16xf32>
        %parallel_loop3A_216 = math.exp %parallel_loop3A_215 : vector<16xf32>
        %parallel_loop3A_217 = arith.index_cast %rem3A_131 : i32 to index
        %parallel_loop3A_218 = arith.index_cast %parallel_loop3A_197 : i32 to index
        %parallel_loop3A_219 = arith.constant 128 : index
        %parallel_loop3A_220 = tpu.vector_load %arg12[%parallel_loop3A_217, %parallel_loop3A_218, %parallel_loop3A_219] {strides = array<i32>} : memref<2x64x144xf32, #tpu.memory_space<vmem>>, vector<1x1x16xf32>,
        %parallel_loop3A_221 = vector.shape_cast %parallel_loop3A_220 : vector<1x1x16xf32> to vector<16xf32>
        %parallel_loop3A_222 = vector.shape_cast %parallel_loop3A_216 : vector<16xf32> to vector<1x1x16xf32>
        tpu.vector_store %arg12[%parallel_loop3A_217, %parallel_loop3A_218, %parallel_loop3A_219], %parallel_loop3A_222 {strides = array<i32>} : memref<2x64x144xf32, #tpu.memory_space<vmem>>, vector<1x1x16xf32>,
        %parallel_loop3A_223 = vector.extract_strided_slice %parallel_loop3A_216 {offsets = [0], sizes = [1], strides = [1]} : vector<16xf32> to vector<1xf32>
        %parallel_loop3A_224 = vector.extract %parallel_loop3A_223[0] : f32 from vector<1xf32>
        %parallel_loop3A_225 = arith.index_cast %rem3A_131 : i32 to index
        %parallel_loop3A_226 = arith.index_cast %parallel_loop3A_197 : i32 to index
        %parallel_loop3A_227 = arith.constant 0 : index
        %parallel_loop3A_228 = tpu.vector_load %arg11[%parallel_loop3A_225, %parallel_loop3A_226, %parallel_loop3A_227] {strides = array<i32>} : memref<2x64x128xf32, #tpu.memory_space<vmem>>, vector<1x1x16xf32>,
        %parallel_loop3A_229 = vector.shape_cast %parallel_loop3A_228 : vector<1x1x16xf32> to vector<16xf32>
        %parallel_loop3A_230 = vector.broadcast %parallel_loop3A_224 : f32 to vector<16xf32>
        %parallel_loop3A_231 = arith.mulf %parallel_loop3A_230, %parallel_loop3A_229 : vector<16xf32>
        %parallel_loop3A_232 = arith.index_cast %rem3A_131 : i32 to index
        %parallel_loop3A_233 = arith.index_cast %parallel_loop3A_197 : i32 to index
        %parallel_loop3A_234 = arith.constant 0 : index
        %parallel_loop3A_235 = tpu.vector_load %arg12[%parallel_loop3A_232, %parallel_loop3A_233, %parallel_loop3A_234] {strides = array<i32>} : memref<2x64x144xf32, #tpu.memory_space<vmem>>, vector<1x1x16xf32>,
        %parallel_loop3A_236 = vector.shape_cast %parallel_loop3A_235 : vector<1x1x16xf32> to vector<16xf32>
        %parallel_loop3A_237 = vector.shape_cast %parallel_loop3A_231 : vector<16xf32> to vector<1x1x16xf32>
        tpu.vector_store %arg12[%parallel_loop3A_232, %parallel_loop3A_233, %parallel_loop3A_234], %parallel_loop3A_237 {strides = array<i32>} : memref<2x64x144xf32, #tpu.memory_space<vmem>>, vector<1x1x16xf32>,
        %parallel_loop3A_238 = vector.extract_strided_slice %parallel_loop3A_216 {offsets = [1], sizes = [1], strides = [1]} : vector<16xf32> to vector<1xf32>
        %parallel_loop3A_239 = vector.extract %parallel_loop3A_238[0] : f32 from vector<1xf32>
        %parallel_loop3A_240 = arith.index_cast %rem3A_131 : i32 to index
        %parallel_loop3A_241 = arith.index_cast %parallel_loop3A_197 : i32 to index
        %parallel_loop3A_242 = arith.constant 16 : index
        %parallel_loop3A_243 = tpu.vector_load %arg11[%parallel_loop3A_240, %parallel_loop3A_241, %parallel_loop3A_242] {strides = array<i32>} : memref<2x64x128xf32, #tpu.memory_space<vmem>>, vector<1x1x16xf32>,
        %parallel_loop3A_244 = vector.shape_cast %parallel_loop3A_243 : vector<1x1x16xf32> to vector<16xf32>
        %parallel_loop3A_245 = vector.broadcast %parallel_loop3A_239 : f32 to vector<16xf32>
        %parallel_loop3A_246 = arith.mulf %parallel_loop3A_245, %parallel_loop3A_244 : vector<16xf32>
        %parallel_loop3A_247 = arith.index_cast %rem3A_131 : i32 to index
        %parallel_loop3A_248 = arith.index_cast %parallel_loop3A_197 : i32 to index
        %parallel_loop3A_249 = arith.constant 16 : index
        %parallel_loop3A_250 = tpu.vector_load %arg12[%parallel_loop3A_247, %parallel_loop3A_248, %parallel_loop3A_249] {strides = array<i32>} : memref<2x64x144xf32, #tpu.memory_space<vmem>>, vector<1x1x16xf32>,
        %parallel_loop3A_251 = vector.shape_cast %parallel_loop3A_250 : vector<1x1x16xf32> to vector<16xf32>
        %parallel_loop3A_252 = vector.shape_cast %parallel_loop3A_246 : vector<16xf32> to vector<1x1x16xf32>
        tpu.vector_store %arg12[%parallel_loop3A_247, %parallel_loop3A_248, %parallel_loop3A_249], %parallel_loop3A_252 {strides = array<i32>} : memref<2x64x144xf32, #tpu.memory_space<vmem>>, vector<1x1x16xf32>,
        %parallel_loop3A_253 = vector.extract_strided_slice %parallel_loop3A_216 {offsets = [2], sizes = [1], strides = [1]} : vector<16xf32> to vector<1xf32>
        %parallel_loop3A_254 = vector.extract %parallel_loop3A_253[0] : f32 from vector<1xf32>
        %parallel_loop3A_255 = arith.index_cast %rem3A_131 : i32 to index
        %parallel_loop3A_256 = arith.index_cast %parallel_loop3A_197 : i32 to index
        %parallel_loop3A_257 = arith.constant 32 : index
        %parallel_loop3A_258 = tpu.vector_load %arg11[%parallel_loop3A_255, %parallel_loop3A_256, %parallel_loop3A_257] {strides = array<i32>} : memref<2x64x128xf32, #tpu.memory_space<vmem>>, vector<1x1x16xf32>,
        %parallel_loop3A_259 = vector.shape_cast %parallel_loop3A_258 : vector<1x1x16xf32> to vector<16xf32>
        %parallel_loop3A_260 = vector.broadcast %parallel_loop3A_254 : f32 to vector<16xf32>
        %parallel_loop3A_261 = arith.mulf %parallel_loop3A_260, %parallel_loop3A_259 : vector<16xf32>
        %parallel_loop3A_262 = arith.index_cast %rem3A_131 : i32 to index
        %parallel_loop3A_263 = arith.index_cast %parallel_loop3A_197 : i32 to index
        %parallel_loop3A_264 = arith.constant 32 : index
        %parallel_loop3A_265 = tpu.vector_load %arg12[%parallel_loop3A_262, %parallel_loop3A_263, %parallel_loop3A_264] {strides = array<i32>} : memref<2x64x144xf32, #tpu.memory_space<vmem>>, vector<1x1x16xf32>,
        %parallel_loop3A_266 = vector.shape_cast %parallel_loop3A_265 : vector<1x1x16xf32> to vector<16xf32>
        %parallel_loop3A_267 = vector.shape_cast %parallel_loop3A_261 : vector<16xf32> to vector<1x1x16xf32>
        tpu.vector_store %arg12[%parallel_loop3A_262, %parallel_loop3A_263, %parallel_loop3A_264], %parallel_loop3A_267 {strides = array<i32>} : memref<2x64x144xf32, #tpu.memory_space<vmem>>, vector<1x1x16xf32>,
        %parallel_loop3A_268 = vector.extract_strided_slice %parallel_loop3A_216 {offsets = [3], sizes = [1], strides = [1]} : vector<16xf32> to vector<1xf32>
        %parallel_loop3A_269 = vector.extract %parallel_loop3A_268[0] : f32 from vector<1xf32>
        %parallel_loop3A_270 = arith.index_cast %rem3A_131 : i32 to index
        %parallel_loop3A_271 = arith.index_cast %parallel_loop3A_197 : i32 to index
        %parallel_loop3A_272 = arith.constant 48 : index
        %parallel_loop3A_273 = tpu.vector_load %arg11[%parallel_loop3A_270, %parallel_loop3A_271, %parallel_loop3A_272] {strides = array<i32>} : memref<2x64x128xf32, #tpu.memory_space<vmem>>, vector<1x1x16xf32>,
        %parallel_loop3A_274 = vector.shape_cast %parallel_loop3A_273 : vector<1x1x16xf32> to vector<16xf32>
        %parallel_loop3A_275 = vector.broadcast %parallel_loop3A_269 : f32 to vector<16xf32>
        %parallel_loop3A_276 = arith.mulf %parallel_loop3A_275, %parallel_loop3A_274 : vector<16xf32>
        %parallel_loop3A_277 = arith.index_cast %rem3A_131 : i32 to index
        %parallel_loop3A_278 = arith.index_cast %parallel_loop3A_197 : i32 to index
        %parallel_loop3A_279 = arith.constant 48 : index
        %parallel_loop3A_280 = tpu.vector_load %arg12[%parallel_loop3A_277, %parallel_loop3A_278, %parallel_loop3A_279] {strides = array<i32>} : memref<2x64x144xf32, #tpu.memory_space<vmem>>, vector<1x1x16xf32>,
        %parallel_loop3A_281 = vector.shape_cast %parallel_loop3A_280 : vector<1x1x16xf32> to vector<16xf32>
        %parallel_loop3A_282 = vector.shape_cast %parallel_loop3A_276 : vector<16xf32> to vector<1x1x16xf32>
        tpu.vector_store %arg12[%parallel_loop3A_277, %parallel_loop3A_278, %parallel_loop3A_279], %parallel_loop3A_282 {strides = array<i32>} : memref<2x64x144xf32, #tpu.memory_space<vmem>>, vector<1x1x16xf32>,
        %parallel_loop3A_283 = vector.extract_strided_slice %parallel_loop3A_216 {offsets = [4], sizes = [1], strides = [1]} : vector<16xf32> to vector<1xf32>
        %parallel_loop3A_284 = vector.extract %parallel_loop3A_283[0] : f32 from vector<1xf32>
        %parallel_loop3A_285 = arith.index_cast %rem3A_131 : i32 to index
        %parallel_loop3A_286 = arith.index_cast %parallel_loop3A_197 : i32 to index
        %parallel_loop3A_287 = arith.constant 64 : index
        %parallel_loop3A_288 = tpu.vector_load %arg11[%parallel_loop3A_285, %parallel_loop3A_286, %parallel_loop3A_287] {strides = array<i32>} : memref<2x64x128xf32, #tpu.memory_space<vmem>>, vector<1x1x16xf32>,
        %parallel_loop3A_289 = vector.shape_cast %parallel_loop3A_288 : vector<1x1x16xf32> to vector<16xf32>
        %parallel_loop3A_290 = vector.broadcast %parallel_loop3A_284 : f32 to vector<16xf32>
        %parallel_loop3A_291 = arith.mulf %parallel_loop3A_290, %parallel_loop3A_289 : vector<16xf32>
        %parallel_loop3A_292 = arith.index_cast %rem3A_131 : i32 to index
        %parallel_loop3A_293 = arith.index_cast %parallel_loop3A_197 : i32 to index
        %parallel_loop3A_294 = arith.constant 64 : index
        %parallel_loop3A_295 = tpu.vector_load %arg12[%parallel_loop3A_292, %parallel_loop3A_293, %parallel_loop3A_294] {strides = array<i32>} : memref<2x64x144xf32, #tpu.memory_space<vmem>>, vector<1x1x16xf32>,
        %parallel_loop3A_296 = vector.shape_cast %parallel_loop3A_295 : vector<1x1x16xf32> to vector<16xf32>
        %parallel_loop3A_297 = vector.shape_cast %parallel_loop3A_291 : vector<16xf32> to vector<1x1x16xf32>
        tpu.vector_store %arg12[%parallel_loop3A_292, %parallel_loop3A_293, %parallel_loop3A_294], %parallel_loop3A_297 {strides = array<i32>} : memref<2x64x144xf32, #tpu.memory_space<vmem>>, vector<1x1x16xf32>,
        %parallel_loop3A_298 = vector.extract_strided_slice %parallel_loop3A_216 {offsets = [5], sizes = [1], strides = [1]} : vector<16xf32> to vector<1xf32>
        %parallel_loop3A_299 = vector.extract %parallel_loop3A_298[0] : f32 from vector<1xf32>
        %parallel_loop3A_300 = arith.index_cast %rem3A_131 : i32 to index
        %parallel_loop3A_301 = arith.index_cast %parallel_loop3A_197 : i32 to index
        %parallel_loop3A_302 = arith.constant 80 : index
        %parallel_loop3A_303 = tpu.vector_load %arg11[%parallel_loop3A_300, %parallel_loop3A_301, %parallel_loop3A_302] {strides = array<i32>} : memref<2x64x128xf32, #tpu.memory_space<vmem>>, vector<1x1x16xf32>,
        %parallel_loop3A_304 = vector.shape_cast %parallel_loop3A_303 : vector<1x1x16xf32> to vector<16xf32>
        %parallel_loop3A_305 = vector.broadcast %parallel_loop3A_299 : f32 to vector<16xf32>
        %parallel_loop3A_306 = arith.mulf %parallel_loop3A_305, %parallel_loop3A_304 : vector<16xf32>
        %parallel_loop3A_307 = arith.index_cast %rem3A_131 : i32 to index
        %parallel_loop3A_308 = arith.index_cast %parallel_loop3A_197 : i32 to index
        %parallel_loop3A_309 = arith.constant 80 : index
        %parallel_loop3A_310 = tpu.vector_load %arg12[%parallel_loop3A_307, %parallel_loop3A_308, %parallel_loop3A_309] {strides = array<i32>} : memref<2x64x144xf32, #tpu.memory_space<vmem>>, vector<1x1x16xf32>,
        %parallel_loop3A_311 = vector.shape_cast %parallel_loop3A_310 : vector<1x1x16xf32> to vector<16xf32>
        %parallel_loop3A_312 = vector.shape_cast %parallel_loop3A_306 : vector<16xf32> to vector<1x1x16xf32>
        tpu.vector_store %arg12[%parallel_loop3A_307, %parallel_loop3A_308, %parallel_loop3A_309], %parallel_loop3A_312 {strides = array<i32>} : memref<2x64x144xf32, #tpu.memory_space<vmem>>, vector<1x1x16xf32>,
        %parallel_loop3A_313 = vector.extract_strided_slice %parallel_loop3A_216 {offsets = [6], sizes = [1], strides = [1]} : vector<16xf32> to vector<1xf32>
        %parallel_loop3A_314 = vector.extract %parallel_loop3A_313[0] : f32 from vector<1xf32>
        %parallel_loop3A_315 = arith.index_cast %rem3A_131 : i32 to index
        %parallel_loop3A_316 = arith.index_cast %parallel_loop3A_197 : i32 to index
        %parallel_loop3A_317 = arith.constant 96 : index
        %parallel_loop3A_318 = tpu.vector_load %arg11[%parallel_loop3A_315, %parallel_loop3A_316, %parallel_loop3A_317] {strides = array<i32>} : memref<2x64x128xf32, #tpu.memory_space<vmem>>, vector<1x1x16xf32>,
        %parallel_loop3A_319 = vector.shape_cast %parallel_loop3A_318 : vector<1x1x16xf32> to vector<16xf32>
        %parallel_loop3A_320 = vector.broadcast %parallel_loop3A_314 : f32 to vector<16xf32>
        %parallel_loop3A_321 = arith.mulf %parallel_loop3A_320, %parallel_loop3A_319 : vector<16xf32>
        %parallel_loop3A_322 = arith.index_cast %rem3A_131 : i32 to index
        %parallel_loop3A_323 = arith.index_cast %parallel_loop3A_197 : i32 to index
        %parallel_loop3A_324 = arith.constant 96 : index
        %parallel_loop3A_325 = tpu.vector_load %arg12[%parallel_loop3A_322, %parallel_loop3A_323, %parallel_loop3A_324] {strides = array<i32>} : memref<2x64x144xf32, #tpu.memory_space<vmem>>, vector<1x1x16xf32>,
        %parallel_loop3A_326 = vector.shape_cast %parallel_loop3A_325 : vector<1x1x16xf32> to vector<16xf32>
        %parallel_loop3A_327 = vector.shape_cast %parallel_loop3A_321 : vector<16xf32> to vector<1x1x16xf32>
        tpu.vector_store %arg12[%parallel_loop3A_322, %parallel_loop3A_323, %parallel_loop3A_324], %parallel_loop3A_327 {strides = array<i32>} : memref<2x64x144xf32, #tpu.memory_space<vmem>>, vector<1x1x16xf32>,
        %parallel_loop3A_328 = vector.extract_strided_slice %parallel_loop3A_216 {offsets = [7], sizes = [1], strides = [1]} : vector<16xf32> to vector<1xf32>
        %parallel_loop3A_329 = vector.extract %parallel_loop3A_328[0] : f32 from vector<1xf32>
        %parallel_loop3A_330 = arith.index_cast %rem3A_131 : i32 to index
        %parallel_loop3A_331 = arith.index_cast %parallel_loop3A_197 : i32 to index
        %parallel_loop3A_332 = arith.constant 112 : index
        %parallel_loop3A_333 = tpu.vector_load %arg11[%parallel_loop3A_330, %parallel_loop3A_331, %parallel_loop3A_332] {strides = array<i32>} : memref<2x64x128xf32, #tpu.memory_space<vmem>>, vector<1x1x16xf32>,
        %parallel_loop3A_334 = vector.shape_cast %parallel_loop3A_333 : vector<1x1x16xf32> to vector<16xf32>
        %parallel_loop3A_335 = vector.broadcast %parallel_loop3A_329 : f32 to vector<16xf32>
        %parallel_loop3A_336 = arith.mulf %parallel_loop3A_335, %parallel_loop3A_334 : vector<16xf32>
        %parallel_loop3A_337 = arith.index_cast %rem3A_131 : i32 to index
        %parallel_loop3A_338 = arith.index_cast %parallel_loop3A_197 : i32 to index
        %parallel_loop3A_339 = arith.constant 112 : index
        %parallel_loop3A_340 = tpu.vector_load %arg12[%parallel_loop3A_337, %parallel_loop3A_338, %parallel_loop3A_339] {strides = array<i32>} : memref<2x64x144xf32, #tpu.memory_space<vmem>>, vector<1x1x16xf32>,
        %parallel_loop3A_341 = vector.shape_cast %parallel_loop3A_340 : vector<1x1x16xf32> to vector<16xf32>
        %parallel_loop3A_342 = vector.shape_cast %parallel_loop3A_336 : vector<16xf32> to vector<1x1x16xf32>
        tpu.vector_store %arg12[%parallel_loop3A_337, %parallel_loop3A_338, %parallel_loop3A_339], %parallel_loop3A_342 {strides = array<i32>} : memref<2x64x144xf32, #tpu.memory_space<vmem>>, vector<1x1x16xf32>,
      } {sc.loop_unroll_factor = 16 : i64, sc.parallel_access}
      %dma_start3A_184 = arith.constant 1 : i32
      %dma_start3A_185 = arith.constant 0 : i32
      %dma_start3A_186 = arith.constant 0 : i32
      %dma_start3A_187 = tpu.memref_slice %arg12[%rem3A_131, %dma_start3A_185, %dma_start3A_186] : memref<2x64x144xf32, #tpu.memory_space<vmem>> -> memref<1x64x144xf32, #tpu.memory_space<vmem>>
      %dma_start3A_188 = tpu.memref_squeeze %dma_start3A_187 : memref<1x64x144xf32, #tpu.memory_space<vmem>> -> memref<64x144xf32, #tpu.memory_space<vmem>>
      %dma_start3A_189 = arith.constant 0 : i32
      %dma_start3A_190 = tpu.memref_slice %arg8[%rem3A_133, %dma_start3A_184, %dma_start3A_189] : memref<4x2x64xi32, #tpu.memory_space<vmem>> -> memref<1x1x64xi32, #tpu.memory_space<vmem>>
      %dma_start3A_191 = tpu.memref_squeeze %dma_start3A_190 : memref<1x1x64xi32, #tpu.memory_space<vmem>> -> memref<64xi32, #tpu.memory_space<vmem>>
      %dma_start3A_192 = arith.constant 0 : i32
      %dma_start3A_193 = arith.constant 0 : i32
      %dma_start3A_194 = tpu.memref_slice %arg13[%dma_start3A_192, %dma_start3A_193] : memref<10112x144xf32, #tpu.memory_space<vmem_shared>> -> memref<10112x144xf32, #tpu.memory_space<vmem_shared>>
      %dma_start3A_195 = tpu.memref_slice %arg16[%rem3A_131] : memref<2x!tpu.dma_semaphore, #tpu.memory_space<semaphore_mem>> -> memref<1x!tpu.dma_semaphore, #tpu.memory_space<semaphore_mem>>
      %dma_start3A_196 = tpu.memref_squeeze %dma_start3A_195 : memref<1x!tpu.dma_semaphore, #tpu.memory_space<semaphore_mem>> -> memref<!tpu.dma_semaphore, #tpu.memory_space<semaphore_mem>>
      tpu.enqueue_indirect_dma source(%dma_start3A_188 : memref<64x144xf32, #tpu.memory_space<vmem>>) target(%dma_start3A_194 : memref<10112x144xf32, #tpu.memory_space<vmem_shared>>) offsets(%dma_start3A_191 : memref<64xi32, #tpu.memory_space<vmem>>) semaphore(%dma_start3A_196 : memref<!tpu.dma_semaphore, #tpu.memory_space<semaphore_mem>>) {add = true}
    }
    %scan3A_93 = arith.constant 158 : i32
    %dma_wait3A_94 = arith.constant 0 : i32
    %dma_wait3A_95 = arith.constant 0 : i32
    %dma_wait3A_96 = arith.constant 1 : i32
    %dma_wait3A_97 = arith.constant 0 : i32
    %dma_wait3A_98 = arith.constant 0 : i32
    %dma_wait3A_99 = arith.constant 0 : i32
    %dma_wait3A_100 = tpu.memref_slice %arg12[%dma_wait3A_94, %dma_wait3A_98, %dma_wait3A_99] : memref<2x64x144xf32, #tpu.memory_space<vmem>> -> memref<1x64x144xf32, #tpu.memory_space<vmem>>
    %dma_wait3A_101 = tpu.memref_squeeze %dma_wait3A_100 : memref<1x64x144xf32, #tpu.memory_space<vmem>> -> memref<64x144xf32, #tpu.memory_space<vmem>>
    %dma_wait3A_102 = arith.constant 0 : i32
    %dma_wait3A_103 = tpu.memref_slice %arg8[%dma_wait3A_95, %dma_wait3A_96, %dma_wait3A_102] : memref<4x2x64xi32, #tpu.memory_space<vmem>> -> memref<1x1x64xi32, #tpu.memory_space<vmem>>
    %dma_wait3A_104 = tpu.memref_squeeze %dma_wait3A_103 : memref<1x1x64xi32, #tpu.memory_space<vmem>> -> memref<64xi32, #tpu.memory_space<vmem>>
    %dma_wait3A_105 = arith.constant 0 : i32
    %dma_wait3A_106 = arith.constant 0 : i32
    %dma_wait3A_107 = tpu.memref_slice %arg13[%dma_wait3A_105, %dma_wait3A_106] : memref<10112x144xf32, #tpu.memory_space<vmem_shared>> -> memref<10112x144xf32, #tpu.memory_space<vmem_shared>>
    %dma_wait3A_108 = tpu.memref_slice %arg16[%dma_wait3A_97] : memref<2x!tpu.dma_semaphore, #tpu.memory_space<semaphore_mem>> -> memref<1x!tpu.dma_semaphore, #tpu.memory_space<semaphore_mem>>
    %dma_wait3A_109 = tpu.memref_squeeze %dma_wait3A_108 : memref<1x!tpu.dma_semaphore, #tpu.memory_space<semaphore_mem>> -> memref<!tpu.dma_semaphore, #tpu.memory_space<semaphore_mem>>
    tpu.wait_indirect_dma semaphore(%dma_wait3A_109 : memref<!tpu.dma_semaphore, #tpu.memory_space<semaphore_mem>>) src(%dma_wait3A_101 : memref<64x144xf32, #tpu.memory_space<vmem>>) dst(%dma_wait3A_107 : memref<10112x144xf32, #tpu.memory_space<vmem_shared>>)
    %dma_wait3A_110 = arith.constant 1 : i32
    %dma_wait3A_111 = arith.constant 1 : i32
    %dma_wait3A_112 = arith.constant 1 : i32
    %dma_wait3A_113 = arith.constant 1 : i32
    %dma_wait3A_114 = arith.constant 0 : i32
    %dma_wait3A_115 = arith.constant 0 : i32
    %dma_wait3A_116 = tpu.memref_slice %arg12[%dma_wait3A_110, %dma_wait3A_114, %dma_wait3A_115] : memref<2x64x144xf32, #tpu.memory_space<vmem>> -> memref<1x64x144xf32, #tpu.memory_space<vmem>>
    %dma_wait3A_117 = tpu.memref_squeeze %dma_wait3A_116 : memref<1x64x144xf32, #tpu.memory_space<vmem>> -> memref<64x144xf32, #tpu.memory_space<vmem>>
    %dma_wait3A_118 = arith.constant 0 : i32
    %dma_wait3A_119 = tpu.memref_slice %arg8[%dma_wait3A_111, %dma_wait3A_112, %dma_wait3A_118] : memref<4x2x64xi32, #tpu.memory_space<vmem>> -> memref<1x1x64xi32, #tpu.memory_space<vmem>>
    %dma_wait3A_120 = tpu.memref_squeeze %dma_wait3A_119 : memref<1x1x64xi32, #tpu.memory_space<vmem>> -> memref<64xi32, #tpu.memory_space<vmem>>
    %dma_wait3A_121 = arith.constant 0 : i32
    %dma_wait3A_122 = arith.constant 0 : i32
    %dma_wait3A_123 = tpu.memref_slice %arg13[%dma_wait3A_121, %dma_wait3A_122] : memref<10112x144xf32, #tpu.memory_space<vmem_shared>> -> memref<10112x144xf32, #tpu.memory_space<vmem_shared>>
    %dma_wait3A_124 = tpu.memref_slice %arg16[%dma_wait3A_113] : memref<2x!tpu.dma_semaphore, #tpu.memory_space<semaphore_mem>> -> memref<1x!tpu.dma_semaphore, #tpu.memory_space<semaphore_mem>>
    %dma_wait3A_125 = tpu.memref_squeeze %dma_wait3A_124 : memref<1x!tpu.dma_semaphore, #tpu.memory_space<semaphore_mem>> -> memref<!tpu.dma_semaphore, #tpu.memory_space<semaphore_mem>>
    tpu.wait_indirect_dma semaphore(%dma_wait3A_125 : memref<!tpu.dma_semaphore, #tpu.memory_space<semaphore_mem>>) src(%dma_wait3A_117 : memref<64x144xf32, #tpu.memory_space<vmem>>) dst(%dma_wait3A_123 : memref<10112x144xf32, #tpu.memory_space<vmem_shared>>)
    %barrier3A_126 = arith.constant 0 : index
    tpu.barrier barrier_id(%barrier3A_126)
    %mul3A_127 = arith.constant 10112 : i32
    %mul3A_128 = arith.muli %arg0, %mul3A_127 : i32
    %add3A_129 = arith.addi %mul3A_128, %mul3A_2 : i32
    "tpu.region"() ({
      %run_scoped3A = tpu.sem_alloc : memref<!tpu.dma_semaphore, #tpu.memory_space<semaphore_mem>>
      %dma_start3A_130 = arith.constant 0 : i32
      %dma_start3A_131 = tpu.memref_slice %arg7[%add3A_129, %dma_start3A_130] : memref<20224x144xf32, #tpu.memory_space<hbm>> -> memref<632x144xf32, #tpu.memory_space<hbm>>
      %dma_start3A_132 = arith.constant 0 : i32
      %dma_start3A_133 = tpu.memref_slice %arg13[%mul3A_2, %dma_start3A_132] : memref<10112x144xf32, #tpu.memory_space<vmem_shared>> -> memref<632x144xf32, #tpu.memory_space<vmem_shared>>
      tpu.enqueue_dma source(%dma_start3A_133 : memref<632x144xf32, #tpu.memory_space<vmem_shared>>) target(%dma_start3A_131 : memref<632x144xf32, #tpu.memory_space<hbm>>) target_semaphore(%run_scoped3A : memref<!tpu.dma_semaphore, #tpu.memory_space<semaphore_mem>>)
      %dma_wait3A_134 = arith.constant 0 : i32
      %dma_wait3A_135 = tpu.memref_slice %arg7[%add3A_129, %dma_wait3A_134] : memref<20224x144xf32, #tpu.memory_space<hbm>> -> memref<632x144xf32, #tpu.memory_space<hbm>>
      %dma_wait3A_136 = arith.constant 0 : i32
      %dma_wait3A_137 = tpu.memref_slice %arg13[%mul3A_2, %dma_wait3A_136] : memref<10112x144xf32, #tpu.memory_space<vmem_shared>> -> memref<632x144xf32, #tpu.memory_space<vmem_shared>>
      tpu.wait_dma2 semaphore(%run_scoped3A : memref<!tpu.dma_semaphore, #tpu.memory_space<semaphore_mem>>) src(%dma_wait3A_137 : memref<632x144xf32, #tpu.memory_space<vmem_shared>>) dst(%dma_wait3A_135 : memref<632x144xf32, #tpu.memory_space<hbm>>)
      tpu.yield
    }) : () -> ()
    return
  }
}

#map = affine_map<(d0, d1) -> (0, 0)>
module attributes {stable_mosaic.version = 14 : i64} {
  func.func @_sc_edge_body(%arg0: i32, %arg1: i32, %arg2: memref<2x323584xi32, #tpu.memory_space<hbm>>, %arg3: memref<10112x16xf32, #tpu.memory_space<hbm>>, %arg4: memref<10112x16xf32, #tpu.memory_space<hbm>>, %arg5: memref<10112x128xf32, #tpu.memory_space<hbm>>, %arg6: memref<632x144xf32, #tpu.memory_space<hbm>>, %arg7: memref<20224x144xf32, #tpu.memory_space<hbm>>, %arg8: memref<4x2x64xi32, #tpu.memory_space<vmem>>, %arg9: memref<2x64x16xf32, #tpu.memory_space<vmem>>, %arg10: memref<2x64x16xf32, #tpu.memory_space<vmem>>, %arg11: memref<2x64x128xf32, #tpu.memory_space<vmem>>, %arg12: memref<2x64x144xf32, #tpu.memory_space<vmem>>, %arg13: memref<10112x144xf32, #tpu.memory_space<vmem_shared>>, %arg14: memref<!tpu.dma_semaphore, #tpu.memory_space<semaphore_mem>>, %arg15: memref<!tpu.dma_semaphore, #tpu.memory_space<semaphore_mem>>, %arg16: memref<2x!tpu.dma_semaphore, #tpu.memory_space<semaphore_mem>>) attributes {dimension_semantics = [#tpu.dimension_semantics<core_parallel>, #tpu.dimension_semantics<subcore_parallel>], iteration_bounds = array<i64: 2, 16>, scalar_prefetch = 0 : i64, scratch_operands = 9 : i64, tpu.core_type = #tpu.core_type<sc_vector_subcore>, window_params = [{transform_indices = #map}, {transform_indices = #map}, {transform_indices = #map}, {transform_indices = #map}, {transform_indices = #map}, {transform_indices = #map}]} {
    %mul3A = arith.constant 2 : i32
    %mul3A_0 = arith.muli %arg1, %mul3A : i32
    %add3A = arith.addi %mul3A_0, %arg0 : i32
    %mul3A_1 = arith.constant 632 : i32
    %mul3A_2 = arith.muli %arg1, %mul3A_1 : i32
    %mul3A_3 = arith.constant 10112 : i32
    %mul3A_4 = arith.muli %add3A, %mul3A_3 : i32
    %dma_start3A = arith.constant 0 : i32
    %dma_start3A_5 = tpu.memref_slice %arg13[%mul3A_2, %dma_start3A] : memref<10112x144xf32, #tpu.memory_space<vmem_shared>> -> memref<632x144xf32, #tpu.memory_space<vmem_shared>>
    tpu.enqueue_dma source(%arg6 : memref<632x144xf32, #tpu.memory_space<hbm>>) target(%dma_start3A_5 : memref<632x144xf32, #tpu.memory_space<vmem_shared>>) target_semaphore(%arg14 : memref<!tpu.dma_semaphore, #tpu.memory_space<semaphore_mem>>)
    %add3A_6 = arith.constant 0 : i32
    %add3A_7 = arith.addi %mul3A_4, %add3A_6 : i32
    %dma_start3A_8 = arith.constant 0 : i32
    %dma_start3A_9 = arith.constant 0 : i32
    %dma_start3A_10 = arith.constant 0 : i32
    %dma_start3A_11 = tpu.memref_slice %arg8[%dma_start3A_8, %dma_start3A_9, %dma_start3A_10] : memref<4x2x64xi32, #tpu.memory_space<vmem>> -> memref<1x2x64xi32, #tpu.memory_space<vmem>>
    %dma_start3A_12 = tpu.memref_squeeze %dma_start3A_11 : memref<1x2x64xi32, #tpu.memory_space<vmem>> -> memref<2x64xi32, #tpu.memory_space<vmem>>
    %dma_start3A_13 = arith.constant 0 : i32
    %dma_start3A_14 = tpu.memref_slice %arg2[%dma_start3A_13, %add3A_7] : memref<2x323584xi32, #tpu.memory_space<hbm>> -> memref<2x64xi32, #tpu.memory_space<hbm>>
    %dma_start3A_15 = arith.constant 0 : i32
    %dma_start3A_16 = arith.constant 0 : i32
    %dma_start3A_17 = tpu.memref_slice %arg8[%dma_start3A_8, %dma_start3A_15, %dma_start3A_16] : memref<4x2x64xi32, #tpu.memory_space<vmem>> -> memref<1x2x64xi32, #tpu.memory_space<vmem>>
    %dma_start3A_18 = tpu.memref_squeeze %dma_start3A_17 : memref<1x2x64xi32, #tpu.memory_space<vmem>> -> memref<2x64xi32, #tpu.memory_space<vmem>>
    %dma_start3A_19 = arith.constant 0 : i32
    %dma_start3A_20 = tpu.memref_slice %arg2[%dma_start3A_19, %add3A_7] : memref<2x323584xi32, #tpu.memory_space<hbm>> -> memref<2x64xi32, #tpu.memory_space<hbm>>
    tpu.enqueue_dma source(%dma_start3A_20 : memref<2x64xi32, #tpu.memory_space<hbm>>) target(%dma_start3A_18 : memref<2x64xi32, #tpu.memory_space<vmem>>) target_semaphore(%arg14 : memref<!tpu.dma_semaphore, #tpu.memory_space<semaphore_mem>>)
    %dma_wait3A = arith.constant 0 : i32
    %dma_wait3A_21 = tpu.memref_slice %arg13[%mul3A_2, %dma_wait3A] : memref<10112x144xf32, #tpu.memory_space<vmem_shared>> -> memref<632x144xf32, #tpu.memory_space<vmem_shared>>
    tpu.wait_dma2 semaphore(%arg14 : memref<!tpu.dma_semaphore, #tpu.memory_space<semaphore_mem>>) src(%arg6 : memref<632x144xf32, #tpu.memory_space<hbm>>) dst(%dma_wait3A_21 : memref<632x144xf32, #tpu.memory_space<vmem_shared>>)
    %dma_wait3A_22 = arith.constant 0 : i32
    %dma_wait3A_23 = arith.constant 0 : i32
    %dma_wait3A_24 = arith.constant 0 : i32
    %dma_wait3A_25 = tpu.memref_slice %arg8[%dma_wait3A_22, %dma_wait3A_23, %dma_wait3A_24] : memref<4x2x64xi32, #tpu.memory_space<vmem>> -> memref<1x2x64xi32, #tpu.memory_space<vmem>>
    %dma_wait3A_26 = tpu.memref_squeeze %dma_wait3A_25 : memref<1x2x64xi32, #tpu.memory_space<vmem>> -> memref<2x64xi32, #tpu.memory_space<vmem>>
    %dma_wait3A_27 = arith.constant 0 : i32
    %dma_wait3A_28 = tpu.memref_slice %arg2[%dma_wait3A_27, %mul3A_4] : memref<2x323584xi32, #tpu.memory_space<hbm>> -> memref<2x64xi32, #tpu.memory_space<hbm>>
    %dma_wait3A_29 = arith.constant 0 : i32
    %dma_wait3A_30 = arith.constant 0 : i32
    %dma_wait3A_31 = tpu.memref_slice %arg8[%dma_wait3A_22, %dma_wait3A_29, %dma_wait3A_30] : memref<4x2x64xi32, #tpu.memory_space<vmem>> -> memref<1x2x64xi32, #tpu.memory_space<vmem>>
    %dma_wait3A_32 = tpu.memref_squeeze %dma_wait3A_31 : memref<1x2x64xi32, #tpu.memory_space<vmem>> -> memref<2x64xi32, #tpu.memory_space<vmem>>
    %dma_wait3A_33 = arith.constant 0 : i32
    %dma_wait3A_34 = tpu.memref_slice %arg2[%dma_wait3A_33, %mul3A_4] : memref<2x323584xi32, #tpu.memory_space<hbm>> -> memref<2x64xi32, #tpu.memory_space<hbm>>
    tpu.wait_dma2 semaphore(%arg14 : memref<!tpu.dma_semaphore, #tpu.memory_space<semaphore_mem>>) src(%dma_wait3A_34 : memref<2x64xi32, #tpu.memory_space<hbm>>) dst(%dma_wait3A_32 : memref<2x64xi32, #tpu.memory_space<vmem>>)
    %barrier3A = arith.constant 0 : index
    tpu.barrier barrier_id(%barrier3A)
    %dma_start3A_35 = arith.constant 0 : i32
    %dma_start3A_36 = arith.constant 0 : i32
    %dma_start3A_37 = arith.constant 0 : i32
    %dma_start3A_38 = arith.constant 0 : i32
    %dma_start3A_39 = arith.constant 0 : i32
    %dma_start3A_40 = tpu.memref_slice %arg9[%dma_start3A_37, %dma_start3A_38, %dma_start3A_39] : memref<2x64x16xf32, #tpu.memory_space<vmem>> -> memref<1x64x16xf32, #tpu.memory_space<vmem>>
    %dma_start3A_41 = tpu.memref_squeeze %dma_start3A_40 : memref<1x64x16xf32, #tpu.memory_space<vmem>> -> memref<64x16xf32, #tpu.memory_space<vmem>>
    %dma_start3A_42 = arith.constant 0 : i32
    %dma_start3A_43 = tpu.memref_slice %arg8[%dma_start3A_35, %dma_start3A_36, %dma_start3A_42] : memref<4x2x64xi32, #tpu.memory_space<vmem>> -> memref<1x1x64xi32, #tpu.memory_space<vmem>>
    %dma_start3A_44 = tpu.memref_squeeze %dma_start3A_43 : memref<1x1x64xi32, #tpu.memory_space<vmem>> -> memref<64xi32, #tpu.memory_space<vmem>>
    %dma_start3A_45 = arith.constant 0 : i32
    %dma_start3A_46 = arith.constant 0 : i32
    %dma_start3A_47 = tpu.memref_slice %arg3[%dma_start3A_45, %dma_start3A_46] : memref<10112x16xf32, #tpu.memory_space<hbm>> -> memref<10112x16xf32, #tpu.memory_space<hbm>>
    tpu.enqueue_indirect_dma source(%dma_start3A_47 : memref<10112x16xf32, #tpu.memory_space<hbm>>) target(%dma_start3A_41 : memref<64x16xf32, #tpu.memory_space<vmem>>) offsets(%dma_start3A_44 : memref<64xi32, #tpu.memory_space<vmem>>) semaphore(%arg15 : memref<!tpu.dma_semaphore, #tpu.memory_space<semaphore_mem>>)
    %dma_start3A_48 = arith.constant 0 : i32
    %dma_start3A_49 = arith.constant 1 : i32
    %dma_start3A_50 = arith.constant 0 : i32
    %dma_start3A_51 = arith.constant 0 : i32
    %dma_start3A_52 = arith.constant 0 : i32
    %dma_start3A_53 = tpu.memref_slice %arg10[%dma_start3A_50, %dma_start3A_51, %dma_start3A_52] : memref<2x64x16xf32, #tpu.memory_space<vmem>> -> memref<1x64x16xf32, #tpu.memory_space<vmem>>
    %dma_start3A_54 = tpu.memref_squeeze %dma_start3A_53 : memref<1x64x16xf32, #tpu.memory_space<vmem>> -> memref<64x16xf32, #tpu.memory_space<vmem>>
    %dma_start3A_55 = arith.constant 0 : i32
    %dma_start3A_56 = tpu.memref_slice %arg8[%dma_start3A_48, %dma_start3A_49, %dma_start3A_55] : memref<4x2x64xi32, #tpu.memory_space<vmem>> -> memref<1x1x64xi32, #tpu.memory_space<vmem>>
    %dma_start3A_57 = tpu.memref_squeeze %dma_start3A_56 : memref<1x1x64xi32, #tpu.memory_space<vmem>> -> memref<64xi32, #tpu.memory_space<vmem>>
    %dma_start3A_58 = arith.constant 0 : i32
    %dma_start3A_59 = arith.constant 0 : i32
    %dma_start3A_60 = tpu.memref_slice %arg4[%dma_start3A_58, %dma_start3A_59] : memref<10112x16xf32, #tpu.memory_space<hbm>> -> memref<10112x16xf32, #tpu.memory_space<hbm>>
    tpu.enqueue_indirect_dma source(%dma_start3A_60 : memref<10112x16xf32, #tpu.memory_space<hbm>>) target(%dma_start3A_54 : memref<64x16xf32, #tpu.memory_space<vmem>>) offsets(%dma_start3A_57 : memref<64xi32, #tpu.memory_space<vmem>>) semaphore(%arg15 : memref<!tpu.dma_semaphore, #tpu.memory_space<semaphore_mem>>)
    %dma_start3A_61 = arith.constant 0 : i32
    %dma_start3A_62 = arith.constant 0 : i32
    %dma_start3A_63 = arith.constant 0 : i32
    %dma_start3A_64 = arith.constant 0 : i32
    %dma_start3A_65 = arith.constant 0 : i32
    %dma_start3A_66 = tpu.memref_slice %arg11[%dma_start3A_63, %dma_start3A_64, %dma_start3A_65] : memref<2x64x128xf32, #tpu.memory_space<vmem>> -> memref<1x64x128xf32, #tpu.memory_space<vmem>>
    %dma_start3A_67 = tpu.memref_squeeze %dma_start3A_66 : memref<1x64x128xf32, #tpu.memory_space<vmem>> -> memref<64x128xf32, #tpu.memory_space<vmem>>
    %dma_start3A_68 = arith.constant 0 : i32
    %dma_start3A_69 = tpu.memref_slice %arg8[%dma_start3A_61, %dma_start3A_62, %dma_start3A_68] : memref<4x2x64xi32, #tpu.memory_space<vmem>> -> memref<1x1x64xi32, #tpu.memory_space<vmem>>
    %dma_start3A_70 = tpu.memref_squeeze %dma_start3A_69 : memref<1x1x64xi32, #tpu.memory_space<vmem>> -> memref<64xi32, #tpu.memory_space<vmem>>
    %dma_start3A_71 = arith.constant 0 : i32
    %dma_start3A_72 = arith.constant 0 : i32
    %dma_start3A_73 = tpu.memref_slice %arg5[%dma_start3A_71, %dma_start3A_72] : memref<10112x128xf32, #tpu.memory_space<hbm>> -> memref<10112x128xf32, #tpu.memory_space<hbm>>
    tpu.enqueue_indirect_dma source(%dma_start3A_73 : memref<10112x128xf32, #tpu.memory_space<hbm>>) target(%dma_start3A_67 : memref<64x128xf32, #tpu.memory_space<vmem>>) offsets(%dma_start3A_70 : memref<64xi32, #tpu.memory_space<vmem>>) semaphore(%arg15 : memref<!tpu.dma_semaphore, #tpu.memory_space<semaphore_mem>>)
    %add3A_74 = arith.constant 64 : i32
    %add3A_75 = arith.addi %mul3A_4, %add3A_74 : i32
    %dma_start3A_76 = arith.constant 1 : i32
    %dma_start3A_77 = arith.constant 0 : i32
    %dma_start3A_78 = arith.constant 0 : i32
    %dma_start3A_79 = tpu.memref_slice %arg8[%dma_start3A_76, %dma_start3A_77, %dma_start3A_78] : memref<4x2x64xi32, #tpu.memory_space<vmem>> -> memref<1x2x64xi32, #tpu.memory_space<vmem>>
    %dma_start3A_80 = tpu.memref_squeeze %dma_start3A_79 : memref<1x2x64xi32, #tpu.memory_space<vmem>> -> memref<2x64xi32, #tpu.memory_space<vmem>>
    %dma_start3A_81 = arith.constant 0 : i32
    %dma_start3A_82 = tpu.memref_slice %arg2[%dma_start3A_81, %add3A_75] : memref<2x323584xi32, #tpu.memory_space<hbm>> -> memref<2x64xi32, #tpu.memory_space<hbm>>
    %dma_start3A_83 = arith.constant 0 : i32
    %dma_start3A_84 = arith.constant 0 : i32
    %dma_start3A_85 = tpu.memref_slice %arg8[%dma_start3A_76, %dma_start3A_83, %dma_start3A_84] : memref<4x2x64xi32, #tpu.memory_space<vmem>> -> memref<1x2x64xi32, #tpu.memory_space<vmem>>
    %dma_start3A_86 = tpu.memref_squeeze %dma_start3A_85 : memref<1x2x64xi32, #tpu.memory_space<vmem>> -> memref<2x64xi32, #tpu.memory_space<vmem>>
    %dma_start3A_87 = arith.constant 0 : i32
    %dma_start3A_88 = tpu.memref_slice %arg2[%dma_start3A_87, %add3A_75] : memref<2x323584xi32, #tpu.memory_space<hbm>> -> memref<2x64xi32, #tpu.memory_space<hbm>>
    tpu.enqueue_dma source(%dma_start3A_88 : memref<2x64xi32, #tpu.memory_space<hbm>>) target(%dma_start3A_86 : memref<2x64xi32, #tpu.memory_space<vmem>>) target_semaphore(%arg14 : memref<!tpu.dma_semaphore, #tpu.memory_space<semaphore_mem>>)
    %scan3A = arith.constant 0 : i32
    %scan3A_89 = arith.constant 0 : i32
    %scan3A_90 = arith.constant 158 : i32
    %scan3A_91 = arith.addi %scan3A_89, %scan3A_90 : i32
    %scan3A_92 = arith.constant 1 : i32
    scf.for %scan3A_130 = %scan3A_89 to %scan3A_91 step %scan3A_92  : i32 {
      %rem3A = arith.constant 2 : i32
      %rem3A_131 = arith.remsi %scan3A_130, %rem3A : i32
      %rem3A_132 = arith.constant 4 : i32
      %rem3A_133 = arith.remsi %scan3A_130, %rem3A_132 : i32
      %ge3A = arith.constant 2 : i32
      %ge3A_134 = arith.cmpi sge, %scan3A_130, %ge3A : i32
      %convert_element_type3A = arith.extui %ge3A_134 : i1 to i32
      %cond3A = arith.constant 0 : i32
      %cond3A_135 = arith.cmpi ne, %convert_element_type3A, %cond3A : i32
      scf.if %cond3A_135 {
        %dma_wait3A_197 = arith.constant 1 : i32
        %dma_wait3A_198 = arith.constant 0 : i32
        %dma_wait3A_199 = arith.constant 0 : i32
        %dma_wait3A_200 = tpu.memref_slice %arg12[%rem3A_131, %dma_wait3A_198, %dma_wait3A_199] : memref<2x64x144xf32, #tpu.memory_space<vmem>> -> memref<1x64x144xf32, #tpu.memory_space<vmem>>
        %dma_wait3A_201 = tpu.memref_squeeze %dma_wait3A_200 : memref<1x64x144xf32, #tpu.memory_space<vmem>> -> memref<64x144xf32, #tpu.memory_space<vmem>>
        %dma_wait3A_202 = arith.constant 0 : i32
        %dma_wait3A_203 = tpu.memref_slice %arg8[%rem3A_133, %dma_wait3A_197, %dma_wait3A_202] : memref<4x2x64xi32, #tpu.memory_space<vmem>> -> memref<1x1x64xi32, #tpu.memory_space<vmem>>
        %dma_wait3A_204 = tpu.memref_squeeze %dma_wait3A_203 : memref<1x1x64xi32, #tpu.memory_space<vmem>> -> memref<64xi32, #tpu.memory_space<vmem>>
        %dma_wait3A_205 = arith.constant 0 : i32
        %dma_wait3A_206 = arith.constant 0 : i32
        %dma_wait3A_207 = tpu.memref_slice %arg13[%dma_wait3A_205, %dma_wait3A_206] : memref<10112x144xf32, #tpu.memory_space<vmem_shared>> -> memref<10112x144xf32, #tpu.memory_space<vmem_shared>>
        %dma_wait3A_208 = tpu.memref_slice %arg16[%rem3A_131] : memref<2x!tpu.dma_semaphore, #tpu.memory_space<semaphore_mem>> -> memref<1x!tpu.dma_semaphore, #tpu.memory_space<semaphore_mem>>
        %dma_wait3A_209 = tpu.memref_squeeze %dma_wait3A_208 : memref<1x!tpu.dma_semaphore, #tpu.memory_space<semaphore_mem>> -> memref<!tpu.dma_semaphore, #tpu.memory_space<semaphore_mem>>
        tpu.wait_indirect_dma semaphore(%dma_wait3A_209 : memref<!tpu.dma_semaphore, #tpu.memory_space<semaphore_mem>>) src(%dma_wait3A_201 : memref<64x144xf32, #tpu.memory_space<vmem>>) dst(%dma_wait3A_207 : memref<10112x144xf32, #tpu.memory_space<vmem_shared>>)
      } else {
      }
      %dma_wait3A_136 = arith.constant 0 : i32
      %dma_wait3A_137 = arith.constant 0 : i32
      %dma_wait3A_138 = arith.constant 0 : i32
      %dma_wait3A_139 = tpu.memref_slice %arg9[%rem3A_131, %dma_wait3A_137, %dma_wait3A_138] : memref<2x64x16xf32, #tpu.memory_space<vmem>> -> memref<1x64x16xf32, #tpu.memory_space<vmem>>
      %dma_wait3A_140 = tpu.memref_squeeze %dma_wait3A_139 : memref<1x64x16xf32, #tpu.memory_space<vmem>> -> memref<64x16xf32, #tpu.memory_space<vmem>>
      %dma_wait3A_141 = arith.constant 0 : i32
      %dma_wait3A_142 = tpu.memref_slice %arg8[%rem3A_133, %dma_wait3A_136, %dma_wait3A_141] : memref<4x2x64xi32, #tpu.memory_space<vmem>> -> memref<1x1x64xi32, #tpu.memory_space<vmem>>
      %dma_wait3A_143 = tpu.memref_squeeze %dma_wait3A_142 : memref<1x1x64xi32, #tpu.memory_space<vmem>> -> memref<64xi32, #tpu.memory_space<vmem>>
      %dma_wait3A_144 = arith.constant 0 : i32
      %dma_wait3A_145 = arith.constant 0 : i32
      %dma_wait3A_146 = tpu.memref_slice %arg3[%dma_wait3A_144, %dma_wait3A_145] : memref<10112x16xf32, #tpu.memory_space<hbm>> -> memref<10112x16xf32, #tpu.memory_space<hbm>>
      tpu.wait_indirect_dma semaphore(%arg15 : memref<!tpu.dma_semaphore, #tpu.memory_space<semaphore_mem>>) src(%dma_wait3A_146 : memref<10112x16xf32, #tpu.memory_space<hbm>>) dst(%dma_wait3A_140 : memref<64x16xf32, #tpu.memory_space<vmem>>)
      %dma_wait3A_147 = arith.constant 1 : i32
      %dma_wait3A_148 = arith.constant 0 : i32
      %dma_wait3A_149 = arith.constant 0 : i32
      %dma_wait3A_150 = tpu.memref_slice %arg10[%rem3A_131, %dma_wait3A_148, %dma_wait3A_149] : memref<2x64x16xf32, #tpu.memory_space<vmem>> -> memref<1x64x16xf32, #tpu.memory_space<vmem>>
      %dma_wait3A_151 = tpu.memref_squeeze %dma_wait3A_150 : memref<1x64x16xf32, #tpu.memory_space<vmem>> -> memref<64x16xf32, #tpu.memory_space<vmem>>
      %dma_wait3A_152 = arith.constant 0 : i32
      %dma_wait3A_153 = tpu.memref_slice %arg8[%rem3A_133, %dma_wait3A_147, %dma_wait3A_152] : memref<4x2x64xi32, #tpu.memory_space<vmem>> -> memref<1x1x64xi32, #tpu.memory_space<vmem>>
      %dma_wait3A_154 = tpu.memref_squeeze %dma_wait3A_153 : memref<1x1x64xi32, #tpu.memory_space<vmem>> -> memref<64xi32, #tpu.memory_space<vmem>>
      %dma_wait3A_155 = arith.constant 0 : i32
      %dma_wait3A_156 = arith.constant 0 : i32
      %dma_wait3A_157 = tpu.memref_slice %arg4[%dma_wait3A_155, %dma_wait3A_156] : memref<10112x16xf32, #tpu.memory_space<hbm>> -> memref<10112x16xf32, #tpu.memory_space<hbm>>
      tpu.wait_indirect_dma semaphore(%arg15 : memref<!tpu.dma_semaphore, #tpu.memory_space<semaphore_mem>>) src(%dma_wait3A_157 : memref<10112x16xf32, #tpu.memory_space<hbm>>) dst(%dma_wait3A_151 : memref<64x16xf32, #tpu.memory_space<vmem>>)
      %dma_wait3A_158 = arith.constant 0 : i32
      %dma_wait3A_159 = arith.constant 0 : i32
      %dma_wait3A_160 = arith.constant 0 : i32
      %dma_wait3A_161 = tpu.memref_slice %arg11[%rem3A_131, %dma_wait3A_159, %dma_wait3A_160] : memref<2x64x128xf32, #tpu.memory_space<vmem>> -> memref<1x64x128xf32, #tpu.memory_space<vmem>>
      %dma_wait3A_162 = tpu.memref_squeeze %dma_wait3A_161 : memref<1x64x128xf32, #tpu.memory_space<vmem>> -> memref<64x128xf32, #tpu.memory_space<vmem>>
      %dma_wait3A_163 = arith.constant 0 : i32
      %dma_wait3A_164 = tpu.memref_slice %arg8[%rem3A_133, %dma_wait3A_158, %dma_wait3A_163] : memref<4x2x64xi32, #tpu.memory_space<vmem>> -> memref<1x1x64xi32, #tpu.memory_space<vmem>>
      %dma_wait3A_165 = tpu.memref_squeeze %dma_wait3A_164 : memref<1x1x64xi32, #tpu.memory_space<vmem>> -> memref<64xi32, #tpu.memory_space<vmem>>
      %dma_wait3A_166 = arith.constant 0 : i32
      %dma_wait3A_167 = arith.constant 0 : i32
      %dma_wait3A_168 = tpu.memref_slice %arg5[%dma_wait3A_166, %dma_wait3A_167] : memref<10112x128xf32, #tpu.memory_space<hbm>> -> memref<10112x128xf32, #tpu.memory_space<hbm>>
      tpu.wait_indirect_dma semaphore(%arg15 : memref<!tpu.dma_semaphore, #tpu.memory_space<semaphore_mem>>) src(%dma_wait3A_168 : memref<10112x128xf32, #tpu.memory_space<hbm>>) dst(%dma_wait3A_162 : memref<64x128xf32, #tpu.memory_space<vmem>>)
      %add3A_169 = arith.constant 1 : i32
      %add3A_170 = arith.addi %scan3A_130, %add3A_169 : i32
      %lt3A = arith.constant 158 : i32
      %lt3A_171 = arith.cmpi slt, %add3A_170, %lt3A : i32
      %convert_element_type3A_172 = arith.extui %lt3A_171 : i1 to i32
      %cond3A_173 = arith.constant 0 : i32
      %cond3A_174 = arith.cmpi ne, %convert_element_type3A_172, %cond3A_173 : i32
      scf.if %cond3A_174 {
        %add3A_197 = arith.constant 1 : i32
        %add3A_198 = arith.addi %scan3A_130, %add3A_197 : i32
        %rem3A_199 = arith.constant 4 : i32
        %rem3A_200 = arith.remsi %add3A_198, %rem3A_199 : i32
        %dma_wait3A_201 = arith.constant 0 : i32
        %dma_wait3A_202 = arith.constant 0 : i32
        %dma_wait3A_203 = tpu.memref_slice %arg8[%rem3A_200, %dma_wait3A_201, %dma_wait3A_202] : memref<4x2x64xi32, #tpu.memory_space<vmem>> -> memref<1x2x64xi32, #tpu.memory_space<vmem>>
        %dma_wait3A_204 = tpu.memref_squeeze %dma_wait3A_203 : memref<1x2x64xi32, #tpu.memory_space<vmem>> -> memref<2x64xi32, #tpu.memory_space<vmem>>
        %dma_wait3A_205 = arith.constant 0 : i32
        %dma_wait3A_206 = tpu.memref_slice %arg2[%dma_wait3A_205, %mul3A_4] : memref<2x323584xi32, #tpu.memory_space<hbm>> -> memref<2x64xi32, #tpu.memory_space<hbm>>
        %dma_wait3A_207 = arith.constant 0 : i32
        %dma_wait3A_208 = arith.constant 0 : i32
        %dma_wait3A_209 = tpu.memref_slice %arg8[%rem3A_200, %dma_wait3A_207, %dma_wait3A_208] : memref<4x2x64xi32, #tpu.memory_space<vmem>> -> memref<1x2x64xi32, #tpu.memory_space<vmem>>
        %dma_wait3A_210 = tpu.memref_squeeze %dma_wait3A_209 : memref<1x2x64xi32, #tpu.memory_space<vmem>> -> memref<2x64xi32, #tpu.memory_space<vmem>>
        %dma_wait3A_211 = arith.constant 0 : i32
        %dma_wait3A_212 = tpu.memref_slice %arg2[%dma_wait3A_211, %mul3A_4] : memref<2x323584xi32, #tpu.memory_space<hbm>> -> memref<2x64xi32, #tpu.memory_space<hbm>>
        tpu.wait_dma2 semaphore(%arg14 : memref<!tpu.dma_semaphore, #tpu.memory_space<semaphore_mem>>) src(%dma_wait3A_212 : memref<2x64xi32, #tpu.memory_space<hbm>>) dst(%dma_wait3A_210 : memref<2x64xi32, #tpu.memory_space<vmem>>)
        %add3A_213 = arith.constant 1 : i32
        %add3A_214 = arith.addi %scan3A_130, %add3A_213 : i32
        %rem3A_215 = arith.constant 4 : i32
        %rem3A_216 = arith.remsi %add3A_214, %rem3A_215 : i32
        %sub3A = arith.constant 1 : i32
        %sub3A_217 = arith.subi %sub3A, %rem3A_131 : i32
        %dma_start3A_218 = arith.constant 0 : i32
        %dma_start3A_219 = arith.constant 0 : i32
        %dma_start3A_220 = arith.constant 0 : i32
        %dma_start3A_221 = tpu.memref_slice %arg9[%sub3A_217, %dma_start3A_219, %dma_start3A_220] : memref<2x64x16xf32, #tpu.memory_space<vmem>> -> memref<1x64x16xf32, #tpu.memory_space<vmem>>
        %dma_start3A_222 = tpu.memref_squeeze %dma_start3A_221 : memref<1x64x16xf32, #tpu.memory_space<vmem>> -> memref<64x16xf32, #tpu.memory_space<vmem>>
        %dma_start3A_223 = arith.constant 0 : i32
        %dma_start3A_224 = tpu.memref_slice %arg8[%rem3A_216, %dma_start3A_218, %dma_start3A_223] : memref<4x2x64xi32, #tpu.memory_space<vmem>> -> memref<1x1x64xi32, #tpu.memory_space<vmem>>
        %dma_start3A_225 = tpu.memref_squeeze %dma_start3A_224 : memref<1x1x64xi32, #tpu.memory_space<vmem>> -> memref<64xi32, #tpu.memory_space<vmem>>
        %dma_start3A_226 = arith.constant 0 : i32
        %dma_start3A_227 = arith.constant 0 : i32
        %dma_start3A_228 = tpu.memref_slice %arg3[%dma_start3A_226, %dma_start3A_227] : memref<10112x16xf32, #tpu.memory_space<hbm>> -> memref<10112x16xf32, #tpu.memory_space<hbm>>
        tpu.enqueue_indirect_dma source(%dma_start3A_228 : memref<10112x16xf32, #tpu.memory_space<hbm>>) target(%dma_start3A_222 : memref<64x16xf32, #tpu.memory_space<vmem>>) offsets(%dma_start3A_225 : memref<64xi32, #tpu.memory_space<vmem>>) semaphore(%arg15 : memref<!tpu.dma_semaphore, #tpu.memory_space<semaphore_mem>>)
        %dma_start3A_229 = arith.constant 1 : i32
        %dma_start3A_230 = arith.constant 0 : i32
        %dma_start3A_231 = arith.constant 0 : i32
        %dma_start3A_232 = tpu.memref_slice %arg10[%sub3A_217, %dma_start3A_230, %dma_start3A_231] : memref<2x64x16xf32, #tpu.memory_space<vmem>> -> memref<1x64x16xf32, #tpu.memory_space<vmem>>
        %dma_start3A_233 = tpu.memref_squeeze %dma_start3A_232 : memref<1x64x16xf32, #tpu.memory_space<vmem>> -> memref<64x16xf32, #tpu.memory_space<vmem>>
        %dma_start3A_234 = arith.constant 0 : i32
        %dma_start3A_235 = tpu.memref_slice %arg8[%rem3A_216, %dma_start3A_229, %dma_start3A_234] : memref<4x2x64xi32, #tpu.memory_space<vmem>> -> memref<1x1x64xi32, #tpu.memory_space<vmem>>
        %dma_start3A_236 = tpu.memref_squeeze %dma_start3A_235 : memref<1x1x64xi32, #tpu.memory_space<vmem>> -> memref<64xi32, #tpu.memory_space<vmem>>
        %dma_start3A_237 = arith.constant 0 : i32
        %dma_start3A_238 = arith.constant 0 : i32
        %dma_start3A_239 = tpu.memref_slice %arg4[%dma_start3A_237, %dma_start3A_238] : memref<10112x16xf32, #tpu.memory_space<hbm>> -> memref<10112x16xf32, #tpu.memory_space<hbm>>
        tpu.enqueue_indirect_dma source(%dma_start3A_239 : memref<10112x16xf32, #tpu.memory_space<hbm>>) target(%dma_start3A_233 : memref<64x16xf32, #tpu.memory_space<vmem>>) offsets(%dma_start3A_236 : memref<64xi32, #tpu.memory_space<vmem>>) semaphore(%arg15 : memref<!tpu.dma_semaphore, #tpu.memory_space<semaphore_mem>>)
        %dma_start3A_240 = arith.constant 0 : i32
        %dma_start3A_241 = arith.constant 0 : i32
        %dma_start3A_242 = arith.constant 0 : i32
        %dma_start3A_243 = tpu.memref_slice %arg11[%sub3A_217, %dma_start3A_241, %dma_start3A_242] : memref<2x64x128xf32, #tpu.memory_space<vmem>> -> memref<1x64x128xf32, #tpu.memory_space<vmem>>
        %dma_start3A_244 = tpu.memref_squeeze %dma_start3A_243 : memref<1x64x128xf32, #tpu.memory_space<vmem>> -> memref<64x128xf32, #tpu.memory_space<vmem>>
        %dma_start3A_245 = arith.constant 0 : i32
        %dma_start3A_246 = tpu.memref_slice %arg8[%rem3A_216, %dma_start3A_240, %dma_start3A_245] : memref<4x2x64xi32, #tpu.memory_space<vmem>> -> memref<1x1x64xi32, #tpu.memory_space<vmem>>
        %dma_start3A_247 = tpu.memref_squeeze %dma_start3A_246 : memref<1x1x64xi32, #tpu.memory_space<vmem>> -> memref<64xi32, #tpu.memory_space<vmem>>
        %dma_start3A_248 = arith.constant 0 : i32
        %dma_start3A_249 = arith.constant 0 : i32
        %dma_start3A_250 = tpu.memref_slice %arg5[%dma_start3A_248, %dma_start3A_249] : memref<10112x128xf32, #tpu.memory_space<hbm>> -> memref<10112x128xf32, #tpu.memory_space<hbm>>
        tpu.enqueue_indirect_dma source(%dma_start3A_250 : memref<10112x128xf32, #tpu.memory_space<hbm>>) target(%dma_start3A_244 : memref<64x128xf32, #tpu.memory_space<vmem>>) offsets(%dma_start3A_247 : memref<64xi32, #tpu.memory_space<vmem>>) semaphore(%arg15 : memref<!tpu.dma_semaphore, #tpu.memory_space<semaphore_mem>>)
      } else {
      }
      %add3A_175 = arith.constant 2 : i32
      %add3A_176 = arith.addi %scan3A_130, %add3A_175 : i32
      %lt3A_177 = arith.constant 158 : i32
      %lt3A_178 = arith.cmpi slt, %add3A_176, %lt3A_177 : i32
      %convert_element_type3A_179 = arith.extui %lt3A_178 : i1 to i32
      %cond3A_180 = arith.constant 0 : i32
      %cond3A_181 = arith.cmpi ne, %convert_element_type3A_179, %cond3A_180 : i32
      scf.if %cond3A_181 {
        %add3A_197 = arith.constant 2 : i32
        %add3A_198 = arith.addi %scan3A_130, %add3A_197 : i32
        %add3A_199 = arith.constant 2 : i32
        %add3A_200 = arith.addi %scan3A_130, %add3A_199 : i32
        %rem3A_201 = arith.constant 4 : i32
        %rem3A_202 = arith.remsi %add3A_200, %rem3A_201 : i32
        %mul3A_203 = arith.constant 64 : i32
        %mul3A_204 = arith.muli %add3A_198, %mul3A_203 : i32
        %add3A_205 = arith.addi %mul3A_4, %mul3A_204 : i32
        %dma_start3A_206 = arith.constant 0 : i32
        %dma_start3A_207 = arith.constant 0 : i32
        %dma_start3A_208 = tpu.memref_slice %arg8[%rem3A_202, %dma_start3A_206, %dma_start3A_207] : memref<4x2x64xi32, #tpu.memory_space<vmem>> -> memref<1x2x64xi32, #tpu.memory_space<vmem>>
        %dma_start3A_209 = tpu.memref_squeeze %dma_start3A_208 : memref<1x2x64xi32, #tpu.memory_space<vmem>> -> memref<2x64xi32, #tpu.memory_space<vmem>>
        %dma_start3A_210 = arith.constant 0 : i32
        %dma_start3A_211 = tpu.memref_slice %arg2[%dma_start3A_210, %add3A_205] : memref<2x323584xi32, #tpu.memory_space<hbm>> -> memref<2x64xi32, #tpu.memory_space<hbm>>
        %dma_start3A_212 = arith.constant 0 : i32
        %dma_start3A_213 = arith.constant 0 : i32
        %dma_start3A_214 = tpu.memref_slice %arg8[%rem3A_202, %dma_start3A_212, %dma_start3A_213] : memref<4x2x64xi32, #tpu.memory_space<vmem>> -> memref<1x2x64xi32, #tpu.memory_space<vmem>>
        %dma_start3A_215 = tpu.memref_squeeze %dma_start3A_214 : memref<1x2x64xi32, #tpu.memory_space<vmem>> -> memref<2x64xi32, #tpu.memory_space<vmem>>
        %dma_start3A_216 = arith.constant 0 : i32
        %dma_start3A_217 = tpu.memref_slice %arg2[%dma_start3A_216, %add3A_205] : memref<2x323584xi32, #tpu.memory_space<hbm>> -> memref<2x64xi32, #tpu.memory_space<hbm>>
        tpu.enqueue_dma source(%dma_start3A_217 : memref<2x64xi32, #tpu.memory_space<hbm>>) target(%dma_start3A_215 : memref<2x64xi32, #tpu.memory_space<vmem>>) target_semaphore(%arg14 : memref<!tpu.dma_semaphore, #tpu.memory_space<semaphore_mem>>)
      } else {
      }
      %parallel_loop3A = arith.constant 0 : i32
      %parallel_loop3A_182 = arith.constant 64 : i32
      %parallel_loop3A_183 = arith.constant 1 : i32
      scf.for %parallel_loop3A_197 = %parallel_loop3A to %parallel_loop3A_182 step %parallel_loop3A_183  : i32 {
        %parallel_loop3A_198 = arith.index_cast %rem3A_131 : i32 to index
        %parallel_loop3A_199 = arith.index_cast %parallel_loop3A_197 : i32 to index
        %parallel_loop3A_200 = arith.constant 0 : index
        %parallel_loop3A_201 = tpu.vector_load %arg9[%parallel_loop3A_198, %parallel_loop3A_199, %parallel_loop3A_200] {strides = array<i32>} : memref<2x64x16xf32, #tpu.memory_space<vmem>>, vector<1x1x16xf32>,
        %parallel_loop3A_202 = vector.shape_cast %parallel_loop3A_201 : vector<1x1x16xf32> to vector<16xf32>
        %parallel_loop3A_203 = arith.index_cast %rem3A_131 : i32 to index
        %parallel_loop3A_204 = arith.index_cast %parallel_loop3A_197 : i32 to index
        %parallel_loop3A_205 = arith.constant 0 : index
        %parallel_loop3A_206 = tpu.vector_load %arg10[%parallel_loop3A_203, %parallel_loop3A_204, %parallel_loop3A_205] {strides = array<i32>} : memref<2x64x16xf32, #tpu.memory_space<vmem>>, vector<1x1x16xf32>,
        %parallel_loop3A_207 = vector.shape_cast %parallel_loop3A_206 : vector<1x1x16xf32> to vector<16xf32>
        %parallel_loop3A_208 = arith.addf %parallel_loop3A_202, %parallel_loop3A_207 : vector<16xf32>
        %parallel_loop3A_209 = arith.constant 0.000000e+00 : f32
        %parallel_loop3A_210 = vector.broadcast %parallel_loop3A_209 : f32 to vector<16xf32>
        %parallel_loop3A_211 = arith.cmpf ogt, %parallel_loop3A_208, %parallel_loop3A_210 : vector<16xf32>
        %parallel_loop3A_212 = arith.constant 2.000000e-01 : f32
        %parallel_loop3A_213 = vector.broadcast %parallel_loop3A_212 : f32 to vector<16xf32>
        %parallel_loop3A_214 = arith.mulf %parallel_loop3A_208, %parallel_loop3A_213 : vector<16xf32>
        %parallel_loop3A_215 = arith.select %parallel_loop3A_211, %parallel_loop3A_208, %parallel_loop3A_214 : vector<16xi1>, vector<16xf32>
        %parallel_loop3A_216 = math.exp %parallel_loop3A_215 : vector<16xf32>
        %parallel_loop3A_217 = arith.index_cast %rem3A_131 : i32 to index
        %parallel_loop3A_218 = arith.index_cast %parallel_loop3A_197 : i32 to index
        %parallel_loop3A_219 = arith.constant 128 : index
        %parallel_loop3A_220 = tpu.vector_load %arg12[%parallel_loop3A_217, %parallel_loop3A_218, %parallel_loop3A_219] {strides = array<i32>} : memref<2x64x144xf32, #tpu.memory_space<vmem>>, vector<1x1x16xf32>,
        %parallel_loop3A_221 = vector.shape_cast %parallel_loop3A_220 : vector<1x1x16xf32> to vector<16xf32>
        %parallel_loop3A_222 = vector.shape_cast %parallel_loop3A_216 : vector<16xf32> to vector<1x1x16xf32>
        tpu.vector_store %arg12[%parallel_loop3A_217, %parallel_loop3A_218, %parallel_loop3A_219], %parallel_loop3A_222 {strides = array<i32>} : memref<2x64x144xf32, #tpu.memory_space<vmem>>, vector<1x1x16xf32>,
        %parallel_loop3A_223 = vector.extract_strided_slice %parallel_loop3A_216 {offsets = [0], sizes = [1], strides = [1]} : vector<16xf32> to vector<1xf32>
        %parallel_loop3A_224 = vector.extract %parallel_loop3A_223[0] : f32 from vector<1xf32>
        %parallel_loop3A_225 = arith.index_cast %rem3A_131 : i32 to index
        %parallel_loop3A_226 = arith.index_cast %parallel_loop3A_197 : i32 to index
        %parallel_loop3A_227 = arith.constant 0 : index
        %parallel_loop3A_228 = tpu.vector_load %arg11[%parallel_loop3A_225, %parallel_loop3A_226, %parallel_loop3A_227] {strides = array<i32>} : memref<2x64x128xf32, #tpu.memory_space<vmem>>, vector<1x1x16xf32>,
        %parallel_loop3A_229 = vector.shape_cast %parallel_loop3A_228 : vector<1x1x16xf32> to vector<16xf32>
        %parallel_loop3A_230 = vector.broadcast %parallel_loop3A_224 : f32 to vector<16xf32>
        %parallel_loop3A_231 = arith.mulf %parallel_loop3A_230, %parallel_loop3A_229 : vector<16xf32>
        %parallel_loop3A_232 = arith.index_cast %rem3A_131 : i32 to index
        %parallel_loop3A_233 = arith.index_cast %parallel_loop3A_197 : i32 to index
        %parallel_loop3A_234 = arith.constant 0 : index
        %parallel_loop3A_235 = tpu.vector_load %arg12[%parallel_loop3A_232, %parallel_loop3A_233, %parallel_loop3A_234] {strides = array<i32>} : memref<2x64x144xf32, #tpu.memory_space<vmem>>, vector<1x1x16xf32>,
        %parallel_loop3A_236 = vector.shape_cast %parallel_loop3A_235 : vector<1x1x16xf32> to vector<16xf32>
        %parallel_loop3A_237 = vector.shape_cast %parallel_loop3A_231 : vector<16xf32> to vector<1x1x16xf32>
        tpu.vector_store %arg12[%parallel_loop3A_232, %parallel_loop3A_233, %parallel_loop3A_234], %parallel_loop3A_237 {strides = array<i32>} : memref<2x64x144xf32, #tpu.memory_space<vmem>>, vector<1x1x16xf32>,
        %parallel_loop3A_238 = vector.extract_strided_slice %parallel_loop3A_216 {offsets = [1], sizes = [1], strides = [1]} : vector<16xf32> to vector<1xf32>
        %parallel_loop3A_239 = vector.extract %parallel_loop3A_238[0] : f32 from vector<1xf32>
        %parallel_loop3A_240 = arith.index_cast %rem3A_131 : i32 to index
        %parallel_loop3A_241 = arith.index_cast %parallel_loop3A_197 : i32 to index
        %parallel_loop3A_242 = arith.constant 16 : index
        %parallel_loop3A_243 = tpu.vector_load %arg11[%parallel_loop3A_240, %parallel_loop3A_241, %parallel_loop3A_242] {strides = array<i32>} : memref<2x64x128xf32, #tpu.memory_space<vmem>>, vector<1x1x16xf32>,
        %parallel_loop3A_244 = vector.shape_cast %parallel_loop3A_243 : vector<1x1x16xf32> to vector<16xf32>
        %parallel_loop3A_245 = vector.broadcast %parallel_loop3A_239 : f32 to vector<16xf32>
        %parallel_loop3A_246 = arith.mulf %parallel_loop3A_245, %parallel_loop3A_244 : vector<16xf32>
        %parallel_loop3A_247 = arith.index_cast %rem3A_131 : i32 to index
        %parallel_loop3A_248 = arith.index_cast %parallel_loop3A_197 : i32 to index
        %parallel_loop3A_249 = arith.constant 16 : index
        %parallel_loop3A_250 = tpu.vector_load %arg12[%parallel_loop3A_247, %parallel_loop3A_248, %parallel_loop3A_249] {strides = array<i32>} : memref<2x64x144xf32, #tpu.memory_space<vmem>>, vector<1x1x16xf32>,
        %parallel_loop3A_251 = vector.shape_cast %parallel_loop3A_250 : vector<1x1x16xf32> to vector<16xf32>
        %parallel_loop3A_252 = vector.shape_cast %parallel_loop3A_246 : vector<16xf32> to vector<1x1x16xf32>
        tpu.vector_store %arg12[%parallel_loop3A_247, %parallel_loop3A_248, %parallel_loop3A_249], %parallel_loop3A_252 {strides = array<i32>} : memref<2x64x144xf32, #tpu.memory_space<vmem>>, vector<1x1x16xf32>,
        %parallel_loop3A_253 = vector.extract_strided_slice %parallel_loop3A_216 {offsets = [2], sizes = [1], strides = [1]} : vector<16xf32> to vector<1xf32>
        %parallel_loop3A_254 = vector.extract %parallel_loop3A_253[0] : f32 from vector<1xf32>
        %parallel_loop3A_255 = arith.index_cast %rem3A_131 : i32 to index
        %parallel_loop3A_256 = arith.index_cast %parallel_loop3A_197 : i32 to index
        %parallel_loop3A_257 = arith.constant 32 : index
        %parallel_loop3A_258 = tpu.vector_load %arg11[%parallel_loop3A_255, %parallel_loop3A_256, %parallel_loop3A_257] {strides = array<i32>} : memref<2x64x128xf32, #tpu.memory_space<vmem>>, vector<1x1x16xf32>,
        %parallel_loop3A_259 = vector.shape_cast %parallel_loop3A_258 : vector<1x1x16xf32> to vector<16xf32>
        %parallel_loop3A_260 = vector.broadcast %parallel_loop3A_254 : f32 to vector<16xf32>
        %parallel_loop3A_261 = arith.mulf %parallel_loop3A_260, %parallel_loop3A_259 : vector<16xf32>
        %parallel_loop3A_262 = arith.index_cast %rem3A_131 : i32 to index
        %parallel_loop3A_263 = arith.index_cast %parallel_loop3A_197 : i32 to index
        %parallel_loop3A_264 = arith.constant 32 : index
        %parallel_loop3A_265 = tpu.vector_load %arg12[%parallel_loop3A_262, %parallel_loop3A_263, %parallel_loop3A_264] {strides = array<i32>} : memref<2x64x144xf32, #tpu.memory_space<vmem>>, vector<1x1x16xf32>,
        %parallel_loop3A_266 = vector.shape_cast %parallel_loop3A_265 : vector<1x1x16xf32> to vector<16xf32>
        %parallel_loop3A_267 = vector.shape_cast %parallel_loop3A_261 : vector<16xf32> to vector<1x1x16xf32>
        tpu.vector_store %arg12[%parallel_loop3A_262, %parallel_loop3A_263, %parallel_loop3A_264], %parallel_loop3A_267 {strides = array<i32>} : memref<2x64x144xf32, #tpu.memory_space<vmem>>, vector<1x1x16xf32>,
        %parallel_loop3A_268 = vector.extract_strided_slice %parallel_loop3A_216 {offsets = [3], sizes = [1], strides = [1]} : vector<16xf32> to vector<1xf32>
        %parallel_loop3A_269 = vector.extract %parallel_loop3A_268[0] : f32 from vector<1xf32>
        %parallel_loop3A_270 = arith.index_cast %rem3A_131 : i32 to index
        %parallel_loop3A_271 = arith.index_cast %parallel_loop3A_197 : i32 to index
        %parallel_loop3A_272 = arith.constant 48 : index
        %parallel_loop3A_273 = tpu.vector_load %arg11[%parallel_loop3A_270, %parallel_loop3A_271, %parallel_loop3A_272] {strides = array<i32>} : memref<2x64x128xf32, #tpu.memory_space<vmem>>, vector<1x1x16xf32>,
        %parallel_loop3A_274 = vector.shape_cast %parallel_loop3A_273 : vector<1x1x16xf32> to vector<16xf32>
        %parallel_loop3A_275 = vector.broadcast %parallel_loop3A_269 : f32 to vector<16xf32>
        %parallel_loop3A_276 = arith.mulf %parallel_loop3A_275, %parallel_loop3A_274 : vector<16xf32>
        %parallel_loop3A_277 = arith.index_cast %rem3A_131 : i32 to index
        %parallel_loop3A_278 = arith.index_cast %parallel_loop3A_197 : i32 to index
        %parallel_loop3A_279 = arith.constant 48 : index
        %parallel_loop3A_280 = tpu.vector_load %arg12[%parallel_loop3A_277, %parallel_loop3A_278, %parallel_loop3A_279] {strides = array<i32>} : memref<2x64x144xf32, #tpu.memory_space<vmem>>, vector<1x1x16xf32>,
        %parallel_loop3A_281 = vector.shape_cast %parallel_loop3A_280 : vector<1x1x16xf32> to vector<16xf32>
        %parallel_loop3A_282 = vector.shape_cast %parallel_loop3A_276 : vector<16xf32> to vector<1x1x16xf32>
        tpu.vector_store %arg12[%parallel_loop3A_277, %parallel_loop3A_278, %parallel_loop3A_279], %parallel_loop3A_282 {strides = array<i32>} : memref<2x64x144xf32, #tpu.memory_space<vmem>>, vector<1x1x16xf32>,
        %parallel_loop3A_283 = vector.extract_strided_slice %parallel_loop3A_216 {offsets = [4], sizes = [1], strides = [1]} : vector<16xf32> to vector<1xf32>
        %parallel_loop3A_284 = vector.extract %parallel_loop3A_283[0] : f32 from vector<1xf32>
        %parallel_loop3A_285 = arith.index_cast %rem3A_131 : i32 to index
        %parallel_loop3A_286 = arith.index_cast %parallel_loop3A_197 : i32 to index
        %parallel_loop3A_287 = arith.constant 64 : index
        %parallel_loop3A_288 = tpu.vector_load %arg11[%parallel_loop3A_285, %parallel_loop3A_286, %parallel_loop3A_287] {strides = array<i32>} : memref<2x64x128xf32, #tpu.memory_space<vmem>>, vector<1x1x16xf32>,
        %parallel_loop3A_289 = vector.shape_cast %parallel_loop3A_288 : vector<1x1x16xf32> to vector<16xf32>
        %parallel_loop3A_290 = vector.broadcast %parallel_loop3A_284 : f32 to vector<16xf32>
        %parallel_loop3A_291 = arith.mulf %parallel_loop3A_290, %parallel_loop3A_289 : vector<16xf32>
        %parallel_loop3A_292 = arith.index_cast %rem3A_131 : i32 to index
        %parallel_loop3A_293 = arith.index_cast %parallel_loop3A_197 : i32 to index
        %parallel_loop3A_294 = arith.constant 64 : index
        %parallel_loop3A_295 = tpu.vector_load %arg12[%parallel_loop3A_292, %parallel_loop3A_293, %parallel_loop3A_294] {strides = array<i32>} : memref<2x64x144xf32, #tpu.memory_space<vmem>>, vector<1x1x16xf32>,
        %parallel_loop3A_296 = vector.shape_cast %parallel_loop3A_295 : vector<1x1x16xf32> to vector<16xf32>
        %parallel_loop3A_297 = vector.shape_cast %parallel_loop3A_291 : vector<16xf32> to vector<1x1x16xf32>
        tpu.vector_store %arg12[%parallel_loop3A_292, %parallel_loop3A_293, %parallel_loop3A_294], %parallel_loop3A_297 {strides = array<i32>} : memref<2x64x144xf32, #tpu.memory_space<vmem>>, vector<1x1x16xf32>,
        %parallel_loop3A_298 = vector.extract_strided_slice %parallel_loop3A_216 {offsets = [5], sizes = [1], strides = [1]} : vector<16xf32> to vector<1xf32>
        %parallel_loop3A_299 = vector.extract %parallel_loop3A_298[0] : f32 from vector<1xf32>
        %parallel_loop3A_300 = arith.index_cast %rem3A_131 : i32 to index
        %parallel_loop3A_301 = arith.index_cast %parallel_loop3A_197 : i32 to index
        %parallel_loop3A_302 = arith.constant 80 : index
        %parallel_loop3A_303 = tpu.vector_load %arg11[%parallel_loop3A_300, %parallel_loop3A_301, %parallel_loop3A_302] {strides = array<i32>} : memref<2x64x128xf32, #tpu.memory_space<vmem>>, vector<1x1x16xf32>,
        %parallel_loop3A_304 = vector.shape_cast %parallel_loop3A_303 : vector<1x1x16xf32> to vector<16xf32>
        %parallel_loop3A_305 = vector.broadcast %parallel_loop3A_299 : f32 to vector<16xf32>
        %parallel_loop3A_306 = arith.mulf %parallel_loop3A_305, %parallel_loop3A_304 : vector<16xf32>
        %parallel_loop3A_307 = arith.index_cast %rem3A_131 : i32 to index
        %parallel_loop3A_308 = arith.index_cast %parallel_loop3A_197 : i32 to index
        %parallel_loop3A_309 = arith.constant 80 : index
        %parallel_loop3A_310 = tpu.vector_load %arg12[%parallel_loop3A_307, %parallel_loop3A_308, %parallel_loop3A_309] {strides = array<i32>} : memref<2x64x144xf32, #tpu.memory_space<vmem>>, vector<1x1x16xf32>,
        %parallel_loop3A_311 = vector.shape_cast %parallel_loop3A_310 : vector<1x1x16xf32> to vector<16xf32>
        %parallel_loop3A_312 = vector.shape_cast %parallel_loop3A_306 : vector<16xf32> to vector<1x1x16xf32>
        tpu.vector_store %arg12[%parallel_loop3A_307, %parallel_loop3A_308, %parallel_loop3A_309], %parallel_loop3A_312 {strides = array<i32>} : memref<2x64x144xf32, #tpu.memory_space<vmem>>, vector<1x1x16xf32>,
        %parallel_loop3A_313 = vector.extract_strided_slice %parallel_loop3A_216 {offsets = [6], sizes = [1], strides = [1]} : vector<16xf32> to vector<1xf32>
        %parallel_loop3A_314 = vector.extract %parallel_loop3A_313[0] : f32 from vector<1xf32>
        %parallel_loop3A_315 = arith.index_cast %rem3A_131 : i32 to index
        %parallel_loop3A_316 = arith.index_cast %parallel_loop3A_197 : i32 to index
        %parallel_loop3A_317 = arith.constant 96 : index
        %parallel_loop3A_318 = tpu.vector_load %arg11[%parallel_loop3A_315, %parallel_loop3A_316, %parallel_loop3A_317] {strides = array<i32>} : memref<2x64x128xf32, #tpu.memory_space<vmem>>, vector<1x1x16xf32>,
        %parallel_loop3A_319 = vector.shape_cast %parallel_loop3A_318 : vector<1x1x16xf32> to vector<16xf32>
        %parallel_loop3A_320 = vector.broadcast %parallel_loop3A_314 : f32 to vector<16xf32>
        %parallel_loop3A_321 = arith.mulf %parallel_loop3A_320, %parallel_loop3A_319 : vector<16xf32>
        %parallel_loop3A_322 = arith.index_cast %rem3A_131 : i32 to index
        %parallel_loop3A_323 = arith.index_cast %parallel_loop3A_197 : i32 to index
        %parallel_loop3A_324 = arith.constant 96 : index
        %parallel_loop3A_325 = tpu.vector_load %arg12[%parallel_loop3A_322, %parallel_loop3A_323, %parallel_loop3A_324] {strides = array<i32>} : memref<2x64x144xf32, #tpu.memory_space<vmem>>, vector<1x1x16xf32>,
        %parallel_loop3A_326 = vector.shape_cast %parallel_loop3A_325 : vector<1x1x16xf32> to vector<16xf32>
        %parallel_loop3A_327 = vector.shape_cast %parallel_loop3A_321 : vector<16xf32> to vector<1x1x16xf32>
        tpu.vector_store %arg12[%parallel_loop3A_322, %parallel_loop3A_323, %parallel_loop3A_324], %parallel_loop3A_327 {strides = array<i32>} : memref<2x64x144xf32, #tpu.memory_space<vmem>>, vector<1x1x16xf32>,
        %parallel_loop3A_328 = vector.extract_strided_slice %parallel_loop3A_216 {offsets = [7], sizes = [1], strides = [1]} : vector<16xf32> to vector<1xf32>
        %parallel_loop3A_329 = vector.extract %parallel_loop3A_328[0] : f32 from vector<1xf32>
        %parallel_loop3A_330 = arith.index_cast %rem3A_131 : i32 to index
        %parallel_loop3A_331 = arith.index_cast %parallel_loop3A_197 : i32 to index
        %parallel_loop3A_332 = arith.constant 112 : index
        %parallel_loop3A_333 = tpu.vector_load %arg11[%parallel_loop3A_330, %parallel_loop3A_331, %parallel_loop3A_332] {strides = array<i32>} : memref<2x64x128xf32, #tpu.memory_space<vmem>>, vector<1x1x16xf32>,
        %parallel_loop3A_334 = vector.shape_cast %parallel_loop3A_333 : vector<1x1x16xf32> to vector<16xf32>
        %parallel_loop3A_335 = vector.broadcast %parallel_loop3A_329 : f32 to vector<16xf32>
        %parallel_loop3A_336 = arith.mulf %parallel_loop3A_335, %parallel_loop3A_334 : vector<16xf32>
        %parallel_loop3A_337 = arith.index_cast %rem3A_131 : i32 to index
        %parallel_loop3A_338 = arith.index_cast %parallel_loop3A_197 : i32 to index
        %parallel_loop3A_339 = arith.constant 112 : index
        %parallel_loop3A_340 = tpu.vector_load %arg12[%parallel_loop3A_337, %parallel_loop3A_338, %parallel_loop3A_339] {strides = array<i32>} : memref<2x64x144xf32, #tpu.memory_space<vmem>>, vector<1x1x16xf32>,
        %parallel_loop3A_341 = vector.shape_cast %parallel_loop3A_340 : vector<1x1x16xf32> to vector<16xf32>
        %parallel_loop3A_342 = vector.shape_cast %parallel_loop3A_336 : vector<16xf32> to vector<1x1x16xf32>
        tpu.vector_store %arg12[%parallel_loop3A_337, %parallel_loop3A_338, %parallel_loop3A_339], %parallel_loop3A_342 {strides = array<i32>} : memref<2x64x144xf32, #tpu.memory_space<vmem>>, vector<1x1x16xf32>,
      } {sc.loop_unroll_factor = 16 : i64, sc.parallel_access}
      %dma_start3A_184 = arith.constant 1 : i32
      %dma_start3A_185 = arith.constant 0 : i32
      %dma_start3A_186 = arith.constant 0 : i32
      %dma_start3A_187 = tpu.memref_slice %arg12[%rem3A_131, %dma_start3A_185, %dma_start3A_186] : memref<2x64x144xf32, #tpu.memory_space<vmem>> -> memref<1x64x144xf32, #tpu.memory_space<vmem>>
      %dma_start3A_188 = tpu.memref_squeeze %dma_start3A_187 : memref<1x64x144xf32, #tpu.memory_space<vmem>> -> memref<64x144xf32, #tpu.memory_space<vmem>>
      %dma_start3A_189 = arith.constant 0 : i32
      %dma_start3A_190 = tpu.memref_slice %arg8[%rem3A_133, %dma_start3A_184, %dma_start3A_189] : memref<4x2x64xi32, #tpu.memory_space<vmem>> -> memref<1x1x64xi32, #tpu.memory_space<vmem>>
      %dma_start3A_191 = tpu.memref_squeeze %dma_start3A_190 : memref<1x1x64xi32, #tpu.memory_space<vmem>> -> memref<64xi32, #tpu.memory_space<vmem>>
      %dma_start3A_192 = arith.constant 0 : i32
      %dma_start3A_193 = arith.constant 0 : i32
      %dma_start3A_194 = tpu.memref_slice %arg13[%dma_start3A_192, %dma_start3A_193] : memref<10112x144xf32, #tpu.memory_space<vmem_shared>> -> memref<10112x144xf32, #tpu.memory_space<vmem_shared>>
      %dma_start3A_195 = tpu.memref_slice %arg16[%rem3A_131] : memref<2x!tpu.dma_semaphore, #tpu.memory_space<semaphore_mem>> -> memref<1x!tpu.dma_semaphore, #tpu.memory_space<semaphore_mem>>
      %dma_start3A_196 = tpu.memref_squeeze %dma_start3A_195 : memref<1x!tpu.dma_semaphore, #tpu.memory_space<semaphore_mem>> -> memref<!tpu.dma_semaphore, #tpu.memory_space<semaphore_mem>>
      tpu.enqueue_indirect_dma source(%dma_start3A_188 : memref<64x144xf32, #tpu.memory_space<vmem>>) target(%dma_start3A_194 : memref<10112x144xf32, #tpu.memory_space<vmem_shared>>) offsets(%dma_start3A_191 : memref<64xi32, #tpu.memory_space<vmem>>) semaphore(%dma_start3A_196 : memref<!tpu.dma_semaphore, #tpu.memory_space<semaphore_mem>>) {add = true}
    }
    %scan3A_93 = arith.constant 158 : i32
    %dma_wait3A_94 = arith.constant 0 : i32
    %dma_wait3A_95 = arith.constant 0 : i32
    %dma_wait3A_96 = arith.constant 1 : i32
    %dma_wait3A_97 = arith.constant 0 : i32
    %dma_wait3A_98 = arith.constant 0 : i32
    %dma_wait3A_99 = arith.constant 0 : i32
    %dma_wait3A_100 = tpu.memref_slice %arg12[%dma_wait3A_94, %dma_wait3A_98, %dma_wait3A_99] : memref<2x64x144xf32, #tpu.memory_space<vmem>> -> memref<1x64x144xf32, #tpu.memory_space<vmem>>
    %dma_wait3A_101 = tpu.memref_squeeze %dma_wait3A_100 : memref<1x64x144xf32, #tpu.memory_space<vmem>> -> memref<64x144xf32, #tpu.memory_space<vmem>>
    %dma_wait3A_102 = arith.constant 0 : i32
    %dma_wait3A_103 = tpu.memref_slice %arg8[%dma_wait3A_95, %dma_wait3A_96, %dma_wait3A_102] : memref<4x2x64xi32, #tpu.memory_space<vmem>> -> memref<1x1x64xi32, #tpu.memory_space<vmem>>
    %dma_wait3A_104 = tpu.memref_squeeze %dma_wait3A_103 : memref<1x1x64xi32, #tpu.memory_space<vmem>> -> memref<64xi32, #tpu.memory_space<vmem>>
    %dma_wait3A_105 = arith.constant 0 : i32
    %dma_wait3A_106 = arith.constant 0 : i32
    %dma_wait3A_107 = tpu.memref_slice %arg13[%dma_wait3A_105, %dma_wait3A_106] : memref<10112x144xf32, #tpu.memory_space<vmem_shared>> -> memref<10112x144xf32, #tpu.memory_space<vmem_shared>>
    %dma_wait3A_108 = tpu.memref_slice %arg16[%dma_wait3A_97] : memref<2x!tpu.dma_semaphore, #tpu.memory_space<semaphore_mem>> -> memref<1x!tpu.dma_semaphore, #tpu.memory_space<semaphore_mem>>
    %dma_wait3A_109 = tpu.memref_squeeze %dma_wait3A_108 : memref<1x!tpu.dma_semaphore, #tpu.memory_space<semaphore_mem>> -> memref<!tpu.dma_semaphore, #tpu.memory_space<semaphore_mem>>
    tpu.wait_indirect_dma semaphore(%dma_wait3A_109 : memref<!tpu.dma_semaphore, #tpu.memory_space<semaphore_mem>>) src(%dma_wait3A_101 : memref<64x144xf32, #tpu.memory_space<vmem>>) dst(%dma_wait3A_107 : memref<10112x144xf32, #tpu.memory_space<vmem_shared>>)
    %dma_wait3A_110 = arith.constant 1 : i32
    %dma_wait3A_111 = arith.constant 1 : i32
    %dma_wait3A_112 = arith.constant 1 : i32
    %dma_wait3A_113 = arith.constant 1 : i32
    %dma_wait3A_114 = arith.constant 0 : i32
    %dma_wait3A_115 = arith.constant 0 : i32
    %dma_wait3A_116 = tpu.memref_slice %arg12[%dma_wait3A_110, %dma_wait3A_114, %dma_wait3A_115] : memref<2x64x144xf32, #tpu.memory_space<vmem>> -> memref<1x64x144xf32, #tpu.memory_space<vmem>>
    %dma_wait3A_117 = tpu.memref_squeeze %dma_wait3A_116 : memref<1x64x144xf32, #tpu.memory_space<vmem>> -> memref<64x144xf32, #tpu.memory_space<vmem>>
    %dma_wait3A_118 = arith.constant 0 : i32
    %dma_wait3A_119 = tpu.memref_slice %arg8[%dma_wait3A_111, %dma_wait3A_112, %dma_wait3A_118] : memref<4x2x64xi32, #tpu.memory_space<vmem>> -> memref<1x1x64xi32, #tpu.memory_space<vmem>>
    %dma_wait3A_120 = tpu.memref_squeeze %dma_wait3A_119 : memref<1x1x64xi32, #tpu.memory_space<vmem>> -> memref<64xi32, #tpu.memory_space<vmem>>
    %dma_wait3A_121 = arith.constant 0 : i32
    %dma_wait3A_122 = arith.constant 0 : i32
    %dma_wait3A_123 = tpu.memref_slice %arg13[%dma_wait3A_121, %dma_wait3A_122] : memref<10112x144xf32, #tpu.memory_space<vmem_shared>> -> memref<10112x144xf32, #tpu.memory_space<vmem_shared>>
    %dma_wait3A_124 = tpu.memref_slice %arg16[%dma_wait3A_113] : memref<2x!tpu.dma_semaphore, #tpu.memory_space<semaphore_mem>> -> memref<1x!tpu.dma_semaphore, #tpu.memory_space<semaphore_mem>>
    %dma_wait3A_125 = tpu.memref_squeeze %dma_wait3A_124 : memref<1x!tpu.dma_semaphore, #tpu.memory_space<semaphore_mem>> -> memref<!tpu.dma_semaphore, #tpu.memory_space<semaphore_mem>>
    tpu.wait_indirect_dma semaphore(%dma_wait3A_125 : memref<!tpu.dma_semaphore, #tpu.memory_space<semaphore_mem>>) src(%dma_wait3A_117 : memref<64x144xf32, #tpu.memory_space<vmem>>) dst(%dma_wait3A_123 : memref<10112x144xf32, #tpu.memory_space<vmem_shared>>)
    %barrier3A_126 = arith.constant 0 : index
    tpu.barrier barrier_id(%barrier3A_126)
    %mul3A_127 = arith.constant 10112 : i32
    %mul3A_128 = arith.muli %arg0, %mul3A_127 : i32
    %add3A_129 = arith.addi %mul3A_128, %mul3A_2 : i32
    "tpu.region"() ({
      %run_scoped3A = tpu.sem_alloc : memref<!tpu.dma_semaphore, #tpu.memory_space<semaphore_mem>>
      %dma_start3A_130 = arith.constant 0 : i32
      %dma_start3A_131 = tpu.memref_slice %arg7[%add3A_129, %dma_start3A_130] : memref<20224x144xf32, #tpu.memory_space<hbm>> -> memref<632x144xf32, #tpu.memory_space<hbm>>
      %dma_start3A_132 = arith.constant 0 : i32
      %dma_start3A_133 = tpu.memref_slice %arg13[%mul3A_2, %dma_start3A_132] : memref<10112x144xf32, #tpu.memory_space<vmem_shared>> -> memref<632x144xf32, #tpu.memory_space<vmem_shared>>
      tpu.enqueue_dma source(%dma_start3A_133 : memref<632x144xf32, #tpu.memory_space<vmem_shared>>) target(%dma_start3A_131 : memref<632x144xf32, #tpu.memory_space<hbm>>) target_semaphore(%run_scoped3A : memref<!tpu.dma_semaphore, #tpu.memory_space<semaphore_mem>>)
      %dma_wait3A_134 = arith.constant 0 : i32
      %dma_wait3A_135 = tpu.memref_slice %arg7[%add3A_129, %dma_wait3A_134] : memref<20224x144xf32, #tpu.memory_space<hbm>> -> memref<632x144xf32, #tpu.memory_space<hbm>>
      %dma_wait3A_136 = arith.constant 0 : i32
      %dma_wait3A_137 = tpu.memref_slice %arg13[%mul3A_2, %dma_wait3A_136] : memref<10112x144xf32, #tpu.memory_space<vmem_shared>> -> memref<632x144xf32, #tpu.memory_space<vmem_shared>>
      tpu.wait_dma2 semaphore(%run_scoped3A : memref<!tpu.dma_semaphore, #tpu.memory_space<semaphore_mem>>) src(%dma_wait3A_137 : memref<632x144xf32, #tpu.memory_space<vmem_shared>>) dst(%dma_wait3A_135 : memref<632x144xf32, #tpu.memory_space<hbm>>)
      tpu.yield
    }) : () -> ()
    return
  }
}

module attributes {stable_mosaic.version = 14 : i64} {
  func.func @_tc_pre_body(%arg0: i32, %arg1: memref<2528x128xf32, #tpu.memory_space<vmem>>, %arg2: memref<128x128xf32, #tpu.memory_space<vmem>>, %arg3: memref<128x16xf32, #tpu.memory_space<vmem>>, %arg4: memref<128x16xf32, #tpu.memory_space<vmem>>, %arg5: memref<2528x128xf32, #tpu.memory_space<vmem>>, %arg6: memref<2528x16xf32, #tpu.memory_space<vmem>>, %arg7: memref<2528x16xf32, #tpu.memory_space<vmem>>, %arg8: memref<2528x16xf32, #tpu.memory_space<vmem>>) attributes {dimension_semantics = [#tpu.dimension_semantics<arbitrary>], iteration_bounds = array<i64: 4>, scalar_prefetch = 0 : i64, scratch_operands = 0 : i64, tpu.core_type = #tpu.core_type<tc>, window_params = [{transform_indices = @transform_0, window_bounds = array<i64: 2528, 128>}, {pipeline_mode = #tpu.pipeline_mode<synchronous>, transform_indices = @transform_1, window_bounds = array<i64: 128, 128>}, {pipeline_mode = #tpu.pipeline_mode<synchronous>, transform_indices = @transform_2, window_bounds = array<i64: 128, 16>}, {pipeline_mode = #tpu.pipeline_mode<synchronous>, transform_indices = @transform_3, window_bounds = array<i64: 128, 16>}, {transform_indices = @transform_4, window_bounds = array<i64: 2528, 128>}, {transform_indices = @transform_5, window_bounds = array<i64: 2528, 16>}, {transform_indices = @transform_6, window_bounds = array<i64: 2528, 16>}, {transform_indices = @transform_7, window_bounds = array<i64: 2528, 16>}]} {
    %get3A = arith.constant 0 : index
    %get3A_0 = arith.constant 0 : index
    %get3A_1 = vector.load %arg1[%get3A, %get3A_0] : memref<2528x128xf32, #tpu.memory_space<vmem>>, vector<2528x128xf32>
    %get3A_2 = arith.constant 0 : index
    %get3A_3 = arith.constant 0 : index
    %get3A_4 = vector.load %arg2[%get3A_2, %get3A_3] : memref<128x128xf32, #tpu.memory_space<vmem>>, vector<128x128xf32>
    %dot_general3A = arith.constant dense<0.000000e+00> : vector<2528x128xf32>
    %dot_general3A_5 = tpu.matmul %get3A_1, %get3A_4, %dot_general3A {dimension_numbers = #tpu.dot_dimension_numbers<[1], [0], [0], [1], [0, 0, 1, 1], [], []>, transpose_lhs_hint = false} : vector<2528x128xf32>, vector<128x128xf32>, vector<2528x128xf32> -> vector<2528x128xf32>
    %get3A_6 = arith.constant 0 : index
    %get3A_7 = arith.constant 0 : index
    %get3A_8 = vector.load %arg3[%get3A_6, %get3A_7] : memref<128x16xf32, #tpu.memory_space<vmem>>, vector<128x16xf32>
    %dot_general3A_9 = arith.constant dense<0.000000e+00> : vector<2528x16xf32>
    %dot_general3A_10 = tpu.matmul %dot_general3A_5, %get3A_8, %dot_general3A_9 {dimension_numbers = #tpu.dot_dimension_numbers<[1], [0], [0], [1], [0, 0, 1, 1], [], []>, transpose_lhs_hint = false} : vector<2528x128xf32>, vector<128x16xf32>, vector<2528x16xf32> -> vector<2528x16xf32>
    %get3A_11 = arith.constant 0 : index
    %get3A_12 = arith.constant 0 : index
    %get3A_13 = vector.load %arg4[%get3A_11, %get3A_12] : memref<128x16xf32, #tpu.memory_space<vmem>>, vector<128x16xf32>
    %dot_general3A_14 = arith.constant dense<0.000000e+00> : vector<2528x16xf32>
    %dot_general3A_15 = tpu.matmul %dot_general3A_5, %get3A_13, %dot_general3A_14 {dimension_numbers = #tpu.dot_dimension_numbers<[1], [0], [0], [1], [0, 0, 1, 1], [], []>, transpose_lhs_hint = false} : vector<2528x128xf32>, vector<128x16xf32>, vector<2528x16xf32> -> vector<2528x16xf32>
    %add3A = arith.addf %dot_general3A_10, %dot_general3A_15 : vector<2528x16xf32>
    %gt3A = arith.constant 0.000000e+00 : f32
    %gt3A_16 = vector.broadcast %gt3A : f32 to vector<2528x16xf32>
    %gt3A_17 = arith.cmpf ogt, %add3A, %gt3A_16 : vector<2528x16xf32>
    %mul3A = arith.constant 2.000000e-01 : f32
    %mul3A_18 = vector.broadcast %mul3A : f32 to vector<2528x16xf32>
    %mul3A_19 = arith.mulf %mul3A_18, %add3A : vector<2528x16xf32>
    %select_n3A = arith.select %gt3A_17, %add3A, %mul3A_19 : vector<2528x16xi1>, vector<2528x16xf32>
    %swap3A = arith.constant 0 : index
    %swap3A_20 = arith.constant 0 : index
    %swap3A_21 = vector.load %arg5[%swap3A, %swap3A_20] : memref<2528x128xf32, #tpu.memory_space<vmem>>, vector<2528x128xf32>
    tpu.vector_store %arg5[%swap3A, %swap3A_20], %dot_general3A_5 {strides = array<i32>} : memref<2528x128xf32, #tpu.memory_space<vmem>>, vector<2528x128xf32>,
    %swap3A_22 = arith.constant 0 : index
    %swap3A_23 = arith.constant 0 : index
    %swap3A_24 = vector.load %arg6[%swap3A_22, %swap3A_23] : memref<2528x16xf32, #tpu.memory_space<vmem>>, vector<2528x16xf32>
    tpu.vector_store %arg6[%swap3A_22, %swap3A_23], %dot_general3A_10 {strides = array<i32>} : memref<2528x16xf32, #tpu.memory_space<vmem>>, vector<2528x16xf32>,
    %swap3A_25 = arith.constant 0 : index
    %swap3A_26 = arith.constant 0 : index
    %swap3A_27 = vector.load %arg7[%swap3A_25, %swap3A_26] : memref<2528x16xf32, #tpu.memory_space<vmem>>, vector<2528x16xf32>
    tpu.vector_store %arg7[%swap3A_25, %swap3A_26], %dot_general3A_15 {strides = array<i32>} : memref<2528x16xf32, #tpu.memory_space<vmem>>, vector<2528x16xf32>,
    %exp3A = math.exp %select_n3A : vector<2528x16xf32>
    %swap3A_28 = arith.constant 0 : index
    %swap3A_29 = arith.constant 0 : index
    %swap3A_30 = vector.load %arg8[%swap3A_28, %swap3A_29] : memref<2528x16xf32, #tpu.memory_space<vmem>>, vector<2528x16xf32>
    tpu.vector_store %arg8[%swap3A_28, %swap3A_29], %exp3A {strides = array<i32>} : memref<2528x16xf32, #tpu.memory_space<vmem>>, vector<2528x16xf32>,
    return
  }
  func.func @transform_0(%arg0: i32) -> (i32, i32) {
    %c0_i32 = arith.constant 0 : i32
    %c0_i32_0 = arith.constant 0 : i32
    return %arg0, %c0_i32 : i32, i32
  }
  func.func @transform_1(%arg0: i32) -> (i32, i32) {
    %c0_i32 = arith.constant 0 : i32
    %c0_i32_0 = arith.constant 0 : i32
    %c0_i32_1 = arith.constant 0 : i32
    return %c0_i32, %c0_i32_0 : i32, i32
  }
  func.func @transform_2(%arg0: i32) -> (i32, i32) {
    %c0_i32 = arith.constant 0 : i32
    %c0_i32_0 = arith.constant 0 : i32
    %c0_i32_1 = arith.constant 0 : i32
    return %c0_i32, %c0_i32_0 : i32, i32
  }
  func.func @transform_3(%arg0: i32) -> (i32, i32) {
    %c0_i32 = arith.constant 0 : i32
    %c0_i32_0 = arith.constant 0 : i32
    %c0_i32_1 = arith.constant 0 : i32
    return %c0_i32, %c0_i32_0 : i32, i32
  }
  func.func @transform_4(%arg0: i32) -> (i32, i32) {
    %c0_i32 = arith.constant 0 : i32
    %c0_i32_0 = arith.constant 0 : i32
    return %arg0, %c0_i32 : i32, i32
  }
  func.func @transform_5(%arg0: i32) -> (i32, i32) {
    %c0_i32 = arith.constant 0 : i32
    %c0_i32_0 = arith.constant 0 : i32
    return %arg0, %c0_i32 : i32, i32
  }
  func.func @transform_6(%arg0: i32) -> (i32, i32) {
    %c0_i32 = arith.constant 0 : i32
    %c0_i32_0 = arith.constant 0 : i32
    return %arg0, %c0_i32 : i32, i32
  }
  func.func @transform_7(%arg0: i32) -> (i32, i32) {
    %c0_i32 = arith.constant 0 : i32
    %c0_i32_0 = arith.constant 0 : i32
    return %arg0, %c0_i32 : i32, i32
  }
}

module attributes {stable_mosaic.version = 14 : i64} {
  func.func @_tc_mid_body(%arg0: i32, %arg1: memref<2528x144xf32, #tpu.memory_space<vmem>>, %arg2: memref<2528x144xf32, #tpu.memory_space<vmem>>, %arg3: memref<2528x128xf32, #tpu.memory_space<vmem>>, %arg4: memref<2528x16xf32, #tpu.memory_space<vmem>>, %arg5: memref<16x128xf32, #tpu.memory_space<vmem>>, %arg6: memref<1x128xf32, #tpu.memory_space<vmem>>, %arg7: memref<128x128xf32, #tpu.memory_space<vmem>>, %arg8: memref<128x16xf32, #tpu.memory_space<vmem>>, %arg9: memref<128x16xf32, #tpu.memory_space<vmem>>, %arg10: memref<2528x128xf32, #tpu.memory_space<vmem>>, %arg11: memref<2528x128xf32, #tpu.memory_space<vmem>>, %arg12: memref<2528x16xf32, #tpu.memory_space<vmem>>, %arg13: memref<2528x16xf32, #tpu.memory_space<vmem>>, %arg14: memref<2528x16xf32, #tpu.memory_space<vmem>>) attributes {dimension_semantics = [#tpu.dimension_semantics<arbitrary>], iteration_bounds = array<i64: 4>, scalar_prefetch = 0 : i64, scratch_operands = 0 : i64, tpu.core_type = #tpu.core_type<tc>, window_params = [{transform_indices = @transform_0, window_bounds = array<i64: 2528, 144>}, {transform_indices = @transform_1, window_bounds = array<i64: 2528, 144>}, {transform_indices = @transform_2, window_bounds = array<i64: 2528, 128>}, {transform_indices = @transform_3, window_bounds = array<i64: 2528, 16>}, {pipeline_mode = #tpu.pipeline_mode<synchronous>, transform_indices = @transform_4, window_bounds = array<i64: 16, 128>}, {pipeline_mode = #tpu.pipeline_mode<synchronous>, transform_indices = @transform_5, window_bounds = array<i64: 1, 128>}, {pipeline_mode = #tpu.pipeline_mode<synchronous>, transform_indices = @transform_6, window_bounds = array<i64: 128, 128>}, {pipeline_mode = #tpu.pipeline_mode<synchronous>, transform_indices = @transform_7, window_bounds = array<i64: 128, 16>}, {pipeline_mode = #tpu.pipeline_mode<synchronous>, transform_indices = @transform_8, window_bounds = array<i64: 128, 16>}, {transform_indices = @transform_9, window_bounds = array<i64: 2528, 128>}, {transform_indices = @transform_10, window_bounds = array<i64: 2528, 128>}, {transform_indices = @transform_11, window_bounds = array<i64: 2528, 16>}, {transform_indices = @transform_12, window_bounds = array<i64: 2528, 16>}, {transform_indices = @transform_13, window_bounds = array<i64: 2528, 16>}]} {
    %get3A = arith.constant 0 : index
    %get3A_0 = arith.constant 0 : index
    %get3A_1 = vector.load %arg1[%get3A, %get3A_0] : memref<2528x144xf32, #tpu.memory_space<vmem>>, vector<2528x144xf32>
    %get3A_2 = arith.constant 0 : index
    %get3A_3 = arith.constant 0 : index
    %get3A_4 = vector.load %arg2[%get3A_2, %get3A_3] : memref<2528x144xf32, #tpu.memory_space<vmem>>, vector<2528x144xf32>
    %add3A = arith.addf %get3A_1, %get3A_4 : vector<2528x144xf32>
    %slice3A = vector.extract_strided_slice %add3A {offsets = [0, 0], sizes = [2528, 128], strides = [1, 1]} : vector<2528x144xf32> to vector<2528x128xf32>
    %slice3A_5 = vector.extract_strided_slice %add3A {offsets = [0, 128], sizes = [2528, 16], strides = [1, 1]} : vector<2528x144xf32> to vector<2528x16xf32>
    %get3A_6 = arith.constant 0 : index
    %get3A_7 = arith.constant 0 : index
    %get3A_8 = vector.load %arg5[%get3A_6, %get3A_7] : memref<16x128xf32, #tpu.memory_space<vmem>>, vector<16x128xf32>
    %dot_general3A = arith.constant dense<0.000000e+00> : vector<2528x128xf32>
    %dot_general3A_9 = tpu.matmul %slice3A_5, %get3A_8, %dot_general3A {dimension_numbers = #tpu.dot_dimension_numbers<[1], [0], [0], [1], [0, 0, 1, 1], [], []>, transpose_lhs_hint = false} : vector<2528x16xf32>, vector<16x128xf32>, vector<2528x128xf32> -> vector<2528x128xf32>
    %get3A_10 = arith.constant 0 : index
    %get3A_11 = arith.constant 0 : index
    %get3A_12 = vector.load %arg4[%get3A_10, %get3A_11] : memref<2528x16xf32, #tpu.memory_space<vmem>>, vector<2528x16xf32>
    %get3A_13 = arith.constant 0 : index
    %get3A_14 = arith.constant 0 : index
    %get3A_15 = vector.load %arg5[%get3A_13, %get3A_14] : memref<16x128xf32, #tpu.memory_space<vmem>>, vector<16x128xf32>
    %dot_general3A_16 = arith.constant dense<0.000000e+00> : vector<2528x128xf32>
    %dot_general3A_17 = tpu.matmul %get3A_12, %get3A_15, %dot_general3A_16 {dimension_numbers = #tpu.dot_dimension_numbers<[1], [0], [0], [1], [0, 0, 1, 1], [], []>, transpose_lhs_hint = false} : vector<2528x16xf32>, vector<16x128xf32>, vector<2528x128xf32> -> vector<2528x128xf32>
    %get3A_18 = arith.constant 0 : index
    %get3A_19 = arith.constant 0 : index
    %get3A_20 = vector.load %arg3[%get3A_18, %get3A_19] : memref<2528x128xf32, #tpu.memory_space<vmem>>, vector<2528x128xf32>
    %mul3A = arith.mulf %dot_general3A_17, %get3A_20 : vector<2528x128xf32>
    %add3A_21 = arith.addf %slice3A, %mul3A : vector<2528x128xf32>
    %add3A_22 = arith.addf %dot_general3A_9, %dot_general3A_17 : vector<2528x128xf32>
    %add3A_23 = arith.constant 1.000000e-16 : f32
    %add3A_24 = vector.broadcast %add3A_23 : f32 to vector<2528x128xf32>
    %add3A_25 = arith.addf %add3A_22, %add3A_24 : vector<2528x128xf32>
    %div3A = arith.divf %add3A_21, %add3A_25 : vector<2528x128xf32>
    %get3A_26 = arith.constant 0 : index
    %get3A_27 = arith.constant 0 : index
    %get3A_28 = vector.load %arg6[%get3A_26, %get3A_27] : memref<1x128xf32, #tpu.memory_space<vmem>>, vector<1x128xf32>
    %add3A_29 = vector.broadcast %get3A_28 : vector<1x128xf32> to vector<2528x128xf32>
    %add3A_30 = arith.addf %div3A, %add3A_29 : vector<2528x128xf32>
    %gt3A = arith.constant 0.000000e+00 : f32
    %gt3A_31 = vector.broadcast %gt3A : f32 to vector<2528x128xf32>
    %gt3A_32 = arith.cmpf ogt, %add3A_30, %gt3A_31 : vector<2528x128xf32>
    %exp3A = math.exp %add3A_30 : vector<2528x128xf32>
    %sub3A = arith.constant 1.000000e+00 : f32
    %sub3A_33 = vector.broadcast %sub3A : f32 to vector<2528x128xf32>
    %sub3A_34 = arith.subf %exp3A, %sub3A_33 : vector<2528x128xf32>
    %select_n3A = arith.select %gt3A_32, %add3A_30, %sub3A_34 : vector<2528x128xi1>, vector<2528x128xf32>
    %mul3A_35 = arith.constant 2528 : i32
    %mul3A_36 = arith.muli %arg0, %mul3A_35 : i32
    %iota3A = tpu.iota {dimensions = array<i32: 0>} : vector<2528x128xi32>
    %add3A_37 = vector.broadcast %mul3A_36 : i32 to vector<2528x128xi32>
    %add3A_38 = arith.addi %add3A_37, %iota3A : vector<2528x128xi32>
    %lt3A = arith.constant 10000 : i32
    %lt3A_39 = vector.broadcast %lt3A : i32 to vector<2528x128xi32>
    %lt3A_40 = arith.cmpi slt, %add3A_38, %lt3A_39 : vector<2528x128xi32>
    %jit3A = arith.constant 0.000000e+00 : f32
    %broadcast_in_dim3A = vector.broadcast %jit3A : f32 to vector<2528x128xf32>
    %select_n3A_41 = arith.select %lt3A_40, %select_n3A, %broadcast_in_dim3A : vector<2528x128xi1>, vector<2528x128xf32>
    %get3A_42 = arith.constant 0 : index
    %get3A_43 = arith.constant 0 : index
    %get3A_44 = vector.load %arg7[%get3A_42, %get3A_43] : memref<128x128xf32, #tpu.memory_space<vmem>>, vector<128x128xf32>
    %dot_general3A_45 = arith.constant dense<0.000000e+00> : vector<2528x128xf32>
    %dot_general3A_46 = tpu.matmul %select_n3A_41, %get3A_44, %dot_general3A_45 {dimension_numbers = #tpu.dot_dimension_numbers<[1], [0], [0], [1], [0, 0, 1, 1], [], []>, transpose_lhs_hint = false} : vector<2528x128xf32>, vector<128x128xf32>, vector<2528x128xf32> -> vector<2528x128xf32>
    %get3A_47 = arith.constant 0 : index
    %get3A_48 = arith.constant 0 : index
    %get3A_49 = vector.load %arg8[%get3A_47, %get3A_48] : memref<128x16xf32, #tpu.memory_space<vmem>>, vector<128x16xf32>
    %dot_general3A_50 = arith.constant dense<0.000000e+00> : vector<2528x16xf32>
    %dot_general3A_51 = tpu.matmul %dot_general3A_46, %get3A_49, %dot_general3A_50 {dimension_numbers = #tpu.dot_dimension_numbers<[1], [0], [0], [1], [0, 0, 1, 1], [], []>, transpose_lhs_hint = false} : vector<2528x128xf32>, vector<128x16xf32>, vector<2528x16xf32> -> vector<2528x16xf32>
    %get3A_52 = arith.constant 0 : index
    %get3A_53 = arith.constant 0 : index
    %get3A_54 = vector.load %arg9[%get3A_52, %get3A_53] : memref<128x16xf32, #tpu.memory_space<vmem>>, vector<128x16xf32>
    %dot_general3A_55 = arith.constant dense<0.000000e+00> : vector<2528x16xf32>
    %dot_general3A_56 = tpu.matmul %dot_general3A_46, %get3A_54, %dot_general3A_55 {dimension_numbers = #tpu.dot_dimension_numbers<[1], [0], [0], [1], [0, 0, 1, 1], [], []>, transpose_lhs_hint = false} : vector<2528x128xf32>, vector<128x16xf32>, vector<2528x16xf32> -> vector<2528x16xf32>
    %add3A_57 = arith.addf %dot_general3A_51, %dot_general3A_56 : vector<2528x16xf32>
    %gt3A_58 = arith.constant 0.000000e+00 : f32
    %gt3A_59 = vector.broadcast %gt3A_58 : f32 to vector<2528x16xf32>
    %gt3A_60 = arith.cmpf ogt, %add3A_57, %gt3A_59 : vector<2528x16xf32>
    %mul3A_61 = arith.constant 2.000000e-01 : f32
    %mul3A_62 = vector.broadcast %mul3A_61 : f32 to vector<2528x16xf32>
    %mul3A_63 = arith.mulf %mul3A_62, %add3A_57 : vector<2528x16xf32>
    %select_n3A_64 = arith.select %gt3A_60, %add3A_57, %mul3A_63 : vector<2528x16xi1>, vector<2528x16xf32>
    %swap3A = arith.constant 0 : index
    %swap3A_65 = arith.constant 0 : index
    %swap3A_66 = vector.load %arg10[%swap3A, %swap3A_65] : memref<2528x128xf32, #tpu.memory_space<vmem>>, vector<2528x128xf32>
    tpu.vector_store %arg10[%swap3A, %swap3A_65], %select_n3A_41 {strides = array<i32>} : memref<2528x128xf32, #tpu.memory_space<vmem>>, vector<2528x128xf32>,
    %swap3A_67 = arith.constant 0 : index
    %swap3A_68 = arith.constant 0 : index
    %swap3A_69 = vector.load %arg11[%swap3A_67, %swap3A_68] : memref<2528x128xf32, #tpu.memory_space<vmem>>, vector<2528x128xf32>
    tpu.vector_store %arg11[%swap3A_67, %swap3A_68], %dot_general3A_46 {strides = array<i32>} : memref<2528x128xf32, #tpu.memory_space<vmem>>, vector<2528x128xf32>,
    %swap3A_70 = arith.constant 0 : index
    %swap3A_71 = arith.constant 0 : index
    %swap3A_72 = vector.load %arg12[%swap3A_70, %swap3A_71] : memref<2528x16xf32, #tpu.memory_space<vmem>>, vector<2528x16xf32>
    tpu.vector_store %arg12[%swap3A_70, %swap3A_71], %dot_general3A_51 {strides = array<i32>} : memref<2528x16xf32, #tpu.memory_space<vmem>>, vector<2528x16xf32>,
    %swap3A_73 = arith.constant 0 : index
    %swap3A_74 = arith.constant 0 : index
    %swap3A_75 = vector.load %arg13[%swap3A_73, %swap3A_74] : memref<2528x16xf32, #tpu.memory_space<vmem>>, vector<2528x16xf32>
    tpu.vector_store %arg13[%swap3A_73, %swap3A_74], %dot_general3A_56 {strides = array<i32>} : memref<2528x16xf32, #tpu.memory_space<vmem>>, vector<2528x16xf32>,
    %exp3A_76 = math.exp %select_n3A_64 : vector<2528x16xf32>
    %swap3A_77 = arith.constant 0 : index
    %swap3A_78 = arith.constant 0 : index
    %swap3A_79 = vector.load %arg14[%swap3A_77, %swap3A_78] : memref<2528x16xf32, #tpu.memory_space<vmem>>, vector<2528x16xf32>
    tpu.vector_store %arg14[%swap3A_77, %swap3A_78], %exp3A_76 {strides = array<i32>} : memref<2528x16xf32, #tpu.memory_space<vmem>>, vector<2528x16xf32>,
    return
  }
  func.func @transform_0(%arg0: i32) -> (i32, i32) {
    %c0_i32 = arith.constant 0 : i32
    %c0_i32_0 = arith.constant 0 : i32
    return %arg0, %c0_i32 : i32, i32
  }
  func.func @transform_1(%arg0: i32) -> (i32, i32) {
    %add3A = arith.constant 4 : i32
    %add3A_0 = arith.addi %arg0, %add3A : i32
    %c0_i32 = arith.constant 0 : i32
    %c0_i32_1 = arith.constant 0 : i32
    return %add3A_0, %c0_i32 : i32, i32
  }
  func.func @transform_2(%arg0: i32) -> (i32, i32) {
    %c0_i32 = arith.constant 0 : i32
    %c0_i32_0 = arith.constant 0 : i32
    return %arg0, %c0_i32 : i32, i32
  }
  func.func @transform_3(%arg0: i32) -> (i32, i32) {
    %c0_i32 = arith.constant 0 : i32
    %c0_i32_0 = arith.constant 0 : i32
    return %arg0, %c0_i32 : i32, i32
  }
  func.func @transform_4(%arg0: i32) -> (i32, i32) {
    %c0_i32 = arith.constant 0 : i32
    %c0_i32_0 = arith.constant 0 : i32
    %c0_i32_1 = arith.constant 0 : i32
    return %c0_i32, %c0_i32_0 : i32, i32
  }
  func.func @transform_5(%arg0: i32) -> (i32, i32) {
    %c0_i32 = arith.constant 0 : i32
    %c0_i32_0 = arith.constant 0 : i32
    %c0_i32_1 = arith.constant 0 : i32
    return %c0_i32, %c0_i32_0 : i32, i32
  }
  func.func @transform_6(%arg0: i32) -> (i32, i32) {
    %c0_i32 = arith.constant 0 : i32
    %c0_i32_0 = arith.constant 0 : i32
    %c0_i32_1 = arith.constant 0 : i32
    return %c0_i32, %c0_i32_0 : i32, i32
  }
  func.func @transform_7(%arg0: i32) -> (i32, i32) {
    %c0_i32 = arith.constant 0 : i32
    %c0_i32_0 = arith.constant 0 : i32
    %c0_i32_1 = arith.constant 0 : i32
    return %c0_i32, %c0_i32_0 : i32, i32
  }
  func.func @transform_8(%arg0: i32) -> (i32, i32) {
    %c0_i32 = arith.constant 0 : i32
    %c0_i32_0 = arith.constant 0 : i32
    %c0_i32_1 = arith.constant 0 : i32
    return %c0_i32, %c0_i32_0 : i32, i32
  }
  func.func @transform_9(%arg0: i32) -> (i32, i32) {
    %c0_i32 = arith.constant 0 : i32
    %c0_i32_0 = arith.constant 0 : i32
    return %arg0, %c0_i32 : i32, i32
  }
  func.func @transform_10(%arg0: i32) -> (i32, i32) {
    %c0_i32 = arith.constant 0 : i32
    %c0_i32_0 = arith.constant 0 : i32
    return %arg0, %c0_i32 : i32, i32
  }
  func.func @transform_11(%arg0: i32) -> (i32, i32) {
    %c0_i32 = arith.constant 0 : i32
    %c0_i32_0 = arith.constant 0 : i32
    return %arg0, %c0_i32 : i32, i32
  }
  func.func @transform_12(%arg0: i32) -> (i32, i32) {
    %c0_i32 = arith.constant 0 : i32
    %c0_i32_0 = arith.constant 0 : i32
    return %arg0, %c0_i32 : i32, i32
  }
  func.func @transform_13(%arg0: i32) -> (i32, i32) {
    %c0_i32 = arith.constant 0 : i32
    %c0_i32_0 = arith.constant 0 : i32
    return %arg0, %c0_i32 : i32, i32
  }
}

module attributes {stable_mosaic.version = 14 : i64} {
  func.func @_tc_fin_body(%arg0: i32, %arg1: memref<2528x144xf32, #tpu.memory_space<vmem>>, %arg2: memref<2528x144xf32, #tpu.memory_space<vmem>>, %arg3: memref<2528x128xf32, #tpu.memory_space<vmem>>, %arg4: memref<2528x128xf32, #tpu.memory_space<vmem>>, %arg5: memref<2528x16xf32, #tpu.memory_space<vmem>>, %arg6: memref<16x128xf32, #tpu.memory_space<vmem>>, %arg7: memref<1x128xf32, #tpu.memory_space<vmem>>, %arg8: memref<128x128xf32, #tpu.memory_space<vmem>>, %arg9: memref<1x128xf32, #tpu.memory_space<vmem>>, %arg10: memref<2528x40xf32, #tpu.memory_space<vmem>>) attributes {dimension_semantics = [#tpu.dimension_semantics<arbitrary>], iteration_bounds = array<i64: 4>, scalar_prefetch = 0 : i64, scratch_operands = 0 : i64, tpu.core_type = #tpu.core_type<tc>, window_params = [{transform_indices = @transform_0, window_bounds = array<i64: 2528, 144>}, {transform_indices = @transform_1, window_bounds = array<i64: 2528, 144>}, {transform_indices = @transform_2, window_bounds = array<i64: 2528, 128>}, {transform_indices = @transform_3, window_bounds = array<i64: 2528, 128>}, {transform_indices = @transform_4, window_bounds = array<i64: 2528, 16>}, {pipeline_mode = #tpu.pipeline_mode<synchronous>, transform_indices = @transform_5, window_bounds = array<i64: 16, 128>}, {pipeline_mode = #tpu.pipeline_mode<synchronous>, transform_indices = @transform_6, window_bounds = array<i64: 1, 128>}, {pipeline_mode = #tpu.pipeline_mode<synchronous>, transform_indices = @transform_7, window_bounds = array<i64: 128, 128>}, {pipeline_mode = #tpu.pipeline_mode<synchronous>, transform_indices = @transform_8, window_bounds = array<i64: 1, 128>}, {transform_indices = @transform_9, window_bounds = array<i64: 2528, 40>}]} {
    %get3A = arith.constant 0 : index
    %get3A_0 = arith.constant 0 : index
    %get3A_1 = vector.load %arg1[%get3A, %get3A_0] : memref<2528x144xf32, #tpu.memory_space<vmem>>, vector<2528x144xf32>
    %get3A_2 = arith.constant 0 : index
    %get3A_3 = arith.constant 0 : index
    %get3A_4 = vector.load %arg2[%get3A_2, %get3A_3] : memref<2528x144xf32, #tpu.memory_space<vmem>>, vector<2528x144xf32>
    %add3A = arith.addf %get3A_1, %get3A_4 : vector<2528x144xf32>
    %slice3A = vector.extract_strided_slice %add3A {offsets = [0, 0], sizes = [2528, 128], strides = [1, 1]} : vector<2528x144xf32> to vector<2528x128xf32>
    %slice3A_5 = vector.extract_strided_slice %add3A {offsets = [0, 128], sizes = [2528, 16], strides = [1, 1]} : vector<2528x144xf32> to vector<2528x16xf32>
    %get3A_6 = arith.constant 0 : index
    %get3A_7 = arith.constant 0 : index
    %get3A_8 = vector.load %arg6[%get3A_6, %get3A_7] : memref<16x128xf32, #tpu.memory_space<vmem>>, vector<16x128xf32>
    %dot_general3A = arith.constant dense<0.000000e+00> : vector<2528x128xf32>
    %dot_general3A_9 = tpu.matmul %slice3A_5, %get3A_8, %dot_general3A {dimension_numbers = #tpu.dot_dimension_numbers<[1], [0], [0], [1], [0, 0, 1, 1], [], []>, transpose_lhs_hint = false} : vector<2528x16xf32>, vector<16x128xf32>, vector<2528x128xf32> -> vector<2528x128xf32>
    %get3A_10 = arith.constant 0 : index
    %get3A_11 = arith.constant 0 : index
    %get3A_12 = vector.load %arg5[%get3A_10, %get3A_11] : memref<2528x16xf32, #tpu.memory_space<vmem>>, vector<2528x16xf32>
    %get3A_13 = arith.constant 0 : index
    %get3A_14 = arith.constant 0 : index
    %get3A_15 = vector.load %arg6[%get3A_13, %get3A_14] : memref<16x128xf32, #tpu.memory_space<vmem>>, vector<16x128xf32>
    %dot_general3A_16 = arith.constant dense<0.000000e+00> : vector<2528x128xf32>
    %dot_general3A_17 = tpu.matmul %get3A_12, %get3A_15, %dot_general3A_16 {dimension_numbers = #tpu.dot_dimension_numbers<[1], [0], [0], [1], [0, 0, 1, 1], [], []>, transpose_lhs_hint = false} : vector<2528x16xf32>, vector<16x128xf32>, vector<2528x128xf32> -> vector<2528x128xf32>
    %get3A_18 = arith.constant 0 : index
    %get3A_19 = arith.constant 0 : index
    %get3A_20 = vector.load %arg4[%get3A_18, %get3A_19] : memref<2528x128xf32, #tpu.memory_space<vmem>>, vector<2528x128xf32>
    %get3A_21 = arith.constant 0 : index
    %get3A_22 = arith.constant 0 : index
    %get3A_23 = vector.load %arg3[%get3A_21, %get3A_22] : memref<2528x128xf32, #tpu.memory_space<vmem>>, vector<2528x128xf32>
    %mul3A = arith.mulf %dot_general3A_17, %get3A_23 : vector<2528x128xf32>
    %add3A_24 = arith.addf %slice3A, %mul3A : vector<2528x128xf32>
    %add3A_25 = arith.addf %dot_general3A_9, %dot_general3A_17 : vector<2528x128xf32>
    %add3A_26 = arith.constant 1.000000e-16 : f32
    %add3A_27 = vector.broadcast %add3A_26 : f32 to vector<2528x128xf32>
    %add3A_28 = arith.addf %add3A_25, %add3A_27 : vector<2528x128xf32>
    %div3A = arith.divf %add3A_24, %add3A_28 : vector<2528x128xf32>
    %get3A_29 = arith.constant 0 : index
    %get3A_30 = arith.constant 0 : index
    %get3A_31 = vector.load %arg7[%get3A_29, %get3A_30] : memref<1x128xf32, #tpu.memory_space<vmem>>, vector<1x128xf32>
    %add3A_32 = vector.broadcast %get3A_31 : vector<1x128xf32> to vector<2528x128xf32>
    %add3A_33 = arith.addf %div3A, %add3A_32 : vector<2528x128xf32>
    %max3A = arith.maximumf %get3A_20, %add3A_33 : vector<2528x128xf32>
    %get3A_34 = arith.constant 0 : index
    %get3A_35 = arith.constant 0 : index
    %get3A_36 = vector.load %arg8[%get3A_34, %get3A_35] : memref<128x128xf32, #tpu.memory_space<vmem>>, vector<128x128xf32>
    %dot_general3A_37 = arith.constant dense<0.000000e+00> : vector<2528x128xf32>
    %dot_general3A_38 = tpu.matmul %max3A, %get3A_36, %dot_general3A_37 {dimension_numbers = #tpu.dot_dimension_numbers<[1], [0], [0], [1], [0, 0, 1, 1], [], []>, transpose_lhs_hint = false} : vector<2528x128xf32>, vector<128x128xf32>, vector<2528x128xf32> -> vector<2528x128xf32>
    %get3A_39 = arith.constant 0 : index
    %get3A_40 = arith.constant 0 : index
    %get3A_41 = vector.load %arg9[%get3A_39, %get3A_40] : memref<1x128xf32, #tpu.memory_space<vmem>>, vector<1x128xf32>
    %add3A_42 = vector.broadcast %get3A_41 : vector<1x128xf32> to vector<2528x128xf32>
    %add3A_43 = arith.addf %dot_general3A_38, %add3A_42 : vector<2528x128xf32>
    %iota3A = tpu.iota {dimensions = array<i32: 1>} : vector<2528x128xi32>
    %lt3A = arith.constant 40 : i32
    %lt3A_44 = vector.broadcast %lt3A : i32 to vector<2528x128xi32>
    %lt3A_45 = arith.cmpi slt, %iota3A, %lt3A_44 : vector<2528x128xi32>
    %jit3A = arith.constant -1.000000e+30 : f32
    %broadcast_in_dim3A = vector.broadcast %jit3A : f32 to vector<2528x128xf32>
    %select_n3A = arith.select %lt3A_45, %add3A_43, %broadcast_in_dim3A : vector<2528x128xi1>, vector<2528x128xf32>
    %reduce_max3A = arith.constant dense<0xFF800000> : vector<2528xf32>
    %reduce_max3A_46 = vector.multi_reduction <maximumf>, %select_n3A, %reduce_max3A [1] : vector<2528x128xf32> to vector<2528xf32>
    %broadcast_in_dim3A_47 = vector.shape_cast %reduce_max3A_46 : vector<2528xf32> to vector<2528x1xf32>
    %sub3A = vector.broadcast %broadcast_in_dim3A_47 : vector<2528x1xf32> to vector<2528x128xf32>
    %sub3A_48 = arith.subf %add3A_43, %sub3A : vector<2528x128xf32>
    %exp3A = math.exp %sub3A_48 : vector<2528x128xf32>
    %jit3A_49 = arith.constant 0.000000e+00 : f32
    %broadcast_in_dim3A_50 = vector.broadcast %jit3A_49 : f32 to vector<2528x128xf32>
    %select_n3A_51 = arith.select %lt3A_45, %exp3A, %broadcast_in_dim3A_50 : vector<2528x128xi1>, vector<2528x128xf32>
    %reduce_sum3A = arith.constant dense<0.000000e+00> : vector<2528xf32>
    %reduce_sum3A_52 = vector.multi_reduction <add>, %select_n3A_51, %reduce_sum3A [1] : vector<2528x128xf32> to vector<2528xf32>
    %broadcast_in_dim3A_53 = vector.shape_cast %reduce_sum3A_52 : vector<2528xf32> to vector<2528x1xf32>
    %log3A = math.log %broadcast_in_dim3A_53 : vector<2528x1xf32>
    %sub3A_54 = vector.broadcast %broadcast_in_dim3A_47 : vector<2528x1xf32> to vector<2528x128xf32>
    %sub3A_55 = arith.subf %add3A_43, %sub3A_54 : vector<2528x128xf32>
    %sub3A_56 = vector.broadcast %log3A : vector<2528x1xf32> to vector<2528x128xf32>
    %sub3A_57 = arith.subf %sub3A_55, %sub3A_56 : vector<2528x128xf32>
    %slice3A_58 = vector.extract_strided_slice %sub3A_57 {offsets = [0, 0], sizes = [2528, 40], strides = [1, 1]} : vector<2528x128xf32> to vector<2528x40xf32>
    %swap3A = arith.constant 0 : index
    %swap3A_59 = arith.constant 0 : index
    %swap3A_60 = vector.load %arg10[%swap3A, %swap3A_59] : memref<2528x40xf32, #tpu.memory_space<vmem>>, vector<2528x40xf32>
    tpu.vector_store %arg10[%swap3A, %swap3A_59], %slice3A_58 {strides = array<i32>} : memref<2528x40xf32, #tpu.memory_space<vmem>>, vector<2528x40xf32>,
    return
  }
  func.func @transform_0(%arg0: i32) -> (i32, i32) {
    %c0_i32 = arith.constant 0 : i32
    %c0_i32_0 = arith.constant 0 : i32
    return %arg0, %c0_i32 : i32, i32
  }
  func.func @transform_1(%arg0: i32) -> (i32, i32) {
    %add3A = arith.constant 4 : i32
    %add3A_0 = arith.addi %arg0, %add3A : i32
    %c0_i32 = arith.constant 0 : i32
    %c0_i32_1 = arith.constant 0 : i32
    return %add3A_0, %c0_i32 : i32, i32
  }
  func.func @transform_2(%arg0: i32) -> (i32, i32) {
    %c0_i32 = arith.constant 0 : i32
    %c0_i32_0 = arith.constant 0 : i32
    return %arg0, %c0_i32 : i32, i32
  }
  func.func @transform_3(%arg0: i32) -> (i32, i32) {
    %c0_i32 = arith.constant 0 : i32
    %c0_i32_0 = arith.constant 0 : i32
    return %arg0, %c0_i32 : i32, i32
  }
  func.func @transform_4(%arg0: i32) -> (i32, i32) {
    %c0_i32 = arith.constant 0 : i32
    %c0_i32_0 = arith.constant 0 : i32
    return %arg0, %c0_i32 : i32, i32
  }
  func.func @transform_5(%arg0: i32) -> (i32, i32) {
    %c0_i32 = arith.constant 0 : i32
    %c0_i32_0 = arith.constant 0 : i32
    %c0_i32_1 = arith.constant 0 : i32
    return %c0_i32, %c0_i32_0 : i32, i32
  }
  func.func @transform_6(%arg0: i32) -> (i32, i32) {
    %c0_i32 = arith.constant 0 : i32
    %c0_i32_0 = arith.constant 0 : i32
    %c0_i32_1 = arith.constant 0 : i32
    return %c0_i32, %c0_i32_0 : i32, i32
  }
  func.func @transform_7(%arg0: i32) -> (i32, i32) {
    %c0_i32 = arith.constant 0 : i32
    %c0_i32_0 = arith.constant 0 : i32
    %c0_i32_1 = arith.constant 0 : i32
    return %c0_i32, %c0_i32_0 : i32, i32
  }
  func.func @transform_8(%arg0: i32) -> (i32, i32) {
    %c0_i32 = arith.constant 0 : i32
    %c0_i32_0 = arith.constant 0 : i32
    %c0_i32_1 = arith.constant 0 : i32
    return %c0_i32, %c0_i32_0 : i32, i32
  }
  func.func @transform_9(%arg0: i32) -> (i32, i32) {
    %c0_i32 = arith.constant 0 : i32
    %c0_i32_0 = arith.constant 0 : i32
    return %arg0, %c0_i32 : i32, i32
  }
}

</mosaic_0001>

<sc_bundles>
// kernel: kernel.10.cloned.1.call-start
scs
__scs_entry_jumppad:
0x0: {  	(pc) =	sbr.rel $0x88, $3  }
0x1: {  	(tag) =	ssettag $0x0;
	lr =	simm.s32 $0x1  }
0x2: {  	[smem:$0x3F95] =	sst lr;
	_ =	strace $0xD0000000  }
0x3: {  	_ = 	snop  }
0x4: {  	_ = 	snop  }
0x5: {  	_ = 	snop  }
0x6: {  	_ = 	snop  }
0x7: {  	_ = 	snop  }
__scs_overlays_trampoline_lowered:
0x8: {  	[smem:$0x3FA4] =	sst s0  }
0x9: {  	[smem:$0x3FA5] =	sst s1  }
0xa: {  	[smem:$0x3FA6] =	sst s2  }
0xb: {  	[smem:$0x3FA7] =	sst s3  }
0xc: {  	[smem:$0x3FA8] =	sst s4  }
0xd: {  	[smem:$0x3FA9] =	sst s5  }
0xe: {  	[smem:$0x3FAA] =	sst s6  }
0xf: {  	[smem:$0x3FAB] =	sst s7  }
0x10: {  	[smem:$0x3FAC] =	sst s8  }
0x11: {  	[smem:$0x3FAD] =	sst s9;
	s0 =	simm.s32 @!p0 $0x0  }
0x12: {  	s1 =	sld [smem:$0x3F93];
	s0 =	simm.s32 @p0 $0x1  }
0x13: {  	[smem:$0x3FAE] =	sst s0;
	s0 =	simm.s32 @!p1 $0x0  }
0x14: {  	s2 =	sld [smem:$0x3F92];
	s0 =	simm.s32 @p1 $0x1  }
0x15: {  	[smem:$0x3FAF] =	sst s0;
	s0 =	simm.s32 @!p2 $0x0  }
0x16: {  	s3 =	sld [smem:$0x3FDB];
	s0 =	simm.s32 @p2 $0x1  }
0x17: {  	s4 =	simm.s32 $0x1BF5;
	[smem:$0x3FB1] =	sst s0  }
0x18: {  	s0 =	sld [smem:$0x3F94];
	_ =	swait.ge [sflag:s4], $0x0  }
0x19: {  	s7 =	sld [smem:$0x3F95]  }
0x1a: {  	s8 =	sadd.s32 $0xFFFFE003, lr  }
0x1b: {  	s9 =	sadd.s32 $0xFFFFFEF7, lr;
	s5 =	simm.s32 $0xFFFFFFFF;
	p2 =	slt.u32 s8, $0xFFFFF086  }
0x1c: {  	p1 =	slt.u32 s9, $0xF7A;
	s5 =	simm.s32 @!p2 $0x0  }
0x1d: {  	s5 =	simm.s32 @p1 $0x1;
	p0 =	seq.s32 s7, s2  }
0x1e: {  	s7 =	smul.u32 @!p0 $0xF7A, s2;
	p2 =	seq.s32 @!p0 s5, $0x0  }
0x1f: {  	s9 =	smul.u32 $0xF7A, s1;
	s8 =	simm.s32 @!p0 $0x1BF5;
	p2 =	por !p2, p0  }
0x20: {  	[sflag:s8] =	ssyncset.s32 @!p0 $0xFFFFF086;
	s6 =	sadd.s32 @!p0 s3, s7;
	s7 =	simm.s32 @!p0 $0x108  }
0x21: {  	s3 =	sadd.s32 s3, s9;
	s6 =	sadd.s32 @!p0 $0x88, s6;
	s7 =	simm.s32 @p2 $0x1082  }
0x22: {  	[simem:s7], [sflag:s8] =	dma.local @!p0 [hbm:s6], $0xF7A  }
0x23: {  	s9 =	sor.u32 $0xD0000000, s2;
	s6 =	simm.s32 $0x108;
	_ =	swait.ge @!p0 [sflag:s8], $0x0  }
0x24: {  	s3 =	sadd.s32 $0x88, s3;
	s6 =	simm.s32 @!p1 $0x1082;
	[sflag:s4] =	ssyncset.s32 $0xFFFFF086  }
0x25: {  	[simem:s6], [sflag:s4] =	dma.local [hbm:s3], $0xF7A  }
0x26: {  	[smem:$0x3F95] =	sst s1;
	(tag) =	ssettag s2;
	_ =	strace s9  }
0x27: {  	s1 =	sld [smem:$0x3FA5]  }
0x28: {  	s2 =	sld [smem:$0x3FA6]  }
0x29: {  	s4 =	sld [smem:$0x3FA8]  }
0x2a: {  	p0 =	seq.s32 s5, $0x0;
	s5 =	sld [smem:$0x3FA9]  }
0x2b: {  	s6 =	sld [smem:$0x3FAA]  }
0x2c: {  	s7 =	sld [smem:$0x3FAB]  }
0x2d: {  	s3 =	simm.s32 $0x108;
	s8 =	sld [smem:$0x3FAC]  }
0x2e: {  	s3 =	simm.s32 @!p0 $0x1082;
	s9 =	sld [smem:$0x3FAD]  }
0x2f: {  	lr =	sadd.s32 s0, s3;
	s0 =	sld [smem:$0x3FA4]  }
0x30: {  	s3 =	sld [smem:$0x3FA7]  }
0x31: {  	[smem:$0x3FB0] =	sst s10  }
0x32: {  	s10 =	sld [smem:$0x3FAE];
	_ =	sdelay $0x3  }
0x33: {  	p0 =	seq.s32 s10, $0x1;
	s10 =	sld [smem:$0x3FB0];
	_ =	sdelay $0x3  }
0x34: {  	[smem:$0x3FB0] =	sst s10  }
0x35: {  	s10 =	sld [smem:$0x3FAF];
	_ =	sdelay $0x3  }
0x36: {  	p1 =	seq.s32 s10, $0x1;
	s10 =	sld [smem:$0x3FB0];
	_ =	sdelay $0x3  }
0x37: {  	[smem:$0x3FB0] =	sst s10  }
0x38: {  	s10 =	sld [smem:$0x3FB1]  }
0x39: {  	_ = 	snop;
	(pc) =	sbr.ind lr, $3  }
0x3a: {  	_ = 	snop  }
0x3b: {  	_ = 	snop  }
0x3c: {  	p2 =	seq.s32 s10, $0x1;
	s10 =	sld [smem:$0x3FB0]  }
0x3d: {  	_ =	shalt  }
0x3e: {  	_ =	shalt  }
0x3f: {  	_ =	shalt  }
0x40: {  	_ =	shalt  }
0x41: {  	_ =	shalt  }
0x42: {  	_ =	shalt  }
0x43: {  	_ =	shalt  }
0x44: {  	_ =	shalt  }
0x45: {  	_ =	shalt  }
0x46: {  	_ =	shalt  }
0x47: {  	_ =	shalt  }
0x48: {  	_ =	shalt  }
0x49: {  	_ =	shalt  }
0x4a: {  	_ =	shalt  }
0x4b: {  	_ =	shalt  }
0x4c: {  	_ =	shalt  }
0x4d: {  	_ =	shalt  }
0x4e: {  	_ =	shalt  }
0x4f: {  	_ =	shalt  }
0x50: {  	_ =	shalt  }
0x51: {  	_ =	shalt  }
0x52: {  	_ =	shalt  }
0x53: {  	_ =	shalt  }
0x54: {  	_ =	shalt  }
0x55: {  	_ =	shalt  }
0x56: {  	_ =	shalt  }
0x57: {  	_ =	shalt  }
0x58: {  	_ =	shalt  }
0x59: {  	_ =	shalt  }
0x5a: {  	_ =	shalt  }
0x5b: {  	_ =	shalt  }
0x5c: {  	_ =	shalt  }
0x5d: {  	_ =	shalt  }
0x5e: {  	_ =	shalt  }
0x5f: {  	_ =	shalt  }
0x60: {  	_ =	shalt  }
0x61: {  	_ =	shalt  }
0x62: {  	_ =	shalt  }
0x63: {  	_ =	shalt  }
0x64: {  	_ =	shalt  }
0x65: {  	_ =	shalt  }
0x66: {  	_ =	shalt  }
0x67: {  	_ =	shalt  }
0x68: {  	_ =	shalt  }
0x69: {  	_ =	shalt  }
0x6a: {  	_ =	shalt  }
0x6b: {  	_ =	shalt  }
0x6c: {  	_ =	shalt  }
0x6d: {  	_ =	shalt  }
0x6e: {  	_ =	shalt  }
0x6f: {  	_ =	shalt  }
0x70: {  	_ =	shalt  }
0x71: {  	_ =	shalt  }
0x72: {  	_ =	shalt  }
0x73: {  	_ =	shalt  }
0x74: {  	_ =	shalt  }
0x75: {  	_ =	shalt  }
0x76: {  	_ =	shalt  }
0x77: {  	_ =	shalt  }
0x78: {  	_ =	shalt  }
0x79: {  	_ =	shalt  }
0x7a: {  	_ =	shalt  }
0x7b: {  	_ =	shalt  }
0x7c: {  	_ =	shalt  }
0x7d: {  	_ =	shalt  }
0x7e: {  	_ =	shalt  }
0x7f: {  	_ =	shalt  }
0x80: {  	_ =	shalt  }
0x81: {  	_ =	shalt  }
0x82: {  	_ =	shalt  }
0x83: {  	_ =	shalt  }
0x84: {  	_ =	shalt  }
0x85: {  	_ =	shalt  }
0x86: {  	_ =	shalt  }
0x87: {  	_ =	shalt  }
.Lfunc_end0:
.L_simem_size_0:
called_computation.1_lowered:
.L_overlay_start_0:
0x88: {  	s2 =	sld [smem:$0x3FD9]  }
0x89: {  	s3 =	sld [smem:$0x3FFE];
	_ =	sdelay $0x1  }
0x8a: {  	s1 =	srdreg.scid  }
0x8b: {  	s0 =	sand.u32 $0x1, s1  }
0x8c: {  	s17 =	sshll.u32 s0, $0xA;
	s2 =	sadd.s32 s3, s2  }
0x8d: {  	s2 =	sadd.s32 s2, s17  }
0x8e: {  	[smem:$0x3FBC] =	sst s2  }
0x8f: {  	_ = 	snop  }
0x90: {  	s2 =	sld [smem:$0x3FD0];
	(tm) =	ssettm $0x1  }
0x91: {  	s18 =	sld [smem:$0x3FFB];
	_ =	sdelay $0x3  }
0x92: {  	_ =	strace s18  }
0x93: {  	s3 =	sld [smem:$0x3FFC];
	_ =	sdelay $0x3  }
0x94: {  	_ =	strace s3  }
0x95: {  	s3 =	sld [smem:$0x3FFD];
	_ =	sdelay $0x3  }
0x96: {  	_ =	strace s3  }
0x97: {  	_ =	strace $0x8FFFFFFF  }
0x98: {  	s19 =	sld [smem:$0x3FDB];
	_ =	sdelay $0x1  }
0x99: {  	s4 =	simm.s32 $_scs_section_size  }
0x9a: {  	s5 =	simm.s32 $_size__tile_overlayer_lowered;
	s6 =	simm.s32 $_tile_overlayer_lowered  }
0x9b: {  	s22 =	simm.s32 $0x1BFF;
	s21 =	sshll.u32 s6, $0x1;
	s3 =	sadd.s32 s4, s19  }
0x9c: {  	s7 =	simm.s32 $0x0;
	s20 =	sshll.u32 s5, $0x1;
	s5 =	sadd.s32 s21, s3  }
0x9d: {  	[timem:s7], [sflag:s22] =	dma.local [hbm:s5], s20  }
0x9e: {  	_ =	swait.ge [sflag:s22], s20  }
0x9f: {  	s4 =	ssub.s32 $0x0, s20;
	[sflag:s22] =	ssyncset.done $0x0  }
0xa0: {  	[sflag:s22] =	ssyncadd.s32 s4;
	_ =	sdelay $0x1  }
0xa1: {  	s23 =	simm.s32 $0x1B8B  }
0xa2: {  	_ =	swait.ge [sflag:s23], $0x1  }
0xa3: {  	[sflag:s23] =	ssyncset.done $0x0  }
0xa4: {  	s25 =	simm.s32 $0x1B8E;
	s24 =	sld [smem:$0x3FFE];
	[sflag:s23] =	ssyncadd.s32 $0xFFFFFFFF  }
0xa5: {  	s26 =	simm.s32 $execute0_lowered;
	[smem:$0x3FD2] =	sst s25  }
0xa6: {  	s5 =	sshll.u32 s26, $0x1;
	_ =	strace $0x80000049;
	[dreg:$0x1] =	wrdreg $0xFFFFFFFF  }
0xa7: {  	s28 =	simm.s32 $_size_execute0_lowered;
	s3 =	sadd.s32 s3, s5;
	[dreg:$0x0] =	wrdreg $0x0  }
0xa8: {  	s5 =	sshll.u32 s28, $0x1;
	[dreg:$0x2] =	wrdreg s3  }
0xa9: {  	[dreg:$0x3] =	wrdreg s5  }
0xaa: {  	[dreg:$0x4] =	wrdreg $0xC0  }
0xab: {  	_ =	task [dreg:s7], $0x5FFFF  }
0xac: {  	[dreg:$0x1] =	wrdreg $0xFFFFFFFF  }
0xad: {  	[dreg:$0x0] =	wrdreg $0x60  }
0xae: {  	[dreg:$0x2] =	wrdreg s24  }
0xaf: {  	[dreg:$0x3] =	wrdreg s2  }
0xb0: {  	[dreg:$0x4] =	wrdreg $0x9A000  }
0xb1: {  	[dreg:$0x5] =	wrdreg $0x9  }
0xb2: {  	_ =	task.clear_ibuf [dreg:s7], $0x6FFFF;
	_ =	strace $0x90000049  }
0xb3: {  	s29 =	simm.s32 $0x9;
	_ =	strace $0x8000004B  }
0xb4: {  	_ =	swait.ge [sflag:s29], $0x1  }
0xb5: {  	[sflag:s29] =	ssyncadd.s32 $0xFFFFFFFF  }
0xb6: {  	_ =	strace $0x9000004B  }
0xb7: {  	_ =	sfence  }
0xb8: {  	s30 =	sld [smem:$0x0];
	_ =	sdelay $0x2  }
0xb9: {  	s31 =	sshll.u32 s1, $0xD;
	s1 =	sshrl.u32 s1, $0x2  }
0xba: {  	s3 =	sand.u32 $0x4000, s31;
	s1 =	sadd.s32 s1, s30  }
0xbb: {  	s0 =	sor.u32 s3, s0;
	s1 =	sshll.u32 s1, $0x11  }
0xbc: {  	s0 =	sor.u32 s1, s0  }
0xbd: {  	s0 =	sadd.s32 $0x8F2B, s0  }
0xbe: {  	[sflag:s0] =	ssyncadd.remote.s32 $0x1  }
0xbf: {  	_ =	sfence.sel $0xFFFF  }
0xc0: {  	[dreg:$0x0] =	wrdreg $0xFFFFFFFF;
	(pc) =	sbr.abs _section_cstart, $3  }
0xc1: {  	[dreg:$0x1] =	wrdreg $0xFFFFFFFF  }
0xc2: {  	_ =	task.clear_ibuf [dreg:s7], $0x2FFFF;
	_ =	strace $0x9FFFFFFF  }
0xc3: {  	(tm) =	ssettm $0x7FFFFFFF  }
tec
execute0_lowered:
.L_overlay_start_1:
0x0: {  	(tag) =	ssettag $0x1  }
0x1: {  	s0 =	rddreg [dreg:$0x0]  }
0x2: {  	s2 =	rddreg [dreg:$0x2];
	s1 =	simm.s32 $0x0;
	s3 =	srdreg.scid  }
0x3: {  	s21 =	stileid.u32;
	[smem:$0x7FF] =	sst s1  }
0x4: {  	s5 =	sadd.s32 $0x56800, s0;
	s6 =	sadd.s32 $0x2A000, s0;
	s3 =	sand.u32 $0x1, s3  }
0x5: {  	s4 =	smul.u32 $0x2C70, s21;
	s8 =	sshll.u32 s21, $0x1;
	s7 =	sadd.s32 $0x2800, s0  }
0x6: {  	s9 =	sadd.s32 $0x6A400, s0;
	s23 =	smul.u32 $0x58E00, s21;
	s26 =	sshll.u32 s21, $0x6  }
0x7: {  	_ =	strace $0x8000004A;
	s10 =	smul.u32 $0x2C700, s3;
	[dreg:$0x4] =	wrdreg s9  }
0x8: {  	s8 =	sor.u32 s3, s8;
	s3 =	ssub.s32 $0x2, s3;
	[dreg:$0x5] =	wrdreg s26  }
0x9: {  	s29 =	sor.u32 $0x1C01, s26;
	s9 =	smul.u32 $0x2780, s8;
	s22 =	sshrl.u32 s3, $0x1  }
0xa: {  	s25 =	sshrl.u32 s23, $0x2;
	[dreg:$0x7] =	wrdreg s29;
	s3 =	ssub.s32 s3, s22  }
0xb: {  	s4 =	sadd.s32 s4, s10;
	s28 =	sadd.s32 s25, s2;
	s31 =	smax.u32 s3, $0x1  }
0xc: {  	s24 =	sshrl.u32 s9, $0x3;
	s3 =	sshrl.u32 s28, $0x3;
	[dreg:$0xa] =	wrdreg s31  }
0xd: {  	s0 =	sadd.s32 s4, s0;
	s11 =	sadd.s32 s5, s24;
	[dreg:$0xb] =	wrdreg s3  }
0xe: {  	s17 =	simm.s32 $0x40;
	s0 =	sadd.s32 $0x94A00, s0;
	[dreg:$0x6] =	wrdreg s11  }
0xf: {  	s1 =	smov.u32 s2;
	s30 =	sadd.s32 $0x8, s11;
	[dreg:$0x9] =	wrdreg s0  }
0x10: {  	s4 =	simm.s32 $0x0;
	s24 =	simm.s32 $0x2;
	[dreg:$0x8] =	wrdreg s30  }
.LBB2_1:
0x11: {  	[dreg:$0xc] =	wrdreg s4  }
0x12: {  	s0 =	rddreg [dreg:$0x4]  }
0x13: {  	s2 =	rddreg [dreg:$0x7];
	s20 =	simm.s32 $0x0  }
0x14: {  	[spmem:s3], [sflag:s2] =	dma.local [hbm:s0], $0x2C70  }
0x15: {  	s21 =	simm.s32 $0x4F000;
	s22 =	simm.s32 $0x1;
	s0 =	rddreg [dreg:$0x6]  }
0x16: {  	[tilespmem:s20], [sflag:$0x1] =	stream.strided.gather [hbm4b:s0+s17], $0x80, s21, s17, $0x38;
	[tilespmem:$0x1FD80] =	vst v63  }
0x17: {  	_ =	swait.ge [sflag:s22], $0x2C70  }
0x18: {  	[sflag:s22] =	ssyncset.done $0x0  }
0x19: {  	[sflag:s22] =	ssyncadd.s32 $0xFFFFD390  }
0x1a: {  	_ =	swait.ge [sflag:s22], $0x80  }
0x1b: {  	[sflag:s22] =	ssyncset.done $0x0  }
0x1c: {  	[sflag:s22] =	ssyncadd.s32 $0xFFFFFF80  }
0x1d: {  	[bflag:$0x0] =	sbarrier.arrive $0xFFFF  }
0x1e: {  	s25 =	simm.s32 $0x200;
	s23 =	rddreg [dreg:$0x1]  }
0x1f: {  	[tilespmem:s25], [sflag:$0x2] =	stream.indirect.gather [hbm4b:s23+s17], $0x10, s20, s17, $0xb8;
	[tilespmem:$0x1FD80] =	vst v63  }
0x20: {  	s26 =	simm.s32 $0xA00  }
0x21: {  	[tilespmem:s26], [sflag:$0x2] =	stream.indirect.gather [hbm4b:s6+s17], $0x10, s17, s17, $0xb8;
	[tilespmem:$0x1FD80] =	vst v63  }
0x22: {  	s28 =	simm.s32 $0x1200  }
0x23: {  	[tilespmem:s28], [sflag:$0x2] =	stream.indirect.gather [hbm4b:s7+s17], $0x80, s20, s17, $0xb8;
	[tilespmem:$0x1FD80] =	vst v63  }
0x24: {  	s31 =	simm.s32 $0x80;
	s30 =	simm.s32 $0x0;
	s29 =	rddreg [dreg:$0x8]  }
0x25: {  	[tilespmem:s31], [sflag:$0x1] =	stream.strided.gather [hbm4b:s29+s17], $0x80, s21, s17, $0x38;
	[tilespmem:$0x1FD80] =	vst v63  }
.LBB2_2:
0x26: {  	s31 =	sand.u32 $0x1, s30;
	p0 =	slt.u32 s30, $0x2  }
0x27: {  	s0 =	sadd.s32 @!p0 $0x3, s31  }
0x28: {  	_ =	swait.ge @!p0 [sflag:s0], $0x2400  }
0x29: {  	[sflag:s0] =	ssyncset.done @!p0 $0x0  }
0x2a: {  	[sflag:s0] =	ssyncadd.s32 @!p0 $0xFFFFDC00  }
0x2b: {  	_ =	swait.ge [sflag:s24], $0x400  }
0x2c: {  	[sflag:s24] =	ssyncset.done $0x0  }
0x2d: {  	[sflag:s24] =	ssyncadd.s32 $0xFFFFFC00  }
0x2e: {  	_ =	swait.ge [sflag:s24], $0x400  }
0x2f: {  	[sflag:s24] =	ssyncset.done $0x0  }
0x30: {  	[sflag:s24] =	ssyncadd.s32 $0xFFFFFC00  }
0x31: {  	_ =	swait.ge [sflag:s24], $0x2000  }
0x32: {  	p0 =	seq.s32 s30, $0x9D;
	[sflag:s24] =	ssyncset.done $0x0  }
0x33: {  	s3 =	simm.s32 @!p0 $0x1;
	[sflag:s24] =	ssyncadd.s32 $0xFFFFE000  }
0x34: {  	s0 =	sadd.s32 $0x1, s30;
	_ =	swait.ge @!p0 [sflag:s3], $0x80  }
0x35: {  	s4 =	sxor.u32 @!p0 $0x1, s31;
	s8 =	sshll.u32 @!p0 s0, $0x7;
	[sflag:s3] =	ssyncset.done @!p0 $0x0  }
0x36: {  	s11 =	simm.s32 @!p0 $0x40;
	[sflag:s3] =	ssyncadd.s32 @!p0 $0xFFFFFF80;
	s3 =	sshll.u32 @!p0 s4, $0xA  }
0x37: {  	s8 =	sand.u32 @!p0 $0x180, s8;
	s10 =	sor.u32 @!p0 $0x200, s3;
	s2 =	rddreg [dreg:$0x1]  }
0x38: {  	[tilespmem:s10], [sflag:$0x2] =	stream.indirect.gather @!p0 [hbm4b:s2+s11], $0x10, s8, s11, $0xb8;
	[tilespmem:$0x1FD80] =	vst v63  }
0x39: {  	s3 =	sor.u32 @!p0 $0xA00, s3;
	s10 =	sor.u32 @!p0 $0x40, s8  }
0x3a: {  	[tilespmem:s3], [sflag:$0x2] =	stream.indirect.gather @!p0 [hbm4b:s6+s11], $0x10, s10, s11, $0xb8;
	[tilespmem:$0x1FD80] =	vst v63  }
0x3b: {  	s3 =	sshll.u32 @!p0 s4, $0xD  }
0x3c: {  	p1 =	sgt.u32 @!p0 s30, $0x9B;
	s3 =	sor.u32 @!p0 $0x1200, s3  }
0x3d: {  	[tilespmem:s3], [sflag:$0x2] =	stream.indirect.gather @!p0 [hbm4b:s7+s11], $0x80, s8, s11, $0xb8;
	[tilespmem:$0x1FD80] =	vst v63  }
0x3e: {  	p0 =	por p1, p0  }
0x3f: {  	s23 =	smul.u32 $0x9000, s31;
	s3 =	sadd.s32 @!p0 $0x2, s30  }
0x40: {  	s26 =	sshll.u32 s31, $0xD;
	s4 =	sshll.u32 @!p0 s3, $0x6  }
0x41: {  	s28 =	sshll.u32 s31, $0xA;
	s25 =	sshrl.u32 s23, $0x2;
	s4 =	sadd.s32 @!p0 s9, s4  }
0x42: {  	s8 =	simm.s32 @!p0 $0x40;
	s3 =	sshll.u32 @!p0 s3, $0x7;
	s4 =	sshrl.u32 @!p0 s4, $0x3  }
0x43: {  	v0 =	vmov s28;
	s10 =	simm.s32 @!p0 $0x4F000;
	s3 =	sand.u32 @!p0 $0x180, s3;
	s4 =	sadd.s32 @!p0 s5, s4  }
0x44: {  	[tilespmem:s3], [sflag:$0x1] =	stream.strided.gather @!p0 [hbm4b:s4+s8], $0x80, s10, s8, $0x38;
	[tilespmem:$0x1FD80] =	vst v63  }
0x45: {  	s29 =	sor.u32 $0x1200, s26;
	s4 =	sadd.s32 $0x5200, s25  }
0x46: {  	s20 =	simm.s32 $0x0;
	v2 =	vmov s29;
	v1 =	vmov s4  }
.LBB2_3:
0x47: {  	s8 =	sshll.u32 s20, $0x4  }
0x48: {  	s3 =	sor.u32 $0x1, s20;
	v3 =	vld.idx.msk [tilespmem:v0+s8+$0x200 ss:$0x1], $0xffff  }
0x49: {  	v4 =	vld.idx.msk [tilespmem:v0+s8+$0xA00 ss:$0x1], $0xffff;
	s10 =	sshll.u32 s3, $0x4  }
0x4a: {  	s2 =	sor.u32 $0x2, s20;
	v5 =	vld.idx.msk [tilespmem:v0+s10+$0x200 ss:$0x1], $0xffff  }
0x4b: {  	s16 =	sshll.u32 s2, $0x4;
	v6 =	vld.idx.msk [tilespmem:v0+s10+$0xA00 ss:$0x1], $0xffff  }
0x4c: {  	s15 =	sor.u32 $0x3, s20;
	v7 =	vld.idx.msk [tilespmem:v0+s16+$0x200 ss:$0x1], $0xffff  }
0x4d: {  	s18 =	sshll.u32 s15, $0x4;
	v8 =	vld.idx.msk [tilespmem:v0+s16+$0xA00 ss:$0x1], $0xffff  }
0x4e: {  	s12 =	sor.u32 $0x4, s20;
	v9 =	vld.idx.msk [tilespmem:v0+s18+$0x200 ss:$0x1], $0xffff  }
0x4f: {  	s19 =	sshll.u32 s12, $0x4;
	v41 =	vld.idx.msk [tilespmem:v0+s18+$0xA00 ss:$0x1], $0xffff  }
0x50: {  	s13 =	sor.u32 $0x5, s20;
	v42 =	vld.idx.msk [tilespmem:v0+s19+$0x200 ss:$0x1], $0xffff  }
0x51: {  	s21 =	sshll.u32 s13, $0x4;
	v11 =	vld.idx.msk [tilespmem:v0+s19+$0xA00 ss:$0x1], $0xffff  }
0x52: {  	v13 =	vld.idx.msk [tilespmem:v0+s21+$0x200 ss:$0x1], $0xffff;
	v3 =	vadd.f32 v4, v3  }
0x53: {  	v43 =	vld.idx.msk [tilespmem:v0+s21+$0xA00 ss:$0x1], $0xffff;
	v5 =	vadd.f32 v6, v5  }
0x54: {  	v10 =	vmul.f32 $2.000000030e-01, v3  }
0x55: {  	vm0 =	vgt.f32 v3, $0.0e+00;
	v12 =	vmul.f32 $2.000000030e-01, v5  }
0x56: {  	v7 =	vadd.f32 v8, v7;
	vm13 =	vgt.f32 v5, $0.0e+00;
	v3 =	vsel vm0, v3, v10  }
0x57: {  	v4 =	vadd.f32 v41, v9;
	v3 =	vmul.f32 $1.442695020e+00, v3;
	v5 =	vsel vm13, v5, v12  }
0x58: {  	v44 =	vadd.f32 v11, v42;
	v46 =	vadd.f32 v43, v13;
	v5 =	vmul.f32 $1.442695020e+00, v5  }
0x59: {  	vm14 =	vgt.f32 v7, $0.0e+00;
	(erf) = vpow2.f32 v3;
	v3 =	vmul.f32 $2.000000030e-01, v7  }
0x5a: {  	v45 =	vmul.f32 $2.000000030e-01, v4;
	vm15 =	vgt.f32 v4, $0.0e+00;
	v47 =	vmul.f32 $2.000000030e-01, v44  }
0x5b: {  	s14 =	sor.u32 $0x6, s20;
	vm4 =	vgt.f32 v44, $0.0e+00;
	(erf) = vpow2.f32 v5;
	v3 =	vsel vm14, v7, v3  }
0x5c: {  	s22 =	sshll.u32 s14, $0x4;
	v48 =	vmul.f32 $2.000000030e-01, v46;
	v4 =	vsel vm15, v4, v45;
	v3 =	vmul.f32 $1.442695020e+00, v3  }
0x5d: {  	v50 =	vld.idx.msk [tilespmem:v0+s22+$0x200 ss:$0x1], $0xffff;
	vm5 =	vgt.f32 v46, $0.0e+00;
	v4 =	vmul.f32 $1.442695020e+00, v4;
	v5 =	vsel vm4, v44, v47  }
0x5e: {  	v52 =	vld.idx.msk [tilespmem:v0+s22+$0xA00 ss:$0x1], $0xffff;
	v49 =	vsel vm5, v46, v48;
	(erf) = vpow2.f32 v3;
	v3 =	vmul.f32 $1.442695020e+00, v5  }
0x5f: {  	s11 =	sor.u32 $0x7, s20;
	v51 =	vmul.f32 $1.442695020e+00, v49;
	(erf) = vpow2.f32 v4  }
0x60: {  	s23 =	smul.u32 $0x240, s20;
	s18 =	sshll.u32 s11, $0x4;
	(erf) = vpow2.f32 v3  }
0x61: {  	s26 =	smul.u32 $0x240, s2;
	v55 =	vld.idx.msk [tilespmem:v0+s18+$0x200 ss:$0x1], $0xffff;
	(erf) = vpow2.f32 v51  }
0x62: {  	s16 =	smul.u32 $0x240, s3;
	v57 =	vld.idx.msk [tilespmem:v0+s18+$0xA00 ss:$0x1], $0xffff  }
0x63: {  	s25 =	sshll.u32 s20, $0x7;
	s28 =	smul.u32 $0x240, s12;
	s21 =	sshra.s32 s23, $0x2;
	v54 =	vadd.f32 v52, v50;
	v3 =	vpop (erf)  }
0x64: {  	s10 =	sand.u32 $0x3FFFFF80, s25;
	s3 =	sshll.u32 s3, $0x7;
	s22 =	sshra.s32 s16, $0x2;
	[tilespmem:v1+s21+$0x80 ss:$0x1] =	vst.idx.msk $0xffff, v3;
	v4 =	vpop (erf)  }
0x65: {  	s3 =	sand.u32 $0x3FFFFF80, s3;
	v56 =	vmul.f32 $2.000000030e-01, v54;
	v53 =	vld.idx.msk [tilespmem:v2+s10+$0x0 ss:$0x1], $0xffff;
	[tilespmem:v1+s22+$0x80 ss:$0x1] =	vst.idx.msk $0xffff, v4  }
0x66: {  	s19 =	smul.u32 $0x240, s15;
	vm6 =	vgt.f32 v54, $0.0e+00;
	v58 =	vld.idx.msk [tilespmem:v2+s3+$0x0 ss:$0x1], $0xffff  }
0x67: {  	s8 =	sshll.u32 s2, $0x7;
	s29 =	smul.u32 $0x240, s13;
	s23 =	sshra.s32 s26, $0x2;
	v10 =	vadd.f32 v57, v55;
	v9 =	vsel vm6, v54, v56;
	v5 =	vpop (erf)  }
0x68: {  	s25 =	sand.u32 $0x3FFFFF80, s8;
	s15 =	sshll.u32 s15, $0x7;
	s8 =	sshra.s32 s19, $0x2;
	v59 =	vbroadcast v3, $0x0;
	[tilespmem:v1+s23+$0x80 ss:$0x1] =	vst.idx.msk $0xffff, v5;
	v6 =	vpop (erf)  }
0x69: {  	s12 =	sshll.u32 s12, $0x7;
	s26 =	sand.u32 $0x3FFFFF80, s15;
	s18 =	sshra.s32 s28, $0x2;
	v22 =	vmul.f32 $2.000000030e-01, v10;
	v60 =	vbroadcast v4, $0x0;
	v14 =	vld.idx.msk [tilespmem:v2+s25+$0x0 ss:$0x1], $0xffff;
	[tilespmem:v1+s8+$0x80 ss:$0x1] =	vst.idx.msk $0xffff, v6;
	v8 =	vpop (erf)  }
0x6a: {  	s13 =	sshll.u32 s13, $0x7;
	s28 =	sand.u32 $0x3FFFFF80, s12;
	s12 =	sshra.s32 s29, $0x2;
	v15 =	vmul.f32 $1.442695020e+00, v9;
	vm7 =	vgt.f32 v10, $0.0e+00;
	v7 =	vmul.f32 v59, v53;
	v16 =	vld.idx.msk [tilespmem:v2+s26+$0x0 ss:$0x1], $0xffff;
	[tilespmem:v1+s18+$0x80 ss:$0x1] =	vst.idx.msk $0xffff, v8;
	v9 =	vpop (erf)  }
0x6b: {  	s2 =	sand.u32 $0x3FFFFF80, s13;
	v10 =	vsel vm7, v10, v22;
	v61 =	vmul.f32 v60, v58;
	v17 =	vld.idx.msk [tilespmem:v2+s28+$0x0 ss:$0x1], $0xffff;
	[tilespmem:v1+s12+$0x80 ss:$0x1] =	vst.idx.msk $0xffff, v9  }
0x6c: {  	v10 =	vmul.f32 $1.442695020e+00, v10;
	(erf) = vpow2.f32 v15;
	[tilespmem:v1+s21+$0x0 ss:$0x1] =	vst.idx.msk $0xffff, v7;
	v63 =	vld.idx.msk [tilespmem:v2+s2+$0x0 ss:$0x1], $0xffff  }
0x6d: {  	v29 =	vbroadcast v3, $0x1;
	v62 =	vbroadcast v5, $0x0;
	v18 =	vld.idx.msk [tilespmem:v2+s10+$0x10 ss:$0x1], $0xffff;
	[tilespmem:v1+s22+$0x0 ss:$0x1] =	vst.idx.msk $0xffff, v61  }
0x6e: {  	(erf) = vpow2.f32 v10;
	v21 =	vbroadcast v6, $0x0;
	v25 =	vld.idx.msk [tilespmem:v2+s3+$0x10 ss:$0x1], $0xffff  }
0x6f: {  	v23 =	vbroadcast v8, $0x0;
	v12 =	vmul.f32 v62, v14  }
0x70: {  	v24 =	vbroadcast v9, $0x0;
	v7 =	vmul.f32 v21, v16  }
0x71: {  	v31 =	vbroadcast v4, $0x1;
	[tilespmem:v1+s23+$0x0 ss:$0x1] =	vst.idx.msk $0xffff, v12;
	v26 =	vmul.f32 v23, v17  }
0x72: {  	v27 =	vld.idx.msk [tilespmem:v2+s25+$0x10 ss:$0x1], $0xffff;
	[tilespmem:v1+s8+$0x0 ss:$0x1] =	vst.idx.msk $0xffff, v7;
	v28 =	vmul.f32 v24, v63  }
0x73: {  	s15 =	smul.u32 $0x240, s14;
	v11 =	vmul.f32 v29, v18;
	v30 =	vld.idx.msk [tilespmem:v2+s26+$0x10 ss:$0x1], $0xffff;
	[tilespmem:v1+s18+$0x0 ss:$0x1] =	vst.idx.msk $0xffff, v26;
	v10 =	vmul.f32 v31, v25  }
0x74: {  	v12 =	vld.idx.msk [tilespmem:v2+s28+$0x10 ss:$0x1], $0xffff;
	[tilespmem:v1+s12+$0x0 ss:$0x1] =	vst.idx.msk $0xffff, v28  }
0x75: {  	s14 =	sshll.u32 s14, $0x7;
	s19 =	smul.u32 $0x240, s11;
	s13 =	sshra.s32 s15, $0x2;
	v32 =	vbroadcast v5, $0x1;
	v7 =	vpop (erf);
	[tilespmem:v1+s21+$0x10 ss:$0x1] =	vst.idx.msk $0xffff, v11;
	v33 =	vld.idx.msk [tilespmem:v2+s2+$0x10 ss:$0x1], $0xffff  }
0x76: {  	s15 =	sand.u32 $0x3FFFFF80, s14;
	v34 =	vbroadcast v6, $0x1;
	[tilespmem:v1+s13+$0x80 ss:$0x1] =	vst.idx.msk $0xffff, v7;
	v38 =	vld.idx.msk [tilespmem:v2+s10+$0x20 ss:$0x1], $0xffff  }
0x77: {  	s11 =	sshll.u32 s11, $0x7;
	s14 =	sshra.s32 s19, $0x2;
	v36 =	vbroadcast v8, $0x1;
	[tilespmem:v1+s22+$0x10 ss:$0x1] =	vst.idx.msk $0xffff, v10;
	v37 =	vld.idx.msk [tilespmem:v2+s15+$0x0 ss:$0x1], $0xffff;
	v35 =	vmul.f32 v32, v27;
	v10 =	vpop (erf)  }
0x78: {  	s11 =	sand.u32 $0x3FFFFF80, s11;
	v40 =	vbroadcast v9, $0x1;
	v41 =	vld.idx.msk [tilespmem:v2+s3+$0x20 ss:$0x1], $0xffff;
	v39 =	vmul.f32 v34, v30;
	[tilespmem:v1+s14+$0x80 ss:$0x1] =	vst.idx.msk $0xffff, v10  }
0x79: {  	v46 =	vbroadcast v3, $0x2;
	[tilespmem:v1+s23+$0x10 ss:$0x1] =	vst.idx.msk $0xffff, v35;
	v42 =	vmul.f32 v36, v12;
	v52 =	vld.idx.msk [tilespmem:v2+s11+$0x0 ss:$0x1], $0xffff  }
0x7a: {  	v45 =	vbroadcast v7, $0x0;
	v43 =	vld.idx.msk [tilespmem:v2+s25+$0x20 ss:$0x1], $0xffff;
	[tilespmem:v1+s8+$0x10 ss:$0x1] =	vst.idx.msk $0xffff, v39;
	v44 =	vmul.f32 v40, v33  }
0x7b: {  	v48 =	vbroadcast v4, $0x2;
	v14 =	vmul.f32 v38, v46;
	v47 =	vld.idx.msk [tilespmem:v2+s26+$0x20 ss:$0x1], $0xffff;
	[tilespmem:v1+s18+$0x10 ss:$0x1] =	vst.idx.msk $0xffff, v42  }
0x7c: {  	v59 =	vbroadcast v10, $0x0;
	v13 =	vmul.f32 v45, v37;
	v19 =	vld.idx.msk [tilespmem:v2+s28+$0x20 ss:$0x1], $0xffff;
	[tilespmem:v1+s12+$0x10 ss:$0x1] =	vst.idx.msk $0xffff, v44  }
0x7d: {  	v49 =	vbroadcast v5, $0x2;
	v11 =	vmul.f32 v41, v48;
	[tilespmem:v1+s21+$0x20 ss:$0x1] =	vst.idx.msk $0xffff, v14;
	v50 =	vld.idx.msk [tilespmem:v2+s2+$0x20 ss:$0x1], $0xffff  }
0x7e: {  	v51 =	vbroadcast v6, $0x2;
	[tilespmem:v1+s13+$0x0 ss:$0x1] =	vst.idx.msk $0xffff, v13;
	v20 =	vld.idx.msk [tilespmem:v2+s10+$0x30 ss:$0x1], $0xffff;
	v24 =	vmul.f32 v59, v52  }
0x7f: {  	v53 =	vbroadcast v8, $0x2;
	[tilespmem:v1+s22+$0x20 ss:$0x1] =	vst.idx.msk $0xffff, v11;
	v54 =	vld.idx.msk [tilespmem:v2+s15+$0x10 ss:$0x1], $0xffff;
	v12 =	vmul.f32 v43, v49  }
0x80: {  	v56 =	vbroadcast v9, $0x2;
	v57 =	vld.idx.msk [tilespmem:v2+s3+$0x30 ss:$0x1], $0xffff;
	v55 =	vmul.f32 v47, v51;
	[tilespmem:v1+s14+$0x0 ss:$0x1] =	vst.idx.msk $0xffff, v24  }
0x81: {  	v63 =	vbroadcast v3, $0x3;
	[tilespmem:v1+s23+$0x20 ss:$0x1] =	vst.idx.msk $0xffff, v12;
	v58 =	vmul.f32 v19, v53;
	v33 =	vld.idx.msk [tilespmem:v2+s11+$0x10 ss:$0x1], $0xffff  }
0x82: {  	v62 =	vbroadcast v7, $0x1;
	v60 =	vld.idx.msk [tilespmem:v2+s25+$0x30 ss:$0x1], $0xffff;
	[tilespmem:v1+s8+$0x20 ss:$0x1] =	vst.idx.msk $0xffff, v55;
	v61 =	vmul.f32 v50, v56  }
0x83: {  	v25 =	vbroadcast v4, $0x3;
	v28 =	vmul.f32 v20, v63;
	v21 =	vld.idx.msk [tilespmem:v2+s26+$0x30 ss:$0x1], $0xffff;
	[tilespmem:v1+s18+$0x20 ss:$0x1] =	vst.idx.msk $0xffff, v58  }
0x84: {  	v41 =	vbroadcast v10, $0x1;
	v27 =	vmul.f32 v62, v54;
	v26 =	vld.idx.msk [tilespmem:v2+s28+$0x30 ss:$0x1], $0xffff;
	[tilespmem:v1+s12+$0x20 ss:$0x1] =	vst.idx.msk $0xffff, v61  }
0x85: {  	v29 =	vbroadcast v5, $0x3;
	v31 =	vmul.f32 v57, v25;
	[tilespmem:v1+s21+$0x30 ss:$0x1] =	vst.idx.msk $0xffff, v28;
	v30 =	vld.idx.msk [tilespmem:v2+s2+$0x30 ss:$0x1], $0xffff  }
0x86: {  	v32 =	vbroadcast v6, $0x3;
	[tilespmem:v1+s13+$0x10 ss:$0x1] =	vst.idx.msk $0xffff, v27;
	v37 =	vld.idx.msk [tilespmem:v2+s10+$0x40 ss:$0x1], $0xffff;
	v11 =	vmul.f32 v41, v33  }
0x87: {  	v35 =	vbroadcast v8, $0x3;
	[tilespmem:v1+s22+$0x30 ss:$0x1] =	vst.idx.msk $0xffff, v31;
	v36 =	vld.idx.msk [tilespmem:v2+s15+$0x20 ss:$0x1], $0xffff;
	v34 =	vmul.f32 v60, v29  }
0x88: {  	v39 =	vbroadcast v9, $0x3;
	v40 =	vld.idx.msk [tilespmem:v2+s3+$0x40 ss:$0x1], $0xffff;
	v38 =	vmul.f32 v21, v32;
	[tilespmem:v1+s14+$0x10 ss:$0x1] =	vst.idx.msk $0xffff, v11  }
0x89: {  	v45 =	vbroadcast v3, $0x4;
	[tilespmem:v1+s23+$0x30 ss:$0x1] =	vst.idx.msk $0xffff, v34;
	v14 =	vmul.f32 v26, v35;
	v55 =	vld.idx.msk [tilespmem:v2+s11+$0x20 ss:$0x1], $0xffff  }
0x8a: {  	v44 =	vbroadcast v7, $0x2;
	v42 =	vld.idx.msk [tilespmem:v2+s25+$0x40 ss:$0x1], $0xffff;
	[tilespmem:v1+s8+$0x30 ss:$0x1] =	vst.idx.msk $0xffff, v38;
	v43 =	vmul.f32 v30, v39  }
0x8b: {  	v47 =	vbroadcast v4, $0x4;
	v50 =	vmul.f32 v37, v45;
	v46 =	vld.idx.msk [tilespmem:v2+s26+$0x40 ss:$0x1], $0xffff;
	[tilespmem:v1+s18+$0x30 ss:$0x1] =	vst.idx.msk $0xffff, v14  }
0x8c: {  	v24 =	vbroadcast v10, $0x2;
	v49 =	vmul.f32 v36, v44;
	v48 =	vld.idx.msk [tilespmem:v2+s28+$0x40 ss:$0x1], $0xffff;
	[tilespmem:v1+s12+$0x30 ss:$0x1] =	vst.idx.msk $0xffff, v43  }
0x8d: {  	v51 =	vbroadcast v5, $0x4;
	v53 =	vmul.f32 v40, v47;
	[tilespmem:v1+s21+$0x40 ss:$0x1] =	vst.idx.msk $0xffff, v50;
	v52 =	vld.idx.msk [tilespmem:v2+s2+$0x40 ss:$0x1], $0xffff  }
0x8e: {  	v54 =	vbroadcast v6, $0x4;
	[tilespmem:v1+s13+$0x20 ss:$0x1] =	vst.idx.msk $0xffff, v49;
	v59 =	vld.idx.msk [tilespmem:v2+s10+$0x50 ss:$0x1], $0xffff;
	v12 =	vmul.f32 v55, v24  }
0x8f: {  	v57 =	vbroadcast v8, $0x4;
	[tilespmem:v1+s22+$0x40 ss:$0x1] =	vst.idx.msk $0xffff, v53;
	v58 =	vld.idx.msk [tilespmem:v2+s15+$0x30 ss:$0x1], $0xffff;
	v56 =	vmul.f32 v42, v51  }
0x90: {  	v61 =	vbroadcast v9, $0x4;
	v62 =	vld.idx.msk [tilespmem:v2+s3+$0x50 ss:$0x1], $0xffff;
	v60 =	vmul.f32 v46, v54;
	[tilespmem:v1+s14+$0x20 ss:$0x1] =	vst.idx.msk $0xffff, v12  }
0x91: {  	v28 =	vbroadcast v3, $0x5;
	[tilespmem:v1+s23+$0x40 ss:$0x1] =	vst.idx.msk $0xffff, v56;
	v63 =	vmul.f32 v48, v57;
	v38 =	vld.idx.msk [tilespmem:v2+s11+$0x30 ss:$0x1], $0xffff  }
0x92: {  	v27 =	vbroadcast v7, $0x3;
	v25 =	vld.idx.msk [tilespmem:v2+s25+$0x50 ss:$0x1], $0xffff;
	[tilespmem:v1+s8+$0x40 ss:$0x1] =	vst.idx.msk $0xffff, v60;
	v26 =	vmul.f32 v52, v61  }
0x93: {  	v30 =	vbroadcast v4, $0x5;
	v33 =	vmul.f32 v59, v28;
	v29 =	vld.idx.msk [tilespmem:v2+s26+$0x50 ss:$0x1], $0xffff;
	[tilespmem:v1+s18+$0x40 ss:$0x1] =	vst.idx.msk $0xffff, v63  }
0x94: {  	v47 =	vbroadcast v10, $0x3;
	v32 =	vmul.f32 v58, v27;
	v31 =	vld.idx.msk [tilespmem:v2+s28+$0x50 ss:$0x1], $0xffff;
	[tilespmem:v1+s12+$0x40 ss:$0x1] =	vst.idx.msk $0xffff, v26  }
0x95: {  	v34 =	vbroadcast v5, $0x5;
	v36 =	vmul.f32 v62, v30;
	[tilespmem:v1+s21+$0x50 ss:$0x1] =	vst.idx.msk $0xffff, v33;
	v35 =	vld.idx.msk [tilespmem:v2+s2+$0x50 ss:$0x1], $0xffff  }
0x96: {  	v37 =	vbroadcast v6, $0x5;
	[tilespmem:v1+s13+$0x30 ss:$0x1] =	vst.idx.msk $0xffff, v32;
	v42 =	vld.idx.msk [tilespmem:v2+s10+$0x60 ss:$0x1], $0xffff;
	v11 =	vmul.f32 v38, v47  }
0x97: {  	v40 =	vbroadcast v8, $0x5;
	[tilespmem:v1+s22+$0x50 ss:$0x1] =	vst.idx.msk $0xffff, v36;
	v41 =	vld.idx.msk [tilespmem:v2+s15+$0x40 ss:$0x1], $0xffff;
	v39 =	vmul.f32 v25, v34  }
0x98: {  	v44 =	vbroadcast v9, $0x5;
	v45 =	vld.idx.msk [tilespmem:v2+s3+$0x60 ss:$0x1], $0xffff;
	v43 =	vmul.f32 v29, v37;
	[tilespmem:v1+s14+$0x30 ss:$0x1] =	vst.idx.msk $0xffff, v11  }
0x99: {  	v51 =	vbroadcast v3, $0x6;
	[tilespmem:v1+s23+$0x50 ss:$0x1] =	vst.idx.msk $0xffff, v39;
	v46 =	vmul.f32 v31, v40;
	v61 =	vld.idx.msk [tilespmem:v2+s11+$0x40 ss:$0x1], $0xffff  }
0x9a: {  	v50 =	vbroadcast v7, $0x4;
	v48 =	vld.idx.msk [tilespmem:v2+s25+$0x60 ss:$0x1], $0xffff;
	[tilespmem:v1+s8+$0x50 ss:$0x1] =	vst.idx.msk $0xffff, v43;
	v49 =	vmul.f32 v35, v44  }
0x9b: {  	v53 =	vbroadcast v4, $0x6;
	v56 =	vmul.f32 v42, v51;
	v52 =	vld.idx.msk [tilespmem:v2+s26+$0x60 ss:$0x1], $0xffff;
	[tilespmem:v1+s18+$0x50 ss:$0x1] =	vst.idx.msk $0xffff, v46  }
0x9c: {  	v30 =	vbroadcast v10, $0x4;
	v55 =	vmul.f32 v41, v50;
	v54 =	vld.idx.msk [tilespmem:v2+s28+$0x60 ss:$0x1], $0xffff;
	[tilespmem:v1+s12+$0x50 ss:$0x1] =	vst.idx.msk $0xffff, v49  }
0x9d: {  	v57 =	vbroadcast v5, $0x6;
	v59 =	vmul.f32 v45, v53;
	[tilespmem:v1+s21+$0x60 ss:$0x1] =	vst.idx.msk $0xffff, v56;
	v58 =	vld.idx.msk [tilespmem:v2+s2+$0x60 ss:$0x1], $0xffff  }
0x9e: {  	v60 =	vbroadcast v6, $0x6;
	[tilespmem:v1+s13+$0x40 ss:$0x1] =	vst.idx.msk $0xffff, v55;
	v25 =	vld.idx.msk [tilespmem:v2+s10+$0x70 ss:$0x1], $0xffff;
	v12 =	vmul.f32 v61, v30  }
0x9f: {  	[tilespmem:v1+s22+$0x60 ss:$0x1] =	vst.idx.msk $0xffff, v59;
	v24 =	vld.idx.msk [tilespmem:v2+s15+$0x50 ss:$0x1], $0xffff;
	v62 =	vmul.f32 v48, v57  }
0xa0: {  	v28 =	vld.idx.msk [tilespmem:v2+s3+$0x70 ss:$0x1], $0xffff;
	v26 =	vmul.f32 v52, v60;
	[tilespmem:v1+s14+$0x40 ss:$0x1] =	vst.idx.msk $0xffff, v12  }
0xa1: {  	v63 =	vbroadcast v8, $0x6;
	[tilespmem:v1+s23+$0x60 ss:$0x1] =	vst.idx.msk $0xffff, v62;
	v37 =	vld.idx.msk [tilespmem:v2+s11+$0x50 ss:$0x1], $0xffff  }
0xa2: {  	s10 =	sor.u32 $0x8, s20;
	v31 =	vld.idx.msk [tilespmem:v2+s25+$0x70 ss:$0x1], $0xffff;
	[tilespmem:v1+s8+$0x60 ss:$0x1] =	vst.idx.msk $0xffff, v26  }
0xa3: {  	v29 =	vmul.f32 v54, v63;
	s25 =	sshll.u32 s10, $0x4;
	v34 =	vld.idx.msk [tilespmem:v2+s26+$0x70 ss:$0x1], $0xffff  }
0xa4: {  	v27 =	vbroadcast v9, $0x6;
	v39 =	vld.idx.msk [tilespmem:v0+s25+$0x200 ss:$0x1], $0xffff  }
0xa5: {  	s3 =	sor.u32 $0x9, s20;
	[tilespmem:v1+s18+$0x60 ss:$0x1] =	vst.idx.msk $0xffff, v29;
	v41 =	vld.idx.msk [tilespmem:v0+s25+$0xA00 ss:$0x1], $0xffff  }
0xa6: {  	v32 =	vmul.f32 v58, v27;
	s26 =	sshll.u32 s3, $0x4;
	v13 =	vld.idx.msk [tilespmem:v2+s28+$0x70 ss:$0x1], $0xffff  }
0xa7: {  	v22 =	vld.idx.msk [tilespmem:v0+s26+$0x200 ss:$0x1], $0xffff  }
0xa8: {  	s16 =	sor.u32 $0xA, s20;
	[tilespmem:v1+s12+$0x60 ss:$0x1] =	vst.idx.msk $0xffff, v32;
	v42 =	vld.idx.msk [tilespmem:v0+s26+$0xA00 ss:$0x1], $0xffff  }
0xa9: {  	v33 =	vbroadcast v7, $0x5;
	s28 =	sshll.u32 s16, $0x4;
	v36 =	vld.idx.msk [tilespmem:v2+s2+$0x70 ss:$0x1], $0xffff  }
0xaa: {  	s25 =	sor.u32 $0xB, s20;
	v43 =	vld.idx.msk [tilespmem:v0+s28+$0x200 ss:$0x1], $0xffff  }
0xab: {  	v4 =	vbroadcast v4, $0x7;
	v35 =	vmul.f32 v24, v33;
	s29 =	sshll.u32 s25, $0x4;
	v44 =	vld.idx.msk [tilespmem:v0+s28+$0xA00 ss:$0x1], $0xffff  }
0xac: {  	v3 =	vbroadcast v3, $0x7;
	v5 =	vbroadcast v5, $0x7;
	v46 =	vld.idx.msk [tilespmem:v0+s29+$0x200 ss:$0x1], $0xffff  }
0xad: {  	s19 =	sor.u32 $0xC, s20;
	v6 =	vbroadcast v6, $0x7;
	v8 =	vbroadcast v8, $0x7;
	[tilespmem:v1+s13+$0x50 ss:$0x1] =	vst.idx.msk $0xffff, v35;
	v48 =	vld.idx.msk [tilespmem:v0+s29+$0xA00 ss:$0x1], $0xffff  }
0xae: {  	v9 =	vbroadcast v9, $0x7;
	v47 =	vbroadcast v7, $0x6;
	s2 =	sshll.u32 s19, $0x4;
	v38 =	vld.idx.msk [tilespmem:v2+s15+$0x60 ss:$0x1], $0xffff  }
0xaf: {  	v7 =	vbroadcast v7, $0x7;
	v40 =	vbroadcast v10, $0x5;
	s26 =	sor.u32 $0xD, s20;
	v50 =	vld.idx.msk [tilespmem:v0+s2+$0x200 ss:$0x1], $0xffff  }
0xb0: {  	v52 =	vbroadcast v10, $0x6;
	v10 =	vbroadcast v10, $0x7;
	s29 =	sshll.u32 s26, $0x4;
	v51 =	vld.idx.msk [tilespmem:v0+s2+$0xA00 ss:$0x1], $0xffff  }
0xb1: {  	v3 =	vmul.f32 v25, v3;
	v4 =	vmul.f32 v28, v4;
	s28 =	sor.u32 $0xE, s20;
	v54 =	vld.idx.msk [tilespmem:v0+s29+$0x200 ss:$0x1], $0xffff  }
0xb2: {  	v11 =	vmul.f32 v37, v40;
	v24 =	vld.idx.msk [tilespmem:v0+s29+$0xA00 ss:$0x1], $0xffff;
	s2 =	sshll.u32 s28, $0x4;
	v5 =	vmul.f32 v31, v5;
	v15 =	vadd.f32 v41, v39  }
0xb3: {  	s29 =	sor.u32 $0xF, s20;
	v56 =	vld.idx.msk [tilespmem:v0+s2+$0x200 ss:$0x1], $0xffff;
	v6 =	vmul.f32 v34, v6;
	v8 =	vmul.f32 v13, v8;
	v17 =	vadd.f32 v42, v22  }
0xb4: {  	v58 =	vld.idx.msk [tilespmem:v0+s2+$0xA00 ss:$0x1], $0xffff;
	s2 =	sshll.u32 s29, $0x4;
	[tilespmem:v1+s14+$0x50 ss:$0x1] =	vst.idx.msk $0xffff, v11;
	v9 =	vmul.f32 v36, v9;
	v49 =	vmul.f32 $2.000000030e-01, v15;
	vm8 =	vgt.f32 v15, $0.0e+00  }
0xb5: {  	v59 =	vld.idx.msk [tilespmem:v0+s2+$0x200 ss:$0x1], $0xffff;
	v11 =	vadd.f32 v44, v43;
	v55 =	vadd.f32 v48, v46;
	v12 =	vmul.f32 v38, v47  }
0xb6: {  	v25 =	vld.idx.msk [tilespmem:v0+s2+$0xA00 ss:$0x1], $0xffff;
	v53 =	vmul.f32 $2.000000030e-01, v17;
	vm9 =	vgt.f32 v17, $0.0e+00;
	v13 =	vadd.f32 v51, v50  }
0xb7: {  	v45 =	vld.idx.msk [tilespmem:v2+s11+$0x60 ss:$0x1], $0xffff;
	v61 =	vadd.f32 v24, v54;
	v14 =	vsel vm8, v15, v49;
	v23 =	vmul.f32 $2.000000030e-01, v11  }
0xb8: {  	vm10 =	vgt.f32 v11, $0.0e+00;
	v20 =	vmul.f32 $2.000000030e-01, v55;
	vm11 =	vgt.f32 v55, $0.0e+00  }
0xb9: {  	v63 =	vadd.f32 v58, v56;
	v14 =	vmul.f32 $1.442695020e+00, v14;
	v15 =	vsel vm9, v17, v53  }
0xba: {  	v62 =	vmul.f32 $2.000000030e-01, v13;
	vm12 =	vgt.f32 v13, $0.0e+00;
	v21 =	vmul.f32 $2.000000030e-01, v61  }
0xbb: {  	v22 =	vadd.f32 v25, v59;
	vm13 =	vgt.f32 v61, $0.0e+00;
	v57 =	vmul.f32 $1.442695020e+00, v15  }
0xbc: {  	v11 =	vsel vm10, v11, v23;
	v16 =	vmul.f32 v45, v52;
	v24 =	vmul.f32 $2.000000030e-01, v63  }
0xbd: {  	v60 =	vsel vm11, v55, v20;
	(erf) = vpow2.f32 v14;
	v11 =	vmul.f32 $1.442695020e+00, v11  }
0xbe: {  	[tilespmem:v1+s13+$0x60 ss:$0x1] =	vst.idx.msk $0xffff, v12;
	vm14 =	vgt.f32 v63, $0.0e+00;
	v20 =	vsel vm12, v13, v62;
	(erf) = vpow2.f32 v57  }
0xbf: {  	v23 =	vld.idx.msk [tilespmem:v2+s15+$0x70 ss:$0x1], $0xffff;
	v13 =	vsel vm13, v61, v21;
	[tilespmem:v1+s14+$0x60 ss:$0x1] =	vst.idx.msk $0xffff, v16;
	(erf) = vpow2.f32 v11;
	v11 =	vmul.f32 $1.442695020e+00, v60  }
0xc0: {  	[tilespmem:v1+s21+$0x70 ss:$0x1] =	vst.idx.msk $0xffff, v3;
	v25 =	vmul.f32 $2.000000030e-01, v22;
	vm15 =	vgt.f32 v22, $0.0e+00;
	v12 =	vmul.f32 $1.442695020e+00, v20;
	v3 =	vld.idx.msk [tilespmem:v2+s11+$0x70 ss:$0x1], $0xffff  }
0xc1: {  	[tilespmem:v1+s22+$0x70 ss:$0x1] =	vst.idx.msk $0xffff, v4;
	v26 =	vmul.f32 $1.442695020e+00, v13;
	(erf) = vpow2.f32 v11;
	v11 =	vsel vm14, v63, v24  }
0xc2: {  	[tilespmem:v1+s23+$0x70 ss:$0x1] =	vst.idx.msk $0xffff, v5;
	v28 =	vsel vm15, v22, v25;
	(erf) = vpow2.f32 v12;
	v27 =	vmul.f32 $1.442695020e+00, v11  }
0xc3: {  	s22 =	smul.u32 $0x240, s10;
	[tilespmem:v1+s8+$0x70 ss:$0x1] =	vst.idx.msk $0xffff, v6;
	v29 =	vmul.f32 $1.442695020e+00, v28;
	(erf) = vpow2.f32 v26  }
0xc4: {  	s23 =	smul.u32 $0x240, s3;
	[tilespmem:v1+s18+$0x70 ss:$0x1] =	vst.idx.msk $0xffff, v8;
	v30 =	vmul.f32 v23, v7;
	(erf) = vpow2.f32 v27  }
0xc5: {  	s2 =	smul.u32 $0x240, s28;
	[tilespmem:v1+s12+$0x70 ss:$0x1] =	vst.idx.msk $0xffff, v9;
	s12 =	sshll.u32 s10, $0x7;
	v31 =	vmul.f32 v3, v10;
	(erf) = vpow2.f32 v29  }
0xc6: {  	s21 =	sand.u32 $0x3FFFFF80, s12;
	s12 =	sshra.s32 s23, $0x2;
	s23 =	smul.u32 $0x240, s25;
	[tilespmem:v1+s13+$0x70 ss:$0x1] =	vst.idx.msk $0xffff, v30  }
0xc7: {  	s3 =	sshll.u32 s3, $0x7;
	s8 =	sshra.s32 s22, $0x2;
	s15 =	smul.u32 $0x240, s16;
	v3 =	vpop (erf);
	[tilespmem:v1+s14+$0x70 ss:$0x1] =	vst.idx.msk $0xffff, v31  }
0xc8: {  	s22 =	sand.u32 $0x3FFFFF80, s3;
	s18 =	sshll.u32 s16, $0x7;
	s16 =	smul.u32 $0x240, s19;
	v4 =	vpop (erf);
	[tilespmem:v1+s8+$0x80 ss:$0x1] =	vst.idx.msk $0xffff, v3  }
0xc9: {  	s11 =	sand.u32 $0x3FFFFF80, s18;
	s18 =	sshll.u32 s19, $0x7;
	s13 =	sshra.s32 s15, $0x2;
	v5 =	vpop (erf);
	v32 =	vld.idx.msk [tilespmem:v2+s21+$0x0 ss:$0x1], $0xffff;
	[tilespmem:v1+s12+$0x80 ss:$0x1] =	vst.idx.msk $0xffff, v4  }
0xca: {  	s19 =	smul.u32 $0x240, s26;
	s15 =	sshll.u32 s25, $0x7;
	s14 =	sshra.s32 s23, $0x2;
	v33 =	vld.idx.msk [tilespmem:v2+s22+$0x0 ss:$0x1], $0xffff;
	[tilespmem:v1+s13+$0x80 ss:$0x1] =	vst.idx.msk $0xffff, v5;
	v6 =	vpop (erf)  }
0xcb: {  	s25 =	sand.u32 $0x3FFFFF80, s18;
	s23 =	sand.u32 $0x3FFFFF80, s15;
	s15 =	sshra.s32 s16, $0x2;
	v34 =	vld.idx.msk [tilespmem:v2+s11+$0x0 ss:$0x1], $0xffff;
	v7 =	vpop (erf);
	[tilespmem:v1+s14+$0x80 ss:$0x1] =	vst.idx.msk $0xffff, v6  }
0xcc: {  	s18 =	sshra.s32 s19, $0x2;
	s19 =	smul.u32 $0x240, s29;
	s16 =	sshll.u32 s26, $0x7;
	v35 =	vbroadcast v3, $0x0;
	v8 =	vpop (erf);
	v36 =	vld.idx.msk [tilespmem:v2+s23+$0x0 ss:$0x1], $0xffff;
	[tilespmem:v1+s15+$0x80 ss:$0x1] =	vst.idx.msk $0xffff, v7  }
0xcd: {  	s3 =	sshll.u32 s28, $0x7;
	s10 =	sshra.s32 s2, $0x2;
	s26 =	sand.u32 $0x3FFFFF80, s16;
	v37 =	vbroadcast v4, $0x0;
	v9 =	vpop (erf);
	v38 =	vld.idx.msk [tilespmem:v2+s25+$0x0 ss:$0x1], $0xffff;
	[tilespmem:v1+s18+$0x80 ss:$0x1] =	vst.idx.msk $0xffff, v8  }
0xce: {  	s28 =	sand.u32 $0x3FFFFF80, s3;
	s3 =	sshra.s32 s19, $0x2;
	s16 =	sshll.u32 s29, $0x7;
	v39 =	vbroadcast v5, $0x0;
	v13 =	vmul.f32 v35, v32;
	v40 =	vld.idx.msk [tilespmem:v2+s26+$0x0 ss:$0x1], $0xffff;
	[tilespmem:v1+s10+$0x80 ss:$0x1] =	vst.idx.msk $0xffff, v9;
	v10 =	vpop (erf)  }
0xcf: {  	s19 =	sand.u32 $0x3FFFFF80, s16;
	v41 =	vbroadcast v6, $0x0;
	v11 =	vmul.f32 v37, v33;
	v42 =	vld.idx.msk [tilespmem:v2+s28+$0x0 ss:$0x1], $0xffff;
	[tilespmem:v1+s3+$0x80 ss:$0x1] =	vst.idx.msk $0xffff, v10  }
0xd0: {  	v43 =	vbroadcast v7, $0x0;
	[tilespmem:v1+s8+$0x0 ss:$0x1] =	vst.idx.msk $0xffff, v13;
	v12 =	vmul.f32 v39, v34;
	v44 =	vld.idx.msk [tilespmem:v2+s19+$0x0 ss:$0x1], $0xffff  }
0xd1: {  	v47 =	vbroadcast v8, $0x0;
	v45 =	vld.idx.msk [tilespmem:v2+s21+$0x10 ss:$0x1], $0xffff;
	[tilespmem:v1+s12+$0x0 ss:$0x1] =	vst.idx.msk $0xffff, v11;
	v46 =	vmul.f32 v41, v36  }
0xd2: {  	v50 =	vbroadcast v9, $0x0;
	v48 =	vld.idx.msk [tilespmem:v2+s22+$0x10 ss:$0x1], $0xffff;
	[tilespmem:v1+s13+$0x0 ss:$0x1] =	vst.idx.msk $0xffff, v12;
	v49 =	vmul.f32 v43, v38  }
0xd3: {  	v53 =	vbroadcast v10, $0x0;
	v51 =	vld.idx.msk [tilespmem:v2+s11+$0x10 ss:$0x1], $0xffff;
	[tilespmem:v1+s14+$0x0 ss:$0x1] =	vst.idx.msk $0xffff, v46;
	v52 =	vmul.f32 v47, v40  }
0xd4: {  	v54 =	vbroadcast v3, $0x1;
	[tilespmem:v1+s15+$0x0 ss:$0x1] =	vst.idx.msk $0xffff, v49;
	v55 =	vld.idx.msk [tilespmem:v2+s23+$0x10 ss:$0x1], $0xffff;
	v13 =	vmul.f32 v50, v42  }
0xd5: {  	v56 =	vbroadcast v4, $0x1;
	[tilespmem:v1+s18+$0x0 ss:$0x1] =	vst.idx.msk $0xffff, v52;
	v57 =	vld.idx.msk [tilespmem:v2+s25+$0x10 ss:$0x1], $0xffff;
	v14 =	vmul.f32 v53, v44  }
0xd6: {  	v59 =	vbroadcast v5, $0x1;
	v58 =	vmul.f32 v54, v45;
	v60 =	vld.idx.msk [tilespmem:v2+s26+$0x10 ss:$0x1], $0xffff;
	[tilespmem:v1+s10+$0x0 ss:$0x1] =	vst.idx.msk $0xffff, v13  }
0xd7: {  	v62 =	vbroadcast v6, $0x1;
	v61 =	vmul.f32 v56, v48;
	v63 =	vld.idx.msk [tilespmem:v2+s28+$0x10 ss:$0x1], $0xffff;
	[tilespmem:v1+s3+$0x0 ss:$0x1] =	vst.idx.msk $0xffff, v14  }
0xd8: {  	v25 =	vbroadcast v7, $0x1;
	[tilespmem:v1+s8+$0x10 ss:$0x1] =	vst.idx.msk $0xffff, v58;
	v24 =	vmul.f32 v59, v51;
	v26 =	vld.idx.msk [tilespmem:v2+s19+$0x10 ss:$0x1], $0xffff  }
0xd9: {  	v28 =	vbroadcast v8, $0x1;
	v27 =	vld.idx.msk [tilespmem:v2+s21+$0x20 ss:$0x1], $0xffff;
	[tilespmem:v1+s12+$0x10 ss:$0x1] =	vst.idx.msk $0xffff, v61;
	v12 =	vmul.f32 v62, v55  }
0xda: {  	v30 =	vbroadcast v9, $0x1;
	v29 =	vld.idx.msk [tilespmem:v2+s22+$0x20 ss:$0x1], $0xffff;
	[tilespmem:v1+s13+$0x10 ss:$0x1] =	vst.idx.msk $0xffff, v24;
	v11 =	vmul.f32 v25, v57  }
0xdb: {  	v33 =	vbroadcast v10, $0x1;
	v31 =	vld.idx.msk [tilespmem:v2+s11+$0x20 ss:$0x1], $0xffff;
	[tilespmem:v1+s14+$0x10 ss:$0x1] =	vst.idx.msk $0xffff, v12;
	v32 =	vmul.f32 v28, v60  }
0xdc: {  	v34 =	vbroadcast v3, $0x2;
	[tilespmem:v1+s15+$0x10 ss:$0x1] =	vst.idx.msk $0xffff, v11;
	v35 =	vld.idx.msk [tilespmem:v2+s23+$0x20 ss:$0x1], $0xffff;
	v14 =	vmul.f32 v30, v63  }
0xdd: {  	v36 =	vbroadcast v4, $0x2;
	[tilespmem:v1+s18+$0x10 ss:$0x1] =	vst.idx.msk $0xffff, v32;
	v37 =	vld.idx.msk [tilespmem:v2+s25+$0x20 ss:$0x1], $0xffff;
	v13 =	vmul.f32 v33, v26  }
0xde: {  	v39 =	vbroadcast v5, $0x2;
	v38 =	vmul.f32 v27, v34;
	v40 =	vld.idx.msk [tilespmem:v2+s26+$0x20 ss:$0x1], $0xffff;
	[tilespmem:v1+s10+$0x10 ss:$0x1] =	vst.idx.msk $0xffff, v14  }
0xdf: {  	v42 =	vbroadcast v6, $0x2;
	v41 =	vmul.f32 v29, v36;
	v43 =	vld.idx.msk [tilespmem:v2+s28+$0x20 ss:$0x1], $0xffff;
	[tilespmem:v1+s3+$0x10 ss:$0x1] =	vst.idx.msk $0xffff, v13  }
0xe0: {  	v45 =	vbroadcast v7, $0x2;
	[tilespmem:v1+s8+$0x20 ss:$0x1] =	vst.idx.msk $0xffff, v38;
	v44 =	vmul.f32 v31, v39;
	v46 =	vld.idx.msk [tilespmem:v2+s19+$0x20 ss:$0x1], $0xffff  }
0xe1: {  	v48 =	vbroadcast v8, $0x2;
	v47 =	vld.idx.msk [tilespmem:v2+s21+$0x30 ss:$0x1], $0xffff;
	[tilespmem:v1+s12+$0x20 ss:$0x1] =	vst.idx.msk $0xffff, v41;
	v11 =	vmul.f32 v35, v42  }
0xe2: {  	v50 =	vbroadcast v9, $0x2;
	v49 =	vld.idx.msk [tilespmem:v2+s22+$0x30 ss:$0x1], $0xffff;
	[tilespmem:v1+s13+$0x20 ss:$0x1] =	vst.idx.msk $0xffff, v44;
	v12 =	vmul.f32 v37, v45  }
0xe3: {  	v53 =	vbroadcast v10, $0x2;
	v51 =	vld.idx.msk [tilespmem:v2+s11+$0x30 ss:$0x1], $0xffff;
	[tilespmem:v1+s14+$0x20 ss:$0x1] =	vst.idx.msk $0xffff, v11;
	v52 =	vmul.f32 v40, v48  }
0xe4: {  	v54 =	vbroadcast v3, $0x3;
	[tilespmem:v1+s15+$0x20 ss:$0x1] =	vst.idx.msk $0xffff, v12;
	v55 =	vld.idx.msk [tilespmem:v2+s23+$0x30 ss:$0x1], $0xffff;
	v13 =	vmul.f32 v43, v50  }
0xe5: {  	v56 =	vbroadcast v4, $0x3;
	[tilespmem:v1+s18+$0x20 ss:$0x1] =	vst.idx.msk $0xffff, v52;
	v57 =	vld.idx.msk [tilespmem:v2+s25+$0x30 ss:$0x1], $0xffff;
	v14 =	vmul.f32 v46, v53  }
0xe6: {  	v59 =	vbroadcast v5, $0x3;
	v58 =	vmul.f32 v47, v54;
	v60 =	vld.idx.msk [tilespmem:v2+s26+$0x30 ss:$0x1], $0xffff;
	[tilespmem:v1+s10+$0x20 ss:$0x1] =	vst.idx.msk $0xffff, v13  }
0xe7: {  	v62 =	vbroadcast v6, $0x3;
	v61 =	vmul.f32 v49, v56;
	v63 =	vld.idx.msk [tilespmem:v2+s28+$0x30 ss:$0x1], $0xffff;
	[tilespmem:v1+s3+$0x20 ss:$0x1] =	vst.idx.msk $0xffff, v14  }
0xe8: {  	v25 =	vbroadcast v7, $0x3;
	[tilespmem:v1+s8+$0x30 ss:$0x1] =	vst.idx.msk $0xffff, v58;
	v24 =	vmul.f32 v51, v59;
	v26 =	vld.idx.msk [tilespmem:v2+s19+$0x30 ss:$0x1], $0xffff  }
0xe9: {  	v28 =	vbroadcast v8, $0x3;
	v27 =	vld.idx.msk [tilespmem:v2+s21+$0x40 ss:$0x1], $0xffff;
	[tilespmem:v1+s12+$0x30 ss:$0x1] =	vst.idx.msk $0xffff, v61;
	v12 =	vmul.f32 v55, v62  }
0xea: {  	v30 =	vbroadcast v9, $0x3;
	v29 =	vld.idx.msk [tilespmem:v2+s22+$0x40 ss:$0x1], $0xffff;
	[tilespmem:v1+s13+$0x30 ss:$0x1] =	vst.idx.msk $0xffff, v24;
	v11 =	vmul.f32 v57, v25  }
0xeb: {  	v33 =	vbroadcast v10, $0x3;
	v31 =	vld.idx.msk [tilespmem:v2+s11+$0x40 ss:$0x1], $0xffff;
	[tilespmem:v1+s14+$0x30 ss:$0x1] =	vst.idx.msk $0xffff, v12;
	v32 =	vmul.f32 v60, v28  }
0xec: {  	v34 =	vbroadcast v3, $0x4;
	[tilespmem:v1+s15+$0x30 ss:$0x1] =	vst.idx.msk $0xffff, v11;
	v35 =	vld.idx.msk [tilespmem:v2+s23+$0x40 ss:$0x1], $0xffff;
	v14 =	vmul.f32 v63, v30  }
0xed: {  	v36 =	vbroadcast v4, $0x4;
	[tilespmem:v1+s18+$0x30 ss:$0x1] =	vst.idx.msk $0xffff, v32;
	v37 =	vld.idx.msk [tilespmem:v2+s25+$0x40 ss:$0x1], $0xffff;
	v13 =	vmul.f32 v26, v33  }
0xee: {  	v39 =	vbroadcast v5, $0x4;
	v38 =	vmul.f32 v27, v34;
	v40 =	vld.idx.msk [tilespmem:v2+s26+$0x40 ss:$0x1], $0xffff;
	[tilespmem:v1+s10+$0x30 ss:$0x1] =	vst.idx.msk $0xffff, v14  }
0xef: {  	v42 =	vbroadcast v6, $0x4;
	v41 =	vmul.f32 v29, v36;
	v43 =	vld.idx.msk [tilespmem:v2+s28+$0x40 ss:$0x1], $0xffff;
	[tilespmem:v1+s3+$0x30 ss:$0x1] =	vst.idx.msk $0xffff, v13  }
0xf0: {  	v45 =	vbroadcast v7, $0x4;
	[tilespmem:v1+s8+$0x40 ss:$0x1] =	vst.idx.msk $0xffff, v38;
	v44 =	vmul.f32 v31, v39;
	v46 =	vld.idx.msk [tilespmem:v2+s19+$0x40 ss:$0x1], $0xffff  }
0xf1: {  	v48 =	vbroadcast v8, $0x4;
	v47 =	vld.idx.msk [tilespmem:v2+s21+$0x50 ss:$0x1], $0xffff;
	[tilespmem:v1+s12+$0x40 ss:$0x1] =	vst.idx.msk $0xffff, v41;
	v11 =	vmul.f32 v35, v42  }
0xf2: {  	v50 =	vbroadcast v9, $0x4;
	v49 =	vld.idx.msk [tilespmem:v2+s22+$0x50 ss:$0x1], $0xffff;
	[tilespmem:v1+s13+$0x40 ss:$0x1] =	vst.idx.msk $0xffff, v44;
	v12 =	vmul.f32 v37, v45  }
0xf3: {  	v53 =	vbroadcast v10, $0x4;
	v51 =	vld.idx.msk [tilespmem:v2+s11+$0x50 ss:$0x1], $0xffff;
	[tilespmem:v1+s14+$0x40 ss:$0x1] =	vst.idx.msk $0xffff, v11;
	v52 =	vmul.f32 v40, v48  }
0xf4: {  	v54 =	vbroadcast v3, $0x5;
	[tilespmem:v1+s15+$0x40 ss:$0x1] =	vst.idx.msk $0xffff, v12;
	v55 =	vld.idx.msk [tilespmem:v2+s23+$0x50 ss:$0x1], $0xffff;
	v13 =	vmul.f32 v43, v50  }
0xf5: {  	v56 =	vbroadcast v4, $0x5;
	[tilespmem:v1+s18+$0x40 ss:$0x1] =	vst.idx.msk $0xffff, v52;
	v57 =	vld.idx.msk [tilespmem:v2+s25+$0x50 ss:$0x1], $0xffff;
	v14 =	vmul.f32 v46, v53  }
0xf6: {  	v59 =	vbroadcast v5, $0x5;
	v58 =	vmul.f32 v47, v54;
	v60 =	vld.idx.msk [tilespmem:v2+s26+$0x50 ss:$0x1], $0xffff;
	[tilespmem:v1+s10+$0x40 ss:$0x1] =	vst.idx.msk $0xffff, v13  }
0xf7: {  	v62 =	vbroadcast v6, $0x5;
	v61 =	vmul.f32 v49, v56;
	v63 =	vld.idx.msk [tilespmem:v2+s28+$0x50 ss:$0x1], $0xffff;
	[tilespmem:v1+s3+$0x40 ss:$0x1] =	vst.idx.msk $0xffff, v14  }
0xf8: {  	v23 =	vbroadcast v7, $0x5;
	[tilespmem:v1+s8+$0x50 ss:$0x1] =	vst.idx.msk $0xffff, v58;
	v22 =	vmul.f32 v51, v59;
	v24 =	vld.idx.msk [tilespmem:v2+s19+$0x50 ss:$0x1], $0xffff  }
0xf9: {  	v26 =	vbroadcast v8, $0x5;
	v25 =	vld.idx.msk [tilespmem:v2+s21+$0x60 ss:$0x1], $0xffff;
	[tilespmem:v1+s12+$0x50 ss:$0x1] =	vst.idx.msk $0xffff, v61;
	v12 =	vmul.f32 v55, v62  }
0xfa: {  	v28 =	vbroadcast v9, $0x5;
	v27 =	vld.idx.msk [tilespmem:v2+s22+$0x60 ss:$0x1], $0xffff;
	[tilespmem:v1+s13+$0x50 ss:$0x1] =	vst.idx.msk $0xffff, v22;
	v11 =	vmul.f32 v57, v23  }
0xfb: {  	v31 =	vbroadcast v10, $0x5;
	v29 =	vld.idx.msk [tilespmem:v2+s11+$0x60 ss:$0x1], $0xffff;
	[tilespmem:v1+s14+$0x50 ss:$0x1] =	vst.idx.msk $0xffff, v12;
	v30 =	vmul.f32 v60, v26  }
0xfc: {  	v32 =	vbroadcast v3, $0x6;
	[tilespmem:v1+s15+$0x50 ss:$0x1] =	vst.idx.msk $0xffff, v11;
	v33 =	vld.idx.msk [tilespmem:v2+s23+$0x60 ss:$0x1], $0xffff;
	v14 =	vmul.f32 v63, v28  }
0xfd: {  	v34 =	vbroadcast v4, $0x6;
	[tilespmem:v1+s18+$0x50 ss:$0x1] =	vst.idx.msk $0xffff, v30;
	v35 =	vld.idx.msk [tilespmem:v2+s25+$0x60 ss:$0x1], $0xffff;
	v13 =	vmul.f32 v24, v31  }
0xfe: {  	v37 =	vbroadcast v5, $0x6;
	v36 =	vmul.f32 v25, v32;
	v38 =	vld.idx.msk [tilespmem:v2+s26+$0x60 ss:$0x1], $0xffff;
	[tilespmem:v1+s10+$0x50 ss:$0x1] =	vst.idx.msk $0xffff, v14  }
0xff: {  	v40 =	vbroadcast v6, $0x6;
	v39 =	vmul.f32 v27, v34;
	v41 =	vld.idx.msk [tilespmem:v2+s28+$0x60 ss:$0x1], $0xffff;
	[tilespmem:v1+s3+$0x50 ss:$0x1] =	vst.idx.msk $0xffff, v13  }
0x100: {  	v43 =	vbroadcast v7, $0x6;
	[tilespmem:v1+s8+$0x60 ss:$0x1] =	vst.idx.msk $0xffff, v36;
	v42 =	vmul.f32 v29, v37;
	v44 =	vld.idx.msk [tilespmem:v2+s19+$0x60 ss:$0x1], $0xffff  }
0x101: {  	v46 =	vbroadcast v8, $0x6;
	v45 =	vld.idx.msk [tilespmem:v2+s21+$0x70 ss:$0x1], $0xffff;
	[tilespmem:v1+s12+$0x60 ss:$0x1] =	vst.idx.msk $0xffff, v39;
	v11 =	vmul.f32 v33, v40  }
0x102: {  	v48 =	vbroadcast v9, $0x6;
	v47 =	vld.idx.msk [tilespmem:v2+s22+$0x70 ss:$0x1], $0xffff;
	[tilespmem:v1+s13+$0x60 ss:$0x1] =	vst.idx.msk $0xffff, v42;
	v12 =	vmul.f32 v35, v43  }
0x103: {  	v51 =	vbroadcast v10, $0x6;
	v49 =	vld.idx.msk [tilespmem:v2+s11+$0x70 ss:$0x1], $0xffff;
	[tilespmem:v1+s14+$0x60 ss:$0x1] =	vst.idx.msk $0xffff, v11;
	v50 =	vmul.f32 v38, v46  }
0x104: {  	v3 =	vbroadcast v3, $0x7;
	v52 =	vld.idx.msk [tilespmem:v2+s23+$0x70 ss:$0x1], $0xffff;
	[tilespmem:v1+s15+$0x60 ss:$0x1] =	vst.idx.msk $0xffff, v12;
	v53 =	vmul.f32 v41, v48  }
0x105: {  	v4 =	vbroadcast v4, $0x7;
	v54 =	vld.idx.msk [tilespmem:v2+s25+$0x70 ss:$0x1], $0xffff;
	[tilespmem:v1+s18+$0x60 ss:$0x1] =	vst.idx.msk $0xffff, v50;
	v55 =	vmul.f32 v44, v51  }
0x106: {  	v5 =	vbroadcast v5, $0x7;
	v3 =	vmul.f32 v45, v3;
	v56 =	vld.idx.msk [tilespmem:v2+s26+$0x70 ss:$0x1], $0xffff;
	[tilespmem:v1+s10+$0x60 ss:$0x1] =	vst.idx.msk $0xffff, v53  }
0x107: {  	v6 =	vbroadcast v6, $0x7;
	v4 =	vmul.f32 v47, v4;
	v12 =	vld.idx.msk [tilespmem:v2+s28+$0x70 ss:$0x1], $0xffff;
	[tilespmem:v1+s3+$0x60 ss:$0x1] =	vst.idx.msk $0xffff, v55  }
0x108: {  	v7 =	vbroadcast v7, $0x7;
	[tilespmem:v1+s8+$0x70 ss:$0x1] =	vst.idx.msk $0xffff, v3;
	v5 =	vmul.f32 v49, v5;
	v3 =	vld.idx.msk [tilespmem:v2+s19+$0x70 ss:$0x1], $0xffff  }
0x109: {  	v58 =	vbroadcast v8, $0x7;
	[tilespmem:v1+s12+$0x70 ss:$0x1] =	vst.idx.msk $0xffff, v4;
	v57 =	vmul.f32 v52, v6  }
0x10a: {  	p0 =	slt.u32 s20, $0x30;
	v60 =	vbroadcast v9, $0x7;
	[tilespmem:v1+s13+$0x70 ss:$0x1] =	vst.idx.msk $0xffff, v5;
	v59 =	vmul.f32 v54, v7  }
.Ltmp0:
0x10b: {  	v62 =	vbroadcast v10, $0x7;
	[tilespmem:v1+s14+$0x70 ss:$0x1] =	vst.idx.msk $0xffff, v57;
	v61 =	vmul.f32 v56, v58;
	(pc) =	sbr.rel @p0 .LBB2_3-.Ltmp0, $4  }
0x10c: {  	[tilespmem:v1+s15+$0x70 ss:$0x1] =	vst.idx.msk $0xffff, v59;
	v63 =	vmul.f32 v12, v60  }
0x10d: {  	[tilespmem:v1+s18+$0x70 ss:$0x1] =	vst.idx.msk $0xffff, v61;
	v3 =	vmul.f32 v3, v62  }
0x10e: {  	s29 =	sadd.s32 $0x10, s20;
	[tilespmem:v1+s10+$0x70 ss:$0x1] =	vst.idx.msk $0xffff, v63  }
0x10f: {  	s20 =	smov.u32 s29;
	[tilespmem:v1+s3+$0x70 ss:$0x1] =	vst.idx.msk $0xffff, v3  }
0x110: {  	p0 =	sne.s32 s0, $0x9E  }
.Ltmp1:
0x111: {  	_ = 	snop;
	(pc) =	sbr.rel @p0 .LBB2_2-.Ltmp1, $4  }
0x112: {  	s2 =	sshll.u32 s30, $0x7  }
0x113: {  	s2 =	sand.u32 $0x180, s2  }
0x114: {  	s3 =	sadd.s32 $0x3, s31;
	s30 =	smov.u32 s0;
	s2 =	sor.u32 $0x40, s2  }
0x115: {  	[spmem:s1] =	stream.indirect.scatter.add.f32 [tilespmem:s4], [sflag:s3], $0x90, s2, s17, $0xb8;
	[tilespmem:$0x1FD80] =	vst v63  }
0x116: {  	s0 =	simm.s32 $0x3  }
0x117: {  	_ =	swait.ge [sflag:s0], $0x2400  }
0x118: {  	[sflag:s0] =	ssyncset.done $0x0  }
0x119: {  	s28 =	simm.s32 $0x4;
	[sflag:s0] =	ssyncadd.s32 $0xFFFFDC00  }
0x11a: {  	_ =	swait.ge [sflag:s28], $0x2400  }
0x11b: {  	[sflag:s28] =	ssyncset.done $0x0  }
0x11c: {  	[sflag:s28] =	ssyncadd.s32 $0xFFFFDC00  }
0x11d: {  	[bflag:$0x0] =	sbarrier.arrive $0xFFFF  }
0x11e: {  	s29 =	rddreg [dreg:$0x5]  }
0x11f: {  	s2 =	rddreg [dreg:$0x9]  }
0x120: {  	s30 =	simm.s32 $0x5;
	s3 =	rddreg [dreg:$0xb];
	s0 =	sor.u32 $0x1C05, s29  }
0x121: {  	[hbm:s2], [sflag:s0] =	dma.local [spmem:s3], $0x2C70  }
0x122: {  	_ =	swait.ge [sflag:s30], $0x2C70  }
0x123: {  	s4 =	rddreg [dreg:$0xc]  }
0x124: {  	s31 =	rddreg [dreg:$0xa];
	s4 =	sadd.s32 $0x1, s4  }
0x125: {  	p0 =	sne.s32 s4, s31  }
.Ltmp2:
0x126: {  	_ = 	snop;
	(pc) =	sbr.rel @p0 .LBB2_1-.Ltmp2, $3  }
0x127: {  	_ =	sdelay $0x1  }
0x128: {  	[sflag:s30] =	ssyncset.done $0x0  }
0x129: {  	[sflag:s30] =	ssyncadd.s32 $0xFFFFD390  }
0x12a: {  	_ =	sfence.sel $0x180000  }
0x12b: {  	[bflag:$0x0] =	sbarrier.arrive $0xFFFF  }
0x12c: {  	_ =	strace $0x9000004A  }
0x12d: {  	s0 =	stileid.u32;
	[bflag:$0x2] =	sbarrier.arrive $0xFFFF  }
0x12e: {  	p0 =	sne.s32 s0, $0x0;
	s0 =	rddreg [dreg:$0x3]  }
0x12f: {  	s0 =	sadd.s32 @!p0 $0x100000, s0  }
0x130: {  	[sflag:s0] =	ssyncadd.tile.s32 @!p0 $0x1;
	_ =	shalt  }
.Lfunc_end2:
_tile_overlayer_lowered:
.L_overlay_start_2:
0x131: {  	(tag) =	ssettag $0x2  }
0x132: {  	s0 =	rddreg [dreg:$0x0];
	s2 =	stileid.u32  }
0x133: {  	s1 =	rddreg [dreg:$0x1];
	p0 =	sne.s32 s2, $0x0  }
0x134: {  	s3 =	rddreg [dreg:$0x2];
	[bflag:$0x3] =	sbarrier.arrive $0xFFFF;
	s2 =	simm.s32 @!p0 $0x1C05  }
0x135: {  	[timem:s3], [sflag:s2] =	dma.local @!p0 [hbm:s0], s1  }
0x136: {  	s0 =	simm.s32 @!p0 $0x5  }
0x137: {  	_ =	swait.ge @!p0 [sflag:s0], s1  }
0x138: {  	s1 =	ssub.s32 @!p0 $0x0, s1;
	[sflag:s0] =	ssyncset.done @!p0 $0x0  }
0x139: {  	[sflag:s0] =	ssyncadd.s32 @!p0 s1  }
0x13a: {  	[bflag:$0x3] =	sbarrier.arrive $0xFFFF  }
0x13b: {  	_ =	shalt  }

// kernel: kernel.7.cloned.1.call-start
scs
__scs_entry_jumppad:
0x0: {  	(pc) =	sbr.rel $0x88, $3  }
0x1: {  	(tag) =	ssettag $0x0;
	lr =	simm.s32 $0x1  }
0x2: {  	[smem:$0x3F95] =	sst lr;
	_ =	strace $0xD0000000  }
0x3: {  	_ = 	snop  }
0x4: {  	_ = 	snop  }
0x5: {  	_ = 	snop  }
0x6: {  	_ = 	snop  }
0x7: {  	_ = 	snop  }
__scs_overlays_trampoline_lowered:
0x8: {  	[smem:$0x3FA4] =	sst s0  }
0x9: {  	[smem:$0x3FA5] =	sst s1  }
0xa: {  	[smem:$0x3FA6] =	sst s2  }
0xb: {  	[smem:$0x3FA7] =	sst s3  }
0xc: {  	[smem:$0x3FA8] =	sst s4  }
0xd: {  	[smem:$0x3FA9] =	sst s5  }
0xe: {  	[smem:$0x3FAA] =	sst s6  }
0xf: {  	[smem:$0x3FAB] =	sst s7  }
0x10: {  	[smem:$0x3FAC] =	sst s8  }
0x11: {  	[smem:$0x3FAD] =	sst s9;
	s0 =	simm.s32 @!p0 $0x0  }
0x12: {  	s1 =	sld [smem:$0x3F93];
	s0 =	simm.s32 @p0 $0x1  }
0x13: {  	[smem:$0x3FAE] =	sst s0;
	s0 =	simm.s32 @!p1 $0x0  }
0x14: {  	s2 =	sld [smem:$0x3F92];
	s0 =	simm.s32 @p1 $0x1  }
0x15: {  	[smem:$0x3FAF] =	sst s0;
	s0 =	simm.s32 @!p2 $0x0  }
0x16: {  	s3 =	sld [smem:$0x3FDB];
	s0 =	simm.s32 @p2 $0x1  }
0x17: {  	s4 =	simm.s32 $0x1BF5;
	[smem:$0x3FB1] =	sst s0  }
0x18: {  	s0 =	sld [smem:$0x3F94];
	_ =	swait.ge [sflag:s4], $0x0  }
0x19: {  	s7 =	sld [smem:$0x3F95]  }
0x1a: {  	s8 =	sadd.s32 $0xFFFFE003, lr  }
0x1b: {  	s9 =	sadd.s32 $0xFFFFFEF7, lr;
	s5 =	simm.s32 $0xFFFFFFFF;
	p2 =	slt.u32 s8, $0xFFFFF086  }
0x1c: {  	p1 =	slt.u32 s9, $0xF7A;
	s5 =	simm.s32 @!p2 $0x0  }
0x1d: {  	s5 =	simm.s32 @p1 $0x1;
	p0 =	seq.s32 s7, s2  }
0x1e: {  	s7 =	smul.u32 @!p0 $0xF7A, s2;
	p2 =	seq.s32 @!p0 s5, $0x0  }
0x1f: {  	s9 =	smul.u32 $0xF7A, s1;
	s8 =	simm.s32 @!p0 $0x1BF5;
	p2 =	por !p2, p0  }
0x20: {  	[sflag:s8] =	ssyncset.s32 @!p0 $0xFFFFF086;
	s6 =	sadd.s32 @!p0 s3, s7;
	s7 =	simm.s32 @!p0 $0x108  }
0x21: {  	s3 =	sadd.s32 s3, s9;
	s6 =	sadd.s32 @!p0 $0x88, s6;
	s7 =	simm.s32 @p2 $0x1082  }
0x22: {  	[simem:s7], [sflag:s8] =	dma.local @!p0 [hbm:s6], $0xF7A  }
0x23: {  	s9 =	sor.u32 $0xD0000000, s2;
	s6 =	simm.s32 $0x108;
	_ =	swait.ge @!p0 [sflag:s8], $0x0  }
0x24: {  	s3 =	sadd.s32 $0x88, s3;
	s6 =	simm.s32 @!p1 $0x1082;
	[sflag:s4] =	ssyncset.s32 $0xFFFFF086  }
0x25: {  	[simem:s6], [sflag:s4] =	dma.local [hbm:s3], $0xF7A  }
0x26: {  	[smem:$0x3F95] =	sst s1;
	(tag) =	ssettag s2;
	_ =	strace s9  }
0x27: {  	s1 =	sld [smem:$0x3FA5]  }
0x28: {  	s2 =	sld [smem:$0x3FA6]  }
0x29: {  	s4 =	sld [smem:$0x3FA8]  }
0x2a: {  	p0 =	seq.s32 s5, $0x0;
	s5 =	sld [smem:$0x3FA9]  }
0x2b: {  	s6 =	sld [smem:$0x3FAA]  }
0x2c: {  	s7 =	sld [smem:$0x3FAB]  }
0x2d: {  	s3 =	simm.s32 $0x108;
	s8 =	sld [smem:$0x3FAC]  }
0x2e: {  	s3 =	simm.s32 @!p0 $0x1082;
	s9 =	sld [smem:$0x3FAD]  }
0x2f: {  	lr =	sadd.s32 s0, s3;
	s0 =	sld [smem:$0x3FA4]  }
0x30: {  	s3 =	sld [smem:$0x3FA7]  }
0x31: {  	[smem:$0x3FB0] =	sst s10  }
0x32: {  	s10 =	sld [smem:$0x3FAE];
	_ =	sdelay $0x3  }
0x33: {  	p0 =	seq.s32 s10, $0x1;
	s10 =	sld [smem:$0x3FB0];
	_ =	sdelay $0x3  }
0x34: {  	[smem:$0x3FB0] =	sst s10  }
0x35: {  	s10 =	sld [smem:$0x3FAF];
	_ =	sdelay $0x3  }
0x36: {  	p1 =	seq.s32 s10, $0x1;
	s10 =	sld [smem:$0x3FB0];
	_ =	sdelay $0x3  }
0x37: {  	[smem:$0x3FB0] =	sst s10  }
0x38: {  	s10 =	sld [smem:$0x3FB1]  }
0x39: {  	_ = 	snop;
	(pc) =	sbr.ind lr, $3  }
0x3a: {  	_ = 	snop  }
0x3b: {  	_ = 	snop  }
0x3c: {  	p2 =	seq.s32 s10, $0x1;
	s10 =	sld [smem:$0x3FB0]  }
0x3d: {  	_ =	shalt  }
0x3e: {  	_ =	shalt  }
0x3f: {  	_ =	shalt  }
0x40: {  	_ =	shalt  }
0x41: {  	_ =	shalt  }
0x42: {  	_ =	shalt  }
0x43: {  	_ =	shalt  }
0x44: {  	_ =	shalt  }
0x45: {  	_ =	shalt  }
0x46: {  	_ =	shalt  }
0x47: {  	_ =	shalt  }
0x48: {  	_ =	shalt  }
0x49: {  	_ =	shalt  }
0x4a: {  	_ =	shalt  }
0x4b: {  	_ =	shalt  }
0x4c: {  	_ =	shalt  }
0x4d: {  	_ =	shalt  }
0x4e: {  	_ =	shalt  }
0x4f: {  	_ =	shalt  }
0x50: {  	_ =	shalt  }
0x51: {  	_ =	shalt  }
0x52: {  	_ =	shalt  }
0x53: {  	_ =	shalt  }
0x54: {  	_ =	shalt  }
0x55: {  	_ =	shalt  }
0x56: {  	_ =	shalt  }
0x57: {  	_ =	shalt  }
0x58: {  	_ =	shalt  }
0x59: {  	_ =	shalt  }
0x5a: {  	_ =	shalt  }
0x5b: {  	_ =	shalt  }
0x5c: {  	_ =	shalt  }
0x5d: {  	_ =	shalt  }
0x5e: {  	_ =	shalt  }
0x5f: {  	_ =	shalt  }
0x60: {  	_ =	shalt  }
0x61: {  	_ =	shalt  }
0x62: {  	_ =	shalt  }
0x63: {  	_ =	shalt  }
0x64: {  	_ =	shalt  }
0x65: {  	_ =	shalt  }
0x66: {  	_ =	shalt  }
0x67: {  	_ =	shalt  }
0x68: {  	_ =	shalt  }
0x69: {  	_ =	shalt  }
0x6a: {  	_ =	shalt  }
0x6b: {  	_ =	shalt  }
0x6c: {  	_ =	shalt  }
0x6d: {  	_ =	shalt  }
0x6e: {  	_ =	shalt  }
0x6f: {  	_ =	shalt  }
0x70: {  	_ =	shalt  }
0x71: {  	_ =	shalt  }
0x72: {  	_ =	shalt  }
0x73: {  	_ =	shalt  }
0x74: {  	_ =	shalt  }
0x75: {  	_ =	shalt  }
0x76: {  	_ =	shalt  }
0x77: {  	_ =	shalt  }
0x78: {  	_ =	shalt  }
0x79: {  	_ =	shalt  }
0x7a: {  	_ =	shalt  }
0x7b: {  	_ =	shalt  }
0x7c: {  	_ =	shalt  }
0x7d: {  	_ =	shalt  }
0x7e: {  	_ =	shalt  }
0x7f: {  	_ =	shalt  }
0x80: {  	_ =	shalt  }
0x81: {  	_ =	shalt  }
0x82: {  	_ =	shalt  }
0x83: {  	_ =	shalt  }
0x84: {  	_ =	shalt  }
0x85: {  	_ =	shalt  }
0x86: {  	_ =	shalt  }
0x87: {  	_ =	shalt  }
.Lfunc_end0:
.L_simem_size_0:
called_computation_lowered:
.L_overlay_start_0:
0x88: {  	s2 =	sld [smem:$0x3FD9]  }
0x89: {  	s3 =	sld [smem:$0x3FFE];
	_ =	sdelay $0x1  }
0x8a: {  	s1 =	srdreg.scid  }
0x8b: {  	s0 =	sand.u32 $0x1, s1  }
0x8c: {  	s17 =	sshll.u32 s0, $0xA;
	s2 =	sadd.s32 s3, s2  }
0x8d: {  	s2 =	sadd.s32 s2, s17  }
0x8e: {  	[smem:$0x3FBC] =	sst s2  }
0x8f: {  	_ = 	snop  }
0x90: {  	s2 =	sld [smem:$0x3FD0];
	(tm) =	ssettm $0x1  }
0x91: {  	s18 =	sld [smem:$0x3FFB];
	_ =	sdelay $0x3  }
0x92: {  	_ =	strace s18  }
0x93: {  	s3 =	sld [smem:$0x3FFC];
	_ =	sdelay $0x3  }
0x94: {  	_ =	strace s3  }
0x95: {  	s3 =	sld [smem:$0x3FFD];
	_ =	sdelay $0x3  }
0x96: {  	_ =	strace s3  }
0x97: {  	_ =	strace $0x8FFFFFFF  }
0x98: {  	s19 =	sld [smem:$0x3FDB];
	_ =	sdelay $0x1  }
0x99: {  	s4 =	simm.s32 $_scs_section_size  }
0x9a: {  	s5 =	simm.s32 $_size__tile_overlayer_lowered;
	s6 =	simm.s32 $_tile_overlayer_lowered  }
0x9b: {  	s22 =	simm.s32 $0x1BFF;
	s21 =	sshll.u32 s6, $0x1;
	s3 =	sadd.s32 s4, s19  }
0x9c: {  	s7 =	simm.s32 $0x0;
	s20 =	sshll.u32 s5, $0x1;
	s5 =	sadd.s32 s21, s3  }
0x9d: {  	[timem:s7], [sflag:s22] =	dma.local [hbm:s5], s20  }
0x9e: {  	_ =	swait.ge [sflag:s22], s20  }
0x9f: {  	s4 =	ssub.s32 $0x0, s20;
	[sflag:s22] =	ssyncset.done $0x0  }
0xa0: {  	[sflag:s22] =	ssyncadd.s32 s4;
	_ =	sdelay $0x1  }
0xa1: {  	s23 =	simm.s32 $0x1B8B  }
0xa2: {  	_ =	swait.ge [sflag:s23], $0x1  }
0xa3: {  	[sflag:s23] =	ssyncset.done $0x0  }
0xa4: {  	s25 =	simm.s32 $0x1B8E;
	s24 =	sld [smem:$0x3FFE];
	[sflag:s23] =	ssyncadd.s32 $0xFFFFFFFF  }
0xa5: {  	s26 =	simm.s32 $execute0_lowered;
	[smem:$0x3FD2] =	sst s25  }
0xa6: {  	s5 =	sshll.u32 s26, $0x1;
	_ =	strace $0x80000046;
	[dreg:$0x1] =	wrdreg $0xFFFFFFFF  }
0xa7: {  	s28 =	simm.s32 $_size_execute0_lowered;
	s3 =	sadd.s32 s3, s5;
	[dreg:$0x0] =	wrdreg $0x0  }
0xa8: {  	s5 =	sshll.u32 s28, $0x1;
	[dreg:$0x2] =	wrdreg s3  }
0xa9: {  	[dreg:$0x3] =	wrdreg s5  }
0xaa: {  	[dreg:$0x4] =	wrdreg $0xC0  }
0xab: {  	_ =	task [dreg:s7], $0x5FFFF  }
0xac: {  	[dreg:$0x1] =	wrdreg $0xFFFFFFFF  }
0xad: {  	[dreg:$0x0] =	wrdreg $0x60  }
0xae: {  	[dreg:$0x2] =	wrdreg s24  }
0xaf: {  	[dreg:$0x3] =	wrdreg s2  }
0xb0: {  	[dreg:$0x4] =	wrdreg $0x9A000  }
0xb1: {  	[dreg:$0x5] =	wrdreg $0x9  }
0xb2: {  	_ =	task.clear_ibuf [dreg:s7], $0x6FFFF;
	_ =	strace $0x90000046  }
0xb3: {  	s29 =	simm.s32 $0x9;
	_ =	strace $0x80000048  }
0xb4: {  	_ =	swait.ge [sflag:s29], $0x1  }
0xb5: {  	[sflag:s29] =	ssyncadd.s32 $0xFFFFFFFF  }
0xb6: {  	_ =	strace $0x90000048  }
0xb7: {  	_ =	sfence  }
0xb8: {  	s30 =	sld [smem:$0x0];
	_ =	sdelay $0x2  }
0xb9: {  	s31 =	sshll.u32 s1, $0xD;
	s1 =	sshrl.u32 s1, $0x2  }
0xba: {  	s3 =	sand.u32 $0x4000, s31;
	s1 =	sadd.s32 s1, s30  }
0xbb: {  	s0 =	sor.u32 s3, s0;
	s1 =	sshll.u32 s1, $0x11  }
0xbc: {  	s0 =	sor.u32 s1, s0  }
0xbd: {  	s0 =	sadd.s32 $0x8F2B, s0  }
0xbe: {  	[sflag:s0] =	ssyncadd.remote.s32 $0x1  }
0xbf: {  	_ =	sfence.sel $0xFFFF  }
0xc0: {  	[dreg:$0x0] =	wrdreg $0xFFFFFFFF;
	(pc) =	sbr.abs _section_cstart, $3  }
0xc1: {  	[dreg:$0x1] =	wrdreg $0xFFFFFFFF  }
0xc2: {  	_ =	task.clear_ibuf [dreg:s7], $0x2FFFF;
	_ =	strace $0x9FFFFFFF  }
0xc3: {  	(tm) =	ssettm $0x7FFFFFFF  }
tec
execute0_lowered:
.L_overlay_start_1:
0x0: {  	(tag) =	ssettag $0x1  }
0x1: {  	s0 =	rddreg [dreg:$0x0]  }
0x2: {  	s2 =	rddreg [dreg:$0x2];
	s1 =	simm.s32 $0x0;
	s3 =	srdreg.scid  }
0x3: {  	s21 =	stileid.u32;
	[smem:$0x7FF] =	sst s1  }
0x4: {  	s5 =	sadd.s32 $0x56800, s0;
	s6 =	sadd.s32 $0x51800, s0;
	s3 =	sand.u32 $0x1, s3  }
0x5: {  	s4 =	smul.u32 $0x2C70, s21;
	s8 =	sshll.u32 s21, $0x1;
	s7 =	sadd.s32 $0x2A000, s0  }
0x6: {  	s9 =	sadd.s32 $0x6A400, s0;
	s23 =	smul.u32 $0x58E00, s21;
	s26 =	sshll.u32 s21, $0x6  }
0x7: {  	_ =	strace $0x80000047;
	s10 =	smul.u32 $0x2C700, s3;
	[dreg:$0x4] =	wrdreg s9  }
0x8: {  	s8 =	sor.u32 s3, s8;
	s3 =	ssub.s32 $0x2, s3;
	[dreg:$0x5] =	wrdreg s26  }
0x9: {  	s29 =	sor.u32 $0x1C01, s26;
	s9 =	smul.u32 $0x2780, s8;
	s22 =	sshrl.u32 s3, $0x1  }
0xa: {  	s25 =	sshrl.u32 s23, $0x2;
	[dreg:$0x7] =	wrdreg s29;
	s3 =	ssub.s32 s3, s22  }
0xb: {  	s4 =	sadd.s32 s4, s10;
	s28 =	sadd.s32 s25, s2;
	s31 =	smax.u32 s3, $0x1  }
0xc: {  	s24 =	sshrl.u32 s9, $0x3;
	s3 =	sshrl.u32 s28, $0x3;
	[dreg:$0xa] =	wrdreg s31  }
0xd: {  	s0 =	sadd.s32 s4, s0;
	s11 =	sadd.s32 s5, s24;
	[dreg:$0xb] =	wrdreg s3  }
0xe: {  	s17 =	simm.s32 $0x40;
	s0 =	sadd.s32 $0x6D200, s0;
	[dreg:$0x6] =	wrdreg s11  }
0xf: {  	s1 =	smov.u32 s2;
	s30 =	sadd.s32 $0x8, s11;
	[dreg:$0x9] =	wrdreg s0  }
0x10: {  	s4 =	simm.s32 $0x0;
	s24 =	simm.s32 $0x2;
	[dreg:$0x8] =	wrdreg s30  }
.LBB2_1:
0x11: {  	[dreg:$0xc] =	wrdreg s4  }
0x12: {  	s0 =	rddreg [dreg:$0x4]  }
0x13: {  	s2 =	rddreg [dreg:$0x7];
	s20 =	simm.s32 $0x0  }
0x14: {  	[spmem:s3], [sflag:s2] =	dma.local [hbm:s0], $0x2C70  }
0x15: {  	s21 =	simm.s32 $0x4F000;
	s22 =	simm.s32 $0x1;
	s0 =	rddreg [dreg:$0x6]  }
0x16: {  	[tilespmem:s20], [sflag:$0x1] =	stream.strided.gather [hbm4b:s0+s17], $0x80, s21, s17, $0x38;
	[tilespmem:$0x1FD80] =	vst v63  }
0x17: {  	_ =	swait.ge [sflag:s22], $0x2C70  }
0x18: {  	[sflag:s22] =	ssyncset.done $0x0  }
0x19: {  	[sflag:s22] =	ssyncadd.s32 $0xFFFFD390  }
0x1a: {  	_ =	swait.ge [sflag:s22], $0x80  }
0x1b: {  	[sflag:s22] =	ssyncset.done $0x0  }
0x1c: {  	[sflag:s22] =	ssyncadd.s32 $0xFFFFFF80  }
0x1d: {  	[bflag:$0x0] =	sbarrier.arrive $0xFFFF  }
0x1e: {  	s25 =	simm.s32 $0x200;
	s23 =	rddreg [dreg:$0x1]  }
0x1f: {  	[tilespmem:s25], [sflag:$0x2] =	stream.indirect.gather [hbm4b:s23+s17], $0x10, s20, s17, $0xb8;
	[tilespmem:$0x1FD80] =	vst v63  }
0x20: {  	s26 =	simm.s32 $0xA00  }
0x21: {  	[tilespmem:s26], [sflag:$0x2] =	stream.indirect.gather [hbm4b:s6+s17], $0x10, s17, s17, $0xb8;
	[tilespmem:$0x1FD80] =	vst v63  }
0x22: {  	s28 =	simm.s32 $0x1200  }
0x23: {  	[tilespmem:s28], [sflag:$0x2] =	stream.indirect.gather [hbm4b:s7+s17], $0x80, s20, s17, $0xb8;
	[tilespmem:$0x1FD80] =	vst v63  }
0x24: {  	s31 =	simm.s32 $0x80;
	s30 =	simm.s32 $0x0;
	s29 =	rddreg [dreg:$0x8]  }
0x25: {  	[tilespmem:s31], [sflag:$0x1] =	stream.strided.gather [hbm4b:s29+s17], $0x80, s21, s17, $0x38;
	[tilespmem:$0x1FD80] =	vst v63  }
.LBB2_2:
0x26: {  	s31 =	sand.u32 $0x1, s30;
	p0 =	slt.u32 s30, $0x2  }
0x27: {  	s0 =	sadd.s32 @!p0 $0x3, s31  }
0x28: {  	_ =	swait.ge @!p0 [sflag:s0], $0x2400  }
0x29: {  	[sflag:s0] =	ssyncset.done @!p0 $0x0  }
0x2a: {  	[sflag:s0] =	ssyncadd.s32 @!p0 $0xFFFFDC00  }
0x2b: {  	_ =	swait.ge [sflag:s24], $0x400  }
0x2c: {  	[sflag:s24] =	ssyncset.done $0x0  }
0x2d: {  	[sflag:s24] =	ssyncadd.s32 $0xFFFFFC00  }
0x2e: {  	_ =	swait.ge [sflag:s24], $0x400  }
0x2f: {  	[sflag:s24] =	ssyncset.done $0x0  }
0x30: {  	[sflag:s24] =	ssyncadd.s32 $0xFFFFFC00  }
0x31: {  	_ =	swait.ge [sflag:s24], $0x2000  }
0x32: {  	p0 =	seq.s32 s30, $0x9D;
	[sflag:s24] =	ssyncset.done $0x0  }
0x33: {  	s3 =	simm.s32 @!p0 $0x1;
	[sflag:s24] =	ssyncadd.s32 $0xFFFFE000  }
0x34: {  	s0 =	sadd.s32 $0x1, s30;
	_ =	swait.ge @!p0 [sflag:s3], $0x80  }
0x35: {  	s4 =	sxor.u32 @!p0 $0x1, s31;
	s8 =	sshll.u32 @!p0 s0, $0x7;
	[sflag:s3] =	ssyncset.done @!p0 $0x0  }
0x36: {  	s11 =	simm.s32 @!p0 $0x40;
	[sflag:s3] =	ssyncadd.s32 @!p0 $0xFFFFFF80;
	s3 =	sshll.u32 @!p0 s4, $0xA  }
0x37: {  	s8 =	sand.u32 @!p0 $0x180, s8;
	s10 =	sor.u32 @!p0 $0x200, s3;
	s2 =	rddreg [dreg:$0x1]  }
0x38: {  	[tilespmem:s10], [sflag:$0x2] =	stream.indirect.gather @!p0 [hbm4b:s2+s11], $0x10, s8, s11, $0xb8;
	[tilespmem:$0x1FD80] =	vst v63  }
0x39: {  	s3 =	sor.u32 @!p0 $0xA00, s3;
	s10 =	sor.u32 @!p0 $0x40, s8  }
0x3a: {  	[tilespmem:s3], [sflag:$0x2] =	stream.indirect.gather @!p0 [hbm4b:s6+s11], $0x10, s10, s11, $0xb8;
	[tilespmem:$0x1FD80] =	vst v63  }
0x3b: {  	s3 =	sshll.u32 @!p0 s4, $0xD  }
0x3c: {  	p1 =	sgt.u32 @!p0 s30, $0x9B;
	s3 =	sor.u32 @!p0 $0x1200, s3  }
0x3d: {  	[tilespmem:s3], [sflag:$0x2] =	stream.indirect.gather @!p0 [hbm4b:s7+s11], $0x80, s8, s11, $0xb8;
	[tilespmem:$0x1FD80] =	vst v63  }
0x3e: {  	p0 =	por p1, p0  }
0x3f: {  	s23 =	smul.u32 $0x9000, s31;
	s3 =	sadd.s32 @!p0 $0x2, s30  }
0x40: {  	s26 =	sshll.u32 s31, $0xD;
	s4 =	sshll.u32 @!p0 s3, $0x6  }
0x41: {  	s28 =	sshll.u32 s31, $0xA;
	s25 =	sshrl.u32 s23, $0x2;
	s4 =	sadd.s32 @!p0 s9, s4  }
0x42: {  	s8 =	simm.s32 @!p0 $0x40;
	s3 =	sshll.u32 @!p0 s3, $0x7;
	s4 =	sshrl.u32 @!p0 s4, $0x3  }
0x43: {  	v0 =	vmov s28;
	s10 =	simm.s32 @!p0 $0x4F000;
	s3 =	sand.u32 @!p0 $0x180, s3;
	s4 =	sadd.s32 @!p0 s5, s4  }
0x44: {  	[tilespmem:s3], [sflag:$0x1] =	stream.strided.gather @!p0 [hbm4b:s4+s8], $0x80, s10, s8, $0x38;
	[tilespmem:$0x1FD80] =	vst v63  }
0x45: {  	s29 =	sor.u32 $0x1200, s26;
	s4 =	sadd.s32 $0x5200, s25  }
0x46: {  	s20 =	simm.s32 $0x0;
	v2 =	vmov s29;
	v1 =	vmov s4  }
.LBB2_3:
0x47: {  	s8 =	sshll.u32 s20, $0x4  }
0x48: {  	s3 =	sor.u32 $0x1, s20;
	v3 =	vld.idx.msk [tilespmem:v0+s8+$0x200 ss:$0x1], $0xffff  }
0x49: {  	v4 =	vld.idx.msk [tilespmem:v0+s8+$0xA00 ss:$0x1], $0xffff;
	s10 =	sshll.u32 s3, $0x4  }
0x4a: {  	s2 =	sor.u32 $0x2, s20;
	v5 =	vld.idx.msk [tilespmem:v0+s10+$0x200 ss:$0x1], $0xffff  }
0x4b: {  	s16 =	sshll.u32 s2, $0x4;
	v6 =	vld.idx.msk [tilespmem:v0+s10+$0xA00 ss:$0x1], $0xffff  }
0x4c: {  	s15 =	sor.u32 $0x3, s20;
	v7 =	vld.idx.msk [tilespmem:v0+s16+$0x200 ss:$0x1], $0xffff  }
0x4d: {  	s18 =	sshll.u32 s15, $0x4;
	v8 =	vld.idx.msk [tilespmem:v0+s16+$0xA00 ss:$0x1], $0xffff  }
0x4e: {  	s12 =	sor.u32 $0x4, s20;
	v9 =	vld.idx.msk [tilespmem:v0+s18+$0x200 ss:$0x1], $0xffff  }
0x4f: {  	s19 =	sshll.u32 s12, $0x4;
	v41 =	vld.idx.msk [tilespmem:v0+s18+$0xA00 ss:$0x1], $0xffff  }
0x50: {  	s13 =	sor.u32 $0x5, s20;
	v42 =	vld.idx.msk [tilespmem:v0+s19+$0x200 ss:$0x1], $0xffff  }
0x51: {  	s21 =	sshll.u32 s13, $0x4;
	v11 =	vld.idx.msk [tilespmem:v0+s19+$0xA00 ss:$0x1], $0xffff  }
0x52: {  	v13 =	vld.idx.msk [tilespmem:v0+s21+$0x200 ss:$0x1], $0xffff;
	v3 =	vadd.f32 v4, v3  }
0x53: {  	v43 =	vld.idx.msk [tilespmem:v0+s21+$0xA00 ss:$0x1], $0xffff;
	v5 =	vadd.f32 v6, v5  }
0x54: {  	v10 =	vmul.f32 $2.000000030e-01, v3  }
0x55: {  	vm0 =	vgt.f32 v3, $0.0e+00;
	v12 =	vmul.f32 $2.000000030e-01, v5  }
0x56: {  	v7 =	vadd.f32 v8, v7;
	vm13 =	vgt.f32 v5, $0.0e+00;
	v3 =	vsel vm0, v3, v10  }
0x57: {  	v4 =	vadd.f32 v41, v9;
	v3 =	vmul.f32 $1.442695020e+00, v3;
	v5 =	vsel vm13, v5, v12  }
0x58: {  	v44 =	vadd.f32 v11, v42;
	v46 =	vadd.f32 v43, v13;
	v5 =	vmul.f32 $1.442695020e+00, v5  }
0x59: {  	vm14 =	vgt.f32 v7, $0.0e+00;
	(erf) = vpow2.f32 v3;
	v3 =	vmul.f32 $2.000000030e-01, v7  }
0x5a: {  	v45 =	vmul.f32 $2.000000030e-01, v4;
	vm15 =	vgt.f32 v4, $0.0e+00;
	v47 =	vmul.f32 $2.000000030e-01, v44  }
0x5b: {  	s14 =	sor.u32 $0x6, s20;
	vm4 =	vgt.f32 v44, $0.0e+00;
	(erf) = vpow2.f32 v5;
	v3 =	vsel vm14, v7, v3  }
0x5c: {  	s22 =	sshll.u32 s14, $0x4;
	v48 =	vmul.f32 $2.000000030e-01, v46;
	v4 =	vsel vm15, v4, v45;
	v3 =	vmul.f32 $1.442695020e+00, v3  }
0x5d: {  	v50 =	vld.idx.msk [tilespmem:v0+s22+$0x200 ss:$0x1], $0xffff;
	vm5 =	vgt.f32 v46, $0.0e+00;
	v4 =	vmul.f32 $1.442695020e+00, v4;
	v5 =	vsel vm4, v44, v47  }
0x5e: {  	v52 =	vld.idx.msk [tilespmem:v0+s22+$0xA00 ss:$0x1], $0xffff;
	v49 =	vsel vm5, v46, v48;
	(erf) = vpow2.f32 v3;
	v3 =	vmul.f32 $1.442695020e+00, v5  }
0x5f: {  	s11 =	sor.u32 $0x7, s20;
	v51 =	vmul.f32 $1.442695020e+00, v49;
	(erf) = vpow2.f32 v4  }
0x60: {  	s23 =	smul.u32 $0x240, s20;
	s18 =	sshll.u32 s11, $0x4;
	(erf) = vpow2.f32 v3  }
0x61: {  	s26 =	smul.u32 $0x240, s2;
	v55 =	vld.idx.msk [tilespmem:v0+s18+$0x200 ss:$0x1], $0xffff;
	(erf) = vpow2.f32 v51  }
0x62: {  	s16 =	smul.u32 $0x240, s3;
	v57 =	vld.idx.msk [tilespmem:v0+s18+$0xA00 ss:$0x1], $0xffff  }
0x63: {  	s25 =	sshll.u32 s20, $0x7;
	s28 =	smul.u32 $0x240, s12;
	s21 =	sshra.s32 s23, $0x2;
	v54 =	vadd.f32 v52, v50;
	v3 =	vpop (erf)  }
0x64: {  	s10 =	sand.u32 $0x3FFFFF80, s25;
	s3 =	sshll.u32 s3, $0x7;
	s22 =	sshra.s32 s16, $0x2;
	[tilespmem:v1+s21+$0x80 ss:$0x1] =	vst.idx.msk $0xffff, v3;
	v4 =	vpop (erf)  }
0x65: {  	s3 =	sand.u32 $0x3FFFFF80, s3;
	v56 =	vmul.f32 $2.000000030e-01, v54;
	v53 =	vld.idx.msk [tilespmem:v2+s10+$0x0 ss:$0x1], $0xffff;
	[tilespmem:v1+s22+$0x80 ss:$0x1] =	vst.idx.msk $0xffff, v4  }
0x66: {  	s19 =	smul.u32 $0x240, s15;
	vm6 =	vgt.f32 v54, $0.0e+00;
	v58 =	vld.idx.msk [tilespmem:v2+s3+$0x0 ss:$0x1], $0xffff  }
0x67: {  	s8 =	sshll.u32 s2, $0x7;
	s29 =	smul.u32 $0x240, s13;
	s23 =	sshra.s32 s26, $0x2;
	v10 =	vadd.f32 v57, v55;
	v9 =	vsel vm6, v54, v56;
	v5 =	vpop (erf)  }
0x68: {  	s25 =	sand.u32 $0x3FFFFF80, s8;
	s15 =	sshll.u32 s15, $0x7;
	s8 =	sshra.s32 s19, $0x2;
	v59 =	vbroadcast v3, $0x0;
	[tilespmem:v1+s23+$0x80 ss:$0x1] =	vst.idx.msk $0xffff, v5;
	v6 =	vpop (erf)  }
0x69: {  	s12 =	sshll.u32 s12, $0x7;
	s26 =	sand.u32 $0x3FFFFF80, s15;
	s18 =	sshra.s32 s28, $0x2;
	v22 =	vmul.f32 $2.000000030e-01, v10;
	v60 =	vbroadcast v4, $0x0;
	v14 =	vld.idx.msk [tilespmem:v2+s25+$0x0 ss:$0x1], $0xffff;
	[tilespmem:v1+s8+$0x80 ss:$0x1] =	vst.idx.msk $0xffff, v6;
	v8 =	vpop (erf)  }
0x6a: {  	s13 =	sshll.u32 s13, $0x7;
	s28 =	sand.u32 $0x3FFFFF80, s12;
	s12 =	sshra.s32 s29, $0x2;
	v15 =	vmul.f32 $1.442695020e+00, v9;
	vm7 =	vgt.f32 v10, $0.0e+00;
	v7 =	vmul.f32 v59, v53;
	v16 =	vld.idx.msk [tilespmem:v2+s26+$0x0 ss:$0x1], $0xffff;
	[tilespmem:v1+s18+$0x80 ss:$0x1] =	vst.idx.msk $0xffff, v8;
	v9 =	vpop (erf)  }
0x6b: {  	s2 =	sand.u32 $0x3FFFFF80, s13;
	v10 =	vsel vm7, v10, v22;
	v61 =	vmul.f32 v60, v58;
	v17 =	vld.idx.msk [tilespmem:v2+s28+$0x0 ss:$0x1], $0xffff;
	[tilespmem:v1+s12+$0x80 ss:$0x1] =	vst.idx.msk $0xffff, v9  }
0x6c: {  	v10 =	vmul.f32 $1.442695020e+00, v10;
	(erf) = vpow2.f32 v15;
	[tilespmem:v1+s21+$0x0 ss:$0x1] =	vst.idx.msk $0xffff, v7;
	v63 =	vld.idx.msk [tilespmem:v2+s2+$0x0 ss:$0x1], $0xffff  }
0x6d: {  	v29 =	vbroadcast v3, $0x1;
	v62 =	vbroadcast v5, $0x0;
	v18 =	vld.idx.msk [tilespmem:v2+s10+$0x10 ss:$0x1], $0xffff;
	[tilespmem:v1+s22+$0x0 ss:$0x1] =	vst.idx.msk $0xffff, v61  }
0x6e: {  	(erf) = vpow2.f32 v10;
	v21 =	vbroadcast v6, $0x0;
	v25 =	vld.idx.msk [tilespmem:v2+s3+$0x10 ss:$0x1], $0xffff  }
0x6f: {  	v23 =	vbroadcast v8, $0x0;
	v12 =	vmul.f32 v62, v14  }
0x70: {  	v24 =	vbroadcast v9, $0x0;
	v7 =	vmul.f32 v21, v16  }
0x71: {  	v31 =	vbroadcast v4, $0x1;
	[tilespmem:v1+s23+$0x0 ss:$0x1] =	vst.idx.msk $0xffff, v12;
	v26 =	vmul.f32 v23, v17  }
0x72: {  	v27 =	vld.idx.msk [tilespmem:v2+s25+$0x10 ss:$0x1], $0xffff;
	[tilespmem:v1+s8+$0x0 ss:$0x1] =	vst.idx.msk $0xffff, v7;
	v28 =	vmul.f32 v24, v63  }
0x73: {  	s15 =	smul.u32 $0x240, s14;
	v11 =	vmul.f32 v29, v18;
	v30 =	vld.idx.msk [tilespmem:v2+s26+$0x10 ss:$0x1], $0xffff;
	[tilespmem:v1+s18+$0x0 ss:$0x1] =	vst.idx.msk $0xffff, v26;
	v10 =	vmul.f32 v31, v25  }
0x74: {  	v12 =	vld.idx.msk [tilespmem:v2+s28+$0x10 ss:$0x1], $0xffff;
	[tilespmem:v1+s12+$0x0 ss:$0x1] =	vst.idx.msk $0xffff, v28  }
0x75: {  	s14 =	sshll.u32 s14, $0x7;
	s19 =	smul.u32 $0x240, s11;
	s13 =	sshra.s32 s15, $0x2;
	v32 =	vbroadcast v5, $0x1;
	v7 =	vpop (erf);
	[tilespmem:v1+s21+$0x10 ss:$0x1] =	vst.idx.msk $0xffff, v11;
	v33 =	vld.idx.msk [tilespmem:v2+s2+$0x10 ss:$0x1], $0xffff  }
0x76: {  	s15 =	sand.u32 $0x3FFFFF80, s14;
	v34 =	vbroadcast v6, $0x1;
	[tilespmem:v1+s13+$0x80 ss:$0x1] =	vst.idx.msk $0xffff, v7;
	v38 =	vld.idx.msk [tilespmem:v2+s10+$0x20 ss:$0x1], $0xffff  }
0x77: {  	s11 =	sshll.u32 s11, $0x7;
	s14 =	sshra.s32 s19, $0x2;
	v36 =	vbroadcast v8, $0x1;
	[tilespmem:v1+s22+$0x10 ss:$0x1] =	vst.idx.msk $0xffff, v10;
	v37 =	vld.idx.msk [tilespmem:v2+s15+$0x0 ss:$0x1], $0xffff;
	v35 =	vmul.f32 v32, v27;
	v10 =	vpop (erf)  }
0x78: {  	s11 =	sand.u32 $0x3FFFFF80, s11;
	v40 =	vbroadcast v9, $0x1;
	v41 =	vld.idx.msk [tilespmem:v2+s3+$0x20 ss:$0x1], $0xffff;
	v39 =	vmul.f32 v34, v30;
	[tilespmem:v1+s14+$0x80 ss:$0x1] =	vst.idx.msk $0xffff, v10  }
0x79: {  	v46 =	vbroadcast v3, $0x2;
	[tilespmem:v1+s23+$0x10 ss:$0x1] =	vst.idx.msk $0xffff, v35;
	v42 =	vmul.f32 v36, v12;
	v52 =	vld.idx.msk [tilespmem:v2+s11+$0x0 ss:$0x1], $0xffff  }
0x7a: {  	v45 =	vbroadcast v7, $0x0;
	v43 =	vld.idx.msk [tilespmem:v2+s25+$0x20 ss:$0x1], $0xffff;
	[tilespmem:v1+s8+$0x10 ss:$0x1] =	vst.idx.msk $0xffff, v39;
	v44 =	vmul.f32 v40, v33  }
0x7b: {  	v48 =	vbroadcast v4, $0x2;
	v14 =	vmul.f32 v38, v46;
	v47 =	vld.idx.msk [tilespmem:v2+s26+$0x20 ss:$0x1], $0xffff;
	[tilespmem:v1+s18+$0x10 ss:$0x1] =	vst.idx.msk $0xffff, v42  }
0x7c: {  	v59 =	vbroadcast v10, $0x0;
	v13 =	vmul.f32 v45, v37;
	v19 =	vld.idx.msk [tilespmem:v2+s28+$0x20 ss:$0x1], $0xffff;
	[tilespmem:v1+s12+$0x10 ss:$0x1] =	vst.idx.msk $0xffff, v44  }
0x7d: {  	v49 =	vbroadcast v5, $0x2;
	v11 =	vmul.f32 v41, v48;
	[tilespmem:v1+s21+$0x20 ss:$0x1] =	vst.idx.msk $0xffff, v14;
	v50 =	vld.idx.msk [tilespmem:v2+s2+$0x20 ss:$0x1], $0xffff  }
0x7e: {  	v51 =	vbroadcast v6, $0x2;
	[tilespmem:v1+s13+$0x0 ss:$0x1] =	vst.idx.msk $0xffff, v13;
	v20 =	vld.idx.msk [tilespmem:v2+s10+$0x30 ss:$0x1], $0xffff;
	v24 =	vmul.f32 v59, v52  }
0x7f: {  	v53 =	vbroadcast v8, $0x2;
	[tilespmem:v1+s22+$0x20 ss:$0x1] =	vst.idx.msk $0xffff, v11;
	v54 =	vld.idx.msk [tilespmem:v2+s15+$0x10 ss:$0x1], $0xffff;
	v12 =	vmul.f32 v43, v49  }
0x80: {  	v56 =	vbroadcast v9, $0x2;
	v57 =	vld.idx.msk [tilespmem:v2+s3+$0x30 ss:$0x1], $0xffff;
	v55 =	vmul.f32 v47, v51;
	[tilespmem:v1+s14+$0x0 ss:$0x1] =	vst.idx.msk $0xffff, v24  }
0x81: {  	v63 =	vbroadcast v3, $0x3;
	[tilespmem:v1+s23+$0x20 ss:$0x1] =	vst.idx.msk $0xffff, v12;
	v58 =	vmul.f32 v19, v53;
	v33 =	vld.idx.msk [tilespmem:v2+s11+$0x10 ss:$0x1], $0xffff  }
0x82: {  	v62 =	vbroadcast v7, $0x1;
	v60 =	vld.idx.msk [tilespmem:v2+s25+$0x30 ss:$0x1], $0xffff;
	[tilespmem:v1+s8+$0x20 ss:$0x1] =	vst.idx.msk $0xffff, v55;
	v61 =	vmul.f32 v50, v56  }
0x83: {  	v25 =	vbroadcast v4, $0x3;
	v28 =	vmul.f32 v20, v63;
	v21 =	vld.idx.msk [tilespmem:v2+s26+$0x30 ss:$0x1], $0xffff;
	[tilespmem:v1+s18+$0x20 ss:$0x1] =	vst.idx.msk $0xffff, v58  }
0x84: {  	v41 =	vbroadcast v10, $0x1;
	v27 =	vmul.f32 v62, v54;
	v26 =	vld.idx.msk [tilespmem:v2+s28+$0x30 ss:$0x1], $0xffff;
	[tilespmem:v1+s12+$0x20 ss:$0x1] =	vst.idx.msk $0xffff, v61  }
0x85: {  	v29 =	vbroadcast v5, $0x3;
	v31 =	vmul.f32 v57, v25;
	[tilespmem:v1+s21+$0x30 ss:$0x1] =	vst.idx.msk $0xffff, v28;
	v30 =	vld.idx.msk [tilespmem:v2+s2+$0x30 ss:$0x1], $0xffff  }
0x86: {  	v32 =	vbroadcast v6, $0x3;
	[tilespmem:v1+s13+$0x10 ss:$0x1] =	vst.idx.msk $0xffff, v27;
	v37 =	vld.idx.msk [tilespmem:v2+s10+$0x40 ss:$0x1], $0xffff;
	v11 =	vmul.f32 v41, v33  }
0x87: {  	v35 =	vbroadcast v8, $0x3;
	[tilespmem:v1+s22+$0x30 ss:$0x1] =	vst.idx.msk $0xffff, v31;
	v36 =	vld.idx.msk [tilespmem:v2+s15+$0x20 ss:$0x1], $0xffff;
	v34 =	vmul.f32 v60, v29  }
0x88: {  	v39 =	vbroadcast v9, $0x3;
	v40 =	vld.idx.msk [tilespmem:v2+s3+$0x40 ss:$0x1], $0xffff;
	v38 =	vmul.f32 v21, v32;
	[tilespmem:v1+s14+$0x10 ss:$0x1] =	vst.idx.msk $0xffff, v11  }
0x89: {  	v45 =	vbroadcast v3, $0x4;
	[tilespmem:v1+s23+$0x30 ss:$0x1] =	vst.idx.msk $0xffff, v34;
	v14 =	vmul.f32 v26, v35;
	v55 =	vld.idx.msk [tilespmem:v2+s11+$0x20 ss:$0x1], $0xffff  }
0x8a: {  	v44 =	vbroadcast v7, $0x2;
	v42 =	vld.idx.msk [tilespmem:v2+s25+$0x40 ss:$0x1], $0xffff;
	[tilespmem:v1+s8+$0x30 ss:$0x1] =	vst.idx.msk $0xffff, v38;
	v43 =	vmul.f32 v30, v39  }
0x8b: {  	v47 =	vbroadcast v4, $0x4;
	v50 =	vmul.f32 v37, v45;
	v46 =	vld.idx.msk [tilespmem:v2+s26+$0x40 ss:$0x1], $0xffff;
	[tilespmem:v1+s18+$0x30 ss:$0x1] =	vst.idx.msk $0xffff, v14  }
0x8c: {  	v24 =	vbroadcast v10, $0x2;
	v49 =	vmul.f32 v36, v44;
	v48 =	vld.idx.msk [tilespmem:v2+s28+$0x40 ss:$0x1], $0xffff;
	[tilespmem:v1+s12+$0x30 ss:$0x1] =	vst.idx.msk $0xffff, v43  }
0x8d: {  	v51 =	vbroadcast v5, $0x4;
	v53 =	vmul.f32 v40, v47;
	[tilespmem:v1+s21+$0x40 ss:$0x1] =	vst.idx.msk $0xffff, v50;
	v52 =	vld.idx.msk [tilespmem:v2+s2+$0x40 ss:$0x1], $0xffff  }
0x8e: {  	v54 =	vbroadcast v6, $0x4;
	[tilespmem:v1+s13+$0x20 ss:$0x1] =	vst.idx.msk $0xffff, v49;
	v59 =	vld.idx.msk [tilespmem:v2+s10+$0x50 ss:$0x1], $0xffff;
	v12 =	vmul.f32 v55, v24  }
0x8f: {  	v57 =	vbroadcast v8, $0x4;
	[tilespmem:v1+s22+$0x40 ss:$0x1] =	vst.idx.msk $0xffff, v53;
	v58 =	vld.idx.msk [tilespmem:v2+s15+$0x30 ss:$0x1], $0xffff;
	v56 =	vmul.f32 v42, v51  }
0x90: {  	v61 =	vbroadcast v9, $0x4;
	v62 =	vld.idx.msk [tilespmem:v2+s3+$0x50 ss:$0x1], $0xffff;
	v60 =	vmul.f32 v46, v54;
	[tilespmem:v1+s14+$0x20 ss:$0x1] =	vst.idx.msk $0xffff, v12  }
0x91: {  	v28 =	vbroadcast v3, $0x5;
	[tilespmem:v1+s23+$0x40 ss:$0x1] =	vst.idx.msk $0xffff, v56;
	v63 =	vmul.f32 v48, v57;
	v38 =	vld.idx.msk [tilespmem:v2+s11+$0x30 ss:$0x1], $0xffff  }
0x92: {  	v27 =	vbroadcast v7, $0x3;
	v25 =	vld.idx.msk [tilespmem:v2+s25+$0x50 ss:$0x1], $0xffff;
	[tilespmem:v1+s8+$0x40 ss:$0x1] =	vst.idx.msk $0xffff, v60;
	v26 =	vmul.f32 v52, v61  }
0x93: {  	v30 =	vbroadcast v4, $0x5;
	v33 =	vmul.f32 v59, v28;
	v29 =	vld.idx.msk [tilespmem:v2+s26+$0x50 ss:$0x1], $0xffff;
	[tilespmem:v1+s18+$0x40 ss:$0x1] =	vst.idx.msk $0xffff, v63  }
0x94: {  	v47 =	vbroadcast v10, $0x3;
	v32 =	vmul.f32 v58, v27;
	v31 =	vld.idx.msk [tilespmem:v2+s28+$0x50 ss:$0x1], $0xffff;
	[tilespmem:v1+s12+$0x40 ss:$0x1] =	vst.idx.msk $0xffff, v26  }
0x95: {  	v34 =	vbroadcast v5, $0x5;
	v36 =	vmul.f32 v62, v30;
	[tilespmem:v1+s21+$0x50 ss:$0x1] =	vst.idx.msk $0xffff, v33;
	v35 =	vld.idx.msk [tilespmem:v2+s2+$0x50 ss:$0x1], $0xffff  }
0x96: {  	v37 =	vbroadcast v6, $0x5;
	[tilespmem:v1+s13+$0x30 ss:$0x1] =	vst.idx.msk $0xffff, v32;
	v42 =	vld.idx.msk [tilespmem:v2+s10+$0x60 ss:$0x1], $0xffff;
	v11 =	vmul.f32 v38, v47  }
0x97: {  	v40 =	vbroadcast v8, $0x5;
	[tilespmem:v1+s22+$0x50 ss:$0x1] =	vst.idx.msk $0xffff, v36;
	v41 =	vld.idx.msk [tilespmem:v2+s15+$0x40 ss:$0x1], $0xffff;
	v39 =	vmul.f32 v25, v34  }
0x98: {  	v44 =	vbroadcast v9, $0x5;
	v45 =	vld.idx.msk [tilespmem:v2+s3+$0x60 ss:$0x1], $0xffff;
	v43 =	vmul.f32 v29, v37;
	[tilespmem:v1+s14+$0x30 ss:$0x1] =	vst.idx.msk $0xffff, v11  }
0x99: {  	v51 =	vbroadcast v3, $0x6;
	[tilespmem:v1+s23+$0x50 ss:$0x1] =	vst.idx.msk $0xffff, v39;
	v46 =	vmul.f32 v31, v40;
	v61 =	vld.idx.msk [tilespmem:v2+s11+$0x40 ss:$0x1], $0xffff  }
0x9a: {  	v50 =	vbroadcast v7, $0x4;
	v48 =	vld.idx.msk [tilespmem:v2+s25+$0x60 ss:$0x1], $0xffff;
	[tilespmem:v1+s8+$0x50 ss:$0x1] =	vst.idx.msk $0xffff, v43;
	v49 =	vmul.f32 v35, v44  }
0x9b: {  	v53 =	vbroadcast v4, $0x6;
	v56 =	vmul.f32 v42, v51;
	v52 =	vld.idx.msk [tilespmem:v2+s26+$0x60 ss:$0x1], $0xffff;
	[tilespmem:v1+s18+$0x50 ss:$0x1] =	vst.idx.msk $0xffff, v46  }
0x9c: {  	v30 =	vbroadcast v10, $0x4;
	v55 =	vmul.f32 v41, v50;
	v54 =	vld.idx.msk [tilespmem:v2+s28+$0x60 ss:$0x1], $0xffff;
	[tilespmem:v1+s12+$0x50 ss:$0x1] =	vst.idx.msk $0xffff, v49  }
0x9d: {  	v57 =	vbroadcast v5, $0x6;
	v59 =	vmul.f32 v45, v53;
	[tilespmem:v1+s21+$0x60 ss:$0x1] =	vst.idx.msk $0xffff, v56;
	v58 =	vld.idx.msk [tilespmem:v2+s2+$0x60 ss:$0x1], $0xffff  }
0x9e: {  	v60 =	vbroadcast v6, $0x6;
	[tilespmem:v1+s13+$0x40 ss:$0x1] =	vst.idx.msk $0xffff, v55;
	v25 =	vld.idx.msk [tilespmem:v2+s10+$0x70 ss:$0x1], $0xffff;
	v12 =	vmul.f32 v61, v30  }
0x9f: {  	[tilespmem:v1+s22+$0x60 ss:$0x1] =	vst.idx.msk $0xffff, v59;
	v24 =	vld.idx.msk [tilespmem:v2+s15+$0x50 ss:$0x1], $0xffff;
	v62 =	vmul.f32 v48, v57  }
0xa0: {  	v28 =	vld.idx.msk [tilespmem:v2+s3+$0x70 ss:$0x1], $0xffff;
	v26 =	vmul.f32 v52, v60;
	[tilespmem:v1+s14+$0x40 ss:$0x1] =	vst.idx.msk $0xffff, v12  }
0xa1: {  	v63 =	vbroadcast v8, $0x6;
	[tilespmem:v1+s23+$0x60 ss:$0x1] =	vst.idx.msk $0xffff, v62;
	v37 =	vld.idx.msk [tilespmem:v2+s11+$0x50 ss:$0x1], $0xffff  }
0xa2: {  	s10 =	sor.u32 $0x8, s20;
	v31 =	vld.idx.msk [tilespmem:v2+s25+$0x70 ss:$0x1], $0xffff;
	[tilespmem:v1+s8+$0x60 ss:$0x1] =	vst.idx.msk $0xffff, v26  }
0xa3: {  	v29 =	vmul.f32 v54, v63;
	s25 =	sshll.u32 s10, $0x4;
	v34 =	vld.idx.msk [tilespmem:v2+s26+$0x70 ss:$0x1], $0xffff  }
0xa4: {  	v27 =	vbroadcast v9, $0x6;
	v39 =	vld.idx.msk [tilespmem:v0+s25+$0x200 ss:$0x1], $0xffff  }
0xa5: {  	s3 =	sor.u32 $0x9, s20;
	[tilespmem:v1+s18+$0x60 ss:$0x1] =	vst.idx.msk $0xffff, v29;
	v41 =	vld.idx.msk [tilespmem:v0+s25+$0xA00 ss:$0x1], $0xffff  }
0xa6: {  	v32 =	vmul.f32 v58, v27;
	s26 =	sshll.u32 s3, $0x4;
	v13 =	vld.idx.msk [tilespmem:v2+s28+$0x70 ss:$0x1], $0xffff  }
0xa7: {  	v22 =	vld.idx.msk [tilespmem:v0+s26+$0x200 ss:$0x1], $0xffff  }
0xa8: {  	s16 =	sor.u32 $0xA, s20;
	[tilespmem:v1+s12+$0x60 ss:$0x1] =	vst.idx.msk $0xffff, v32;
	v42 =	vld.idx.msk [tilespmem:v0+s26+$0xA00 ss:$0x1], $0xffff  }
0xa9: {  	v33 =	vbroadcast v7, $0x5;
	s28 =	sshll.u32 s16, $0x4;
	v36 =	vld.idx.msk [tilespmem:v2+s2+$0x70 ss:$0x1], $0xffff  }
0xaa: {  	s25 =	sor.u32 $0xB, s20;
	v43 =	vld.idx.msk [tilespmem:v0+s28+$0x200 ss:$0x1], $0xffff  }
0xab: {  	v4 =	vbroadcast v4, $0x7;
	v35 =	vmul.f32 v24, v33;
	s29 =	sshll.u32 s25, $0x4;
	v44 =	vld.idx.msk [tilespmem:v0+s28+$0xA00 ss:$0x1], $0xffff  }
0xac: {  	v3 =	vbroadcast v3, $0x7;
	v5 =	vbroadcast v5, $0x7;
	v46 =	vld.idx.msk [tilespmem:v0+s29+$0x200 ss:$0x1], $0xffff  }
0xad: {  	s19 =	sor.u32 $0xC, s20;
	v6 =	vbroadcast v6, $0x7;
	v8 =	vbroadcast v8, $0x7;
	[tilespmem:v1+s13+$0x50 ss:$0x1] =	vst.idx.msk $0xffff, v35;
	v48 =	vld.idx.msk [tilespmem:v0+s29+$0xA00 ss:$0x1], $0xffff  }
0xae: {  	v9 =	vbroadcast v9, $0x7;
	v47 =	vbroadcast v7, $0x6;
	s2 =	sshll.u32 s19, $0x4;
	v38 =	vld.idx.msk [tilespmem:v2+s15+$0x60 ss:$0x1], $0xffff  }
0xaf: {  	v7 =	vbroadcast v7, $0x7;
	v40 =	vbroadcast v10, $0x5;
	s26 =	sor.u32 $0xD, s20;
	v50 =	vld.idx.msk [tilespmem:v0+s2+$0x200 ss:$0x1], $0xffff  }
0xb0: {  	v52 =	vbroadcast v10, $0x6;
	v10 =	vbroadcast v10, $0x7;
	s29 =	sshll.u32 s26, $0x4;
	v51 =	vld.idx.msk [tilespmem:v0+s2+$0xA00 ss:$0x1], $0xffff  }
0xb1: {  	v3 =	vmul.f32 v25, v3;
	v4 =	vmul.f32 v28, v4;
	s28 =	sor.u32 $0xE, s20;
	v54 =	vld.idx.msk [tilespmem:v0+s29+$0x200 ss:$0x1], $0xffff  }
0xb2: {  	v11 =	vmul.f32 v37, v40;
	v24 =	vld.idx.msk [tilespmem:v0+s29+$0xA00 ss:$0x1], $0xffff;
	s2 =	sshll.u32 s28, $0x4;
	v5 =	vmul.f32 v31, v5;
	v15 =	vadd.f32 v41, v39  }
0xb3: {  	s29 =	sor.u32 $0xF, s20;
	v56 =	vld.idx.msk [tilespmem:v0+s2+$0x200 ss:$0x1], $0xffff;
	v6 =	vmul.f32 v34, v6;
	v8 =	vmul.f32 v13, v8;
	v17 =	vadd.f32 v42, v22  }
0xb4: {  	v58 =	vld.idx.msk [tilespmem:v0+s2+$0xA00 ss:$0x1], $0xffff;
	s2 =	sshll.u32 s29, $0x4;
	[tilespmem:v1+s14+$0x50 ss:$0x1] =	vst.idx.msk $0xffff, v11;
	v9 =	vmul.f32 v36, v9;
	v49 =	vmul.f32 $2.000000030e-01, v15;
	vm8 =	vgt.f32 v15, $0.0e+00  }
0xb5: {  	v59 =	vld.idx.msk [tilespmem:v0+s2+$0x200 ss:$0x1], $0xffff;
	v11 =	vadd.f32 v44, v43;
	v55 =	vadd.f32 v48, v46;
	v12 =	vmul.f32 v38, v47  }
0xb6: {  	v25 =	vld.idx.msk [tilespmem:v0+s2+$0xA00 ss:$0x1], $0xffff;
	v53 =	vmul.f32 $2.000000030e-01, v17;
	vm9 =	vgt.f32 v17, $0.0e+00;
	v13 =	vadd.f32 v51, v50  }
0xb7: {  	v45 =	vld.idx.msk [tilespmem:v2+s11+$0x60 ss:$0x1], $0xffff;
	v61 =	vadd.f32 v24, v54;
	v14 =	vsel vm8, v15, v49;
	v23 =	vmul.f32 $2.000000030e-01, v11  }
0xb8: {  	vm10 =	vgt.f32 v11, $0.0e+00;
	v20 =	vmul.f32 $2.000000030e-01, v55;
	vm11 =	vgt.f32 v55, $0.0e+00  }
0xb9: {  	v63 =	vadd.f32 v58, v56;
	v14 =	vmul.f32 $1.442695020e+00, v14;
	v15 =	vsel vm9, v17, v53  }
0xba: {  	v62 =	vmul.f32 $2.000000030e-01, v13;
	vm12 =	vgt.f32 v13, $0.0e+00;
	v21 =	vmul.f32 $2.000000030e-01, v61  }
0xbb: {  	v22 =	vadd.f32 v25, v59;
	vm13 =	vgt.f32 v61, $0.0e+00;
	v57 =	vmul.f32 $1.442695020e+00, v15  }
0xbc: {  	v11 =	vsel vm10, v11, v23;
	v16 =	vmul.f32 v45, v52;
	v24 =	vmul.f32 $2.000000030e-01, v63  }
0xbd: {  	v60 =	vsel vm11, v55, v20;
	(erf) = vpow2.f32 v14;
	v11 =	vmul.f32 $1.442695020e+00, v11  }
0xbe: {  	[tilespmem:v1+s13+$0x60 ss:$0x1] =	vst.idx.msk $0xffff, v12;
	vm14 =	vgt.f32 v63, $0.0e+00;
	v20 =	vsel vm12, v13, v62;
	(erf) = vpow2.f32 v57  }
0xbf: {  	v23 =	vld.idx.msk [tilespmem:v2+s15+$0x70 ss:$0x1], $0xffff;
	v13 =	vsel vm13, v61, v21;
	[tilespmem:v1+s14+$0x60 ss:$0x1] =	vst.idx.msk $0xffff, v16;
	(erf) = vpow2.f32 v11;
	v11 =	vmul.f32 $1.442695020e+00, v60  }
0xc0: {  	[tilespmem:v1+s21+$0x70 ss:$0x1] =	vst.idx.msk $0xffff, v3;
	v25 =	vmul.f32 $2.000000030e-01, v22;
	vm15 =	vgt.f32 v22, $0.0e+00;
	v12 =	vmul.f32 $1.442695020e+00, v20;
	v3 =	vld.idx.msk [tilespmem:v2+s11+$0x70 ss:$0x1], $0xffff  }
0xc1: {  	[tilespmem:v1+s22+$0x70 ss:$0x1] =	vst.idx.msk $0xffff, v4;
	v26 =	vmul.f32 $1.442695020e+00, v13;
	(erf) = vpow2.f32 v11;
	v11 =	vsel vm14, v63, v24  }
0xc2: {  	[tilespmem:v1+s23+$0x70 ss:$0x1] =	vst.idx.msk $0xffff, v5;
	v28 =	vsel vm15, v22, v25;
	(erf) = vpow2.f32 v12;
	v27 =	vmul.f32 $1.442695020e+00, v11  }
0xc3: {  	s22 =	smul.u32 $0x240, s10;
	[tilespmem:v1+s8+$0x70 ss:$0x1] =	vst.idx.msk $0xffff, v6;
	v29 =	vmul.f32 $1.442695020e+00, v28;
	(erf) = vpow2.f32 v26  }
0xc4: {  	s23 =	smul.u32 $0x240, s3;
	[tilespmem:v1+s18+$0x70 ss:$0x1] =	vst.idx.msk $0xffff, v8;
	v30 =	vmul.f32 v23, v7;
	(erf) = vpow2.f32 v27  }
0xc5: {  	s2 =	smul.u32 $0x240, s28;
	[tilespmem:v1+s12+$0x70 ss:$0x1] =	vst.idx.msk $0xffff, v9;
	s12 =	sshll.u32 s10, $0x7;
	v31 =	vmul.f32 v3, v10;
	(erf) = vpow2.f32 v29  }
0xc6: {  	s21 =	sand.u32 $0x3FFFFF80, s12;
	s12 =	sshra.s32 s23, $0x2;
	s23 =	smul.u32 $0x240, s25;
	[tilespmem:v1+s13+$0x70 ss:$0x1] =	vst.idx.msk $0xffff, v30  }
0xc7: {  	s3 =	sshll.u32 s3, $0x7;
	s8 =	sshra.s32 s22, $0x2;
	s15 =	smul.u32 $0x240, s16;
	v3 =	vpop (erf);
	[tilespmem:v1+s14+$0x70 ss:$0x1] =	vst.idx.msk $0xffff, v31  }
0xc8: {  	s22 =	sand.u32 $0x3FFFFF80, s3;
	s18 =	sshll.u32 s16, $0x7;
	s16 =	smul.u32 $0x240, s19;
	v4 =	vpop (erf);
	[tilespmem:v1+s8+$0x80 ss:$0x1] =	vst.idx.msk $0xffff, v3  }
0xc9: {  	s11 =	sand.u32 $0x3FFFFF80, s18;
	s18 =	sshll.u32 s19, $0x7;
	s13 =	sshra.s32 s15, $0x2;
	v5 =	vpop (erf);
	v32 =	vld.idx.msk [tilespmem:v2+s21+$0x0 ss:$0x1], $0xffff;
	[tilespmem:v1+s12+$0x80 ss:$0x1] =	vst.idx.msk $0xffff, v4  }
0xca: {  	s19 =	smul.u32 $0x240, s26;
	s15 =	sshll.u32 s25, $0x7;
	s14 =	sshra.s32 s23, $0x2;
	v33 =	vld.idx.msk [tilespmem:v2+s22+$0x0 ss:$0x1], $0xffff;
	[tilespmem:v1+s13+$0x80 ss:$0x1] =	vst.idx.msk $0xffff, v5;
	v6 =	vpop (erf)  }
0xcb: {  	s25 =	sand.u32 $0x3FFFFF80, s18;
	s23 =	sand.u32 $0x3FFFFF80, s15;
	s15 =	sshra.s32 s16, $0x2;
	v34 =	vld.idx.msk [tilespmem:v2+s11+$0x0 ss:$0x1], $0xffff;
	v7 =	vpop (erf);
	[tilespmem:v1+s14+$0x80 ss:$0x1] =	vst.idx.msk $0xffff, v6  }
0xcc: {  	s18 =	sshra.s32 s19, $0x2;
	s19 =	smul.u32 $0x240, s29;
	s16 =	sshll.u32 s26, $0x7;
	v35 =	vbroadcast v3, $0x0;
	v8 =	vpop (erf);
	v36 =	vld.idx.msk [tilespmem:v2+s23+$0x0 ss:$0x1], $0xffff;
	[tilespmem:v1+s15+$0x80 ss:$0x1] =	vst.idx.msk $0xffff, v7  }
0xcd: {  	s3 =	sshll.u32 s28, $0x7;
	s10 =	sshra.s32 s2, $0x2;
	s26 =	sand.u32 $0x3FFFFF80, s16;
	v37 =	vbroadcast v4, $0x0;
	v9 =	vpop (erf);
	v38 =	vld.idx.msk [tilespmem:v2+s25+$0x0 ss:$0x1], $0xffff;
	[tilespmem:v1+s18+$0x80 ss:$0x1] =	vst.idx.msk $0xffff, v8  }
0xce: {  	s28 =	sand.u32 $0x3FFFFF80, s3;
	s3 =	sshra.s32 s19, $0x2;
	s16 =	sshll.u32 s29, $0x7;
	v39 =	vbroadcast v5, $0x0;
	v13 =	vmul.f32 v35, v32;
	v40 =	vld.idx.msk [tilespmem:v2+s26+$0x0 ss:$0x1], $0xffff;
	[tilespmem:v1+s10+$0x80 ss:$0x1] =	vst.idx.msk $0xffff, v9;
	v10 =	vpop (erf)  }
0xcf: {  	s19 =	sand.u32 $0x3FFFFF80, s16;
	v41 =	vbroadcast v6, $0x0;
	v11 =	vmul.f32 v37, v33;
	v42 =	vld.idx.msk [tilespmem:v2+s28+$0x0 ss:$0x1], $0xffff;
	[tilespmem:v1+s3+$0x80 ss:$0x1] =	vst.idx.msk $0xffff, v10  }
0xd0: {  	v43 =	vbroadcast v7, $0x0;
	[tilespmem:v1+s8+$0x0 ss:$0x1] =	vst.idx.msk $0xffff, v13;
	v12 =	vmul.f32 v39, v34;
	v44 =	vld.idx.msk [tilespmem:v2+s19+$0x0 ss:$0x1], $0xffff  }
0xd1: {  	v47 =	vbroadcast v8, $0x0;
	v45 =	vld.idx.msk [tilespmem:v2+s21+$0x10 ss:$0x1], $0xffff;
	[tilespmem:v1+s12+$0x0 ss:$0x1] =	vst.idx.msk $0xffff, v11;
	v46 =	vmul.f32 v41, v36  }
0xd2: {  	v50 =	vbroadcast v9, $0x0;
	v48 =	vld.idx.msk [tilespmem:v2+s22+$0x10 ss:$0x1], $0xffff;
	[tilespmem:v1+s13+$0x0 ss:$0x1] =	vst.idx.msk $0xffff, v12;
	v49 =	vmul.f32 v43, v38  }
0xd3: {  	v53 =	vbroadcast v10, $0x0;
	v51 =	vld.idx.msk [tilespmem:v2+s11+$0x10 ss:$0x1], $0xffff;
	[tilespmem:v1+s14+$0x0 ss:$0x1] =	vst.idx.msk $0xffff, v46;
	v52 =	vmul.f32 v47, v40  }
0xd4: {  	v54 =	vbroadcast v3, $0x1;
	[tilespmem:v1+s15+$0x0 ss:$0x1] =	vst.idx.msk $0xffff, v49;
	v55 =	vld.idx.msk [tilespmem:v2+s23+$0x10 ss:$0x1], $0xffff;
	v13 =	vmul.f32 v50, v42  }
0xd5: {  	v56 =	vbroadcast v4, $0x1;
	[tilespmem:v1+s18+$0x0 ss:$0x1] =	vst.idx.msk $0xffff, v52;
	v57 =	vld.idx.msk [tilespmem:v2+s25+$0x10 ss:$0x1], $0xffff;
	v14 =	vmul.f32 v53, v44  }
0xd6: {  	v59 =	vbroadcast v5, $0x1;
	v58 =	vmul.f32 v54, v45;
	v60 =	vld.idx.msk [tilespmem:v2+s26+$0x10 ss:$0x1], $0xffff;
	[tilespmem:v1+s10+$0x0 ss:$0x1] =	vst.idx.msk $0xffff, v13  }
0xd7: {  	v62 =	vbroadcast v6, $0x1;
	v61 =	vmul.f32 v56, v48;
	v63 =	vld.idx.msk [tilespmem:v2+s28+$0x10 ss:$0x1], $0xffff;
	[tilespmem:v1+s3+$0x0 ss:$0x1] =	vst.idx.msk $0xffff, v14  }
0xd8: {  	v25 =	vbroadcast v7, $0x1;
	[tilespmem:v1+s8+$0x10 ss:$0x1] =	vst.idx.msk $0xffff, v58;
	v24 =	vmul.f32 v59, v51;
	v26 =	vld.idx.msk [tilespmem:v2+s19+$0x10 ss:$0x1], $0xffff  }
0xd9: {  	v28 =	vbroadcast v8, $0x1;
	v27 =	vld.idx.msk [tilespmem:v2+s21+$0x20 ss:$0x1], $0xffff;
	[tilespmem:v1+s12+$0x10 ss:$0x1] =	vst.idx.msk $0xffff, v61;
	v12 =	vmul.f32 v62, v55  }
0xda: {  	v30 =	vbroadcast v9, $0x1;
	v29 =	vld.idx.msk [tilespmem:v2+s22+$0x20 ss:$0x1], $0xffff;
	[tilespmem:v1+s13+$0x10 ss:$0x1] =	vst.idx.msk $0xffff, v24;
	v11 =	vmul.f32 v25, v57  }
0xdb: {  	v33 =	vbroadcast v10, $0x1;
	v31 =	vld.idx.msk [tilespmem:v2+s11+$0x20 ss:$0x1], $0xffff;
	[tilespmem:v1+s14+$0x10 ss:$0x1] =	vst.idx.msk $0xffff, v12;
	v32 =	vmul.f32 v28, v60  }
0xdc: {  	v34 =	vbroadcast v3, $0x2;
	[tilespmem:v1+s15+$0x10 ss:$0x1] =	vst.idx.msk $0xffff, v11;
	v35 =	vld.idx.msk [tilespmem:v2+s23+$0x20 ss:$0x1], $0xffff;
	v14 =	vmul.f32 v30, v63  }
0xdd: {  	v36 =	vbroadcast v4, $0x2;
	[tilespmem:v1+s18+$0x10 ss:$0x1] =	vst.idx.msk $0xffff, v32;
	v37 =	vld.idx.msk [tilespmem:v2+s25+$0x20 ss:$0x1], $0xffff;
	v13 =	vmul.f32 v33, v26  }
0xde: {  	v39 =	vbroadcast v5, $0x2;
	v38 =	vmul.f32 v27, v34;
	v40 =	vld.idx.msk [tilespmem:v2+s26+$0x20 ss:$0x1], $0xffff;
	[tilespmem:v1+s10+$0x10 ss:$0x1] =	vst.idx.msk $0xffff, v14  }
0xdf: {  	v42 =	vbroadcast v6, $0x2;
	v41 =	vmul.f32 v29, v36;
	v43 =	vld.idx.msk [tilespmem:v2+s28+$0x20 ss:$0x1], $0xffff;
	[tilespmem:v1+s3+$0x10 ss:$0x1] =	vst.idx.msk $0xffff, v13  }
0xe0: {  	v45 =	vbroadcast v7, $0x2;
	[tilespmem:v1+s8+$0x20 ss:$0x1] =	vst.idx.msk $0xffff, v38;
	v44 =	vmul.f32 v31, v39;
	v46 =	vld.idx.msk [tilespmem:v2+s19+$0x20 ss:$0x1], $0xffff  }
0xe1: {  	v48 =	vbroadcast v8, $0x2;
	v47 =	vld.idx.msk [tilespmem:v2+s21+$0x30 ss:$0x1], $0xffff;
	[tilespmem:v1+s12+$0x20 ss:$0x1] =	vst.idx.msk $0xffff, v41;
	v11 =	vmul.f32 v35, v42  }
0xe2: {  	v50 =	vbroadcast v9, $0x2;
	v49 =	vld.idx.msk [tilespmem:v2+s22+$0x30 ss:$0x1], $0xffff;
	[tilespmem:v1+s13+$0x20 ss:$0x1] =	vst.idx.msk $0xffff, v44;
	v12 =	vmul.f32 v37, v45  }
0xe3: {  	v53 =	vbroadcast v10, $0x2;
	v51 =	vld.idx.msk [tilespmem:v2+s11+$0x30 ss:$0x1], $0xffff;
	[tilespmem:v1+s14+$0x20 ss:$0x1] =	vst.idx.msk $0xffff, v11;
	v52 =	vmul.f32 v40, v48  }
0xe4: {  	v54 =	vbroadcast v3, $0x3;
	[tilespmem:v1+s15+$0x20 ss:$0x1] =	vst.idx.msk $0xffff, v12;
	v55 =	vld.idx.msk [tilespmem:v2+s23+$0x30 ss:$0x1], $0xffff;
	v13 =	vmul.f32 v43, v50  }
0xe5: {  	v56 =	vbroadcast v4, $0x3;
	[tilespmem:v1+s18+$0x20 ss:$0x1] =	vst.idx.msk $0xffff, v52;
	v57 =	vld.idx.msk [tilespmem:v2+s25+$0x30 ss:$0x1], $0xffff;
	v14 =	vmul.f32 v46, v53  }
0xe6: {  	v59 =	vbroadcast v5, $0x3;
	v58 =	vmul.f32 v47, v54;
	v60 =	vld.idx.msk [tilespmem:v2+s26+$0x30 ss:$0x1], $0xffff;
	[tilespmem:v1+s10+$0x20 ss:$0x1] =	vst.idx.msk $0xffff, v13  }
0xe7: {  	v62 =	vbroadcast v6, $0x3;
	v61 =	vmul.f32 v49, v56;
	v63 =	vld.idx.msk [tilespmem:v2+s28+$0x30 ss:$0x1], $0xffff;
	[tilespmem:v1+s3+$0x20 ss:$0x1] =	vst.idx.msk $0xffff, v14  }
0xe8: {  	v25 =	vbroadcast v7, $0x3;
	[tilespmem:v1+s8+$0x30 ss:$0x1] =	vst.idx.msk $0xffff, v58;
	v24 =	vmul.f32 v51, v59;
	v26 =	vld.idx.msk [tilespmem:v2+s19+$0x30 ss:$0x1], $0xffff  }
0xe9: {  	v28 =	vbroadcast v8, $0x3;
	v27 =	vld.idx.msk [tilespmem:v2+s21+$0x40 ss:$0x1], $0xffff;
	[tilespmem:v1+s12+$0x30 ss:$0x1] =	vst.idx.msk $0xffff, v61;
	v12 =	vmul.f32 v55, v62  }
0xea: {  	v30 =	vbroadcast v9, $0x3;
	v29 =	vld.idx.msk [tilespmem:v2+s22+$0x40 ss:$0x1], $0xffff;
	[tilespmem:v1+s13+$0x30 ss:$0x1] =	vst.idx.msk $0xffff, v24;
	v11 =	vmul.f32 v57, v25  }
0xeb: {  	v33 =	vbroadcast v10, $0x3;
	v31 =	vld.idx.msk [tilespmem:v2+s11+$0x40 ss:$0x1], $0xffff;
	[tilespmem:v1+s14+$0x30 ss:$0x1] =	vst.idx.msk $0xffff, v12;
	v32 =	vmul.f32 v60, v28  }
0xec: {  	v34 =	vbroadcast v3, $0x4;
	[tilespmem:v1+s15+$0x30 ss:$0x1] =	vst.idx.msk $0xffff, v11;
	v35 =	vld.idx.msk [tilespmem:v2+s23+$0x40 ss:$0x1], $0xffff;
	v14 =	vmul.f32 v63, v30  }
0xed: {  	v36 =	vbroadcast v4, $0x4;
	[tilespmem:v1+s18+$0x30 ss:$0x1] =	vst.idx.msk $0xffff, v32;
	v37 =	vld.idx.msk [tilespmem:v2+s25+$0x40 ss:$0x1], $0xffff;
	v13 =	vmul.f32 v26, v33  }
0xee: {  	v39 =	vbroadcast v5, $0x4;
	v38 =	vmul.f32 v27, v34;
	v40 =	vld.idx.msk [tilespmem:v2+s26+$0x40 ss:$0x1], $0xffff;
	[tilespmem:v1+s10+$0x30 ss:$0x1] =	vst.idx.msk $0xffff, v14  }
0xef: {  	v42 =	vbroadcast v6, $0x4;
	v41 =	vmul.f32 v29, v36;
	v43 =	vld.idx.msk [tilespmem:v2+s28+$0x40 ss:$0x1], $0xffff;
	[tilespmem:v1+s3+$0x30 ss:$0x1] =	vst.idx.msk $0xffff, v13  }
0xf0: {  	v45 =	vbroadcast v7, $0x4;
	[tilespmem:v1+s8+$0x40 ss:$0x1] =	vst.idx.msk $0xffff, v38;
	v44 =	vmul.f32 v31, v39;
	v46 =	vld.idx.msk [tilespmem:v2+s19+$0x40 ss:$0x1], $0xffff  }
0xf1: {  	v48 =	vbroadcast v8, $0x4;
	v47 =	vld.idx.msk [tilespmem:v2+s21+$0x50 ss:$0x1], $0xffff;
	[tilespmem:v1+s12+$0x40 ss:$0x1] =	vst.idx.msk $0xffff, v41;
	v11 =	vmul.f32 v35, v42  }
0xf2: {  	v50 =	vbroadcast v9, $0x4;
	v49 =	vld.idx.msk [tilespmem:v2+s22+$0x50 ss:$0x1], $0xffff;
	[tilespmem:v1+s13+$0x40 ss:$0x1] =	vst.idx.msk $0xffff, v44;
	v12 =	vmul.f32 v37, v45  }
0xf3: {  	v53 =	vbroadcast v10, $0x4;
	v51 =	vld.idx.msk [tilespmem:v2+s11+$0x50 ss:$0x1], $0xffff;
	[tilespmem:v1+s14+$0x40 ss:$0x1] =	vst.idx.msk $0xffff, v11;
	v52 =	vmul.f32 v40, v48  }
0xf4: {  	v54 =	vbroadcast v3, $0x5;
	[tilespmem:v1+s15+$0x40 ss:$0x1] =	vst.idx.msk $0xffff, v12;
	v55 =	vld.idx.msk [tilespmem:v2+s23+$0x50 ss:$0x1], $0xffff;
	v13 =	vmul.f32 v43, v50  }
0xf5: {  	v56 =	vbroadcast v4, $0x5;
	[tilespmem:v1+s18+$0x40 ss:$0x1] =	vst.idx.msk $0xffff, v52;
	v57 =	vld.idx.msk [tilespmem:v2+s25+$0x50 ss:$0x1], $0xffff;
	v14 =	vmul.f32 v46, v53  }
0xf6: {  	v59 =	vbroadcast v5, $0x5;
	v58 =	vmul.f32 v47, v54;
	v60 =	vld.idx.msk [tilespmem:v2+s26+$0x50 ss:$0x1], $0xffff;
	[tilespmem:v1+s10+$0x40 ss:$0x1] =	vst.idx.msk $0xffff, v13  }
0xf7: {  	v62 =	vbroadcast v6, $0x5;
	v61 =	vmul.f32 v49, v56;
	v63 =	vld.idx.msk [tilespmem:v2+s28+$0x50 ss:$0x1], $0xffff;
	[tilespmem:v1+s3+$0x40 ss:$0x1] =	vst.idx.msk $0xffff, v14  }
0xf8: {  	v23 =	vbroadcast v7, $0x5;
	[tilespmem:v1+s8+$0x50 ss:$0x1] =	vst.idx.msk $0xffff, v58;
	v22 =	vmul.f32 v51, v59;
	v24 =	vld.idx.msk [tilespmem:v2+s19+$0x50 ss:$0x1], $0xffff  }
0xf9: {  	v26 =	vbroadcast v8, $0x5;
	v25 =	vld.idx.msk [tilespmem:v2+s21+$0x60 ss:$0x1], $0xffff;
	[tilespmem:v1+s12+$0x50 ss:$0x1] =	vst.idx.msk $0xffff, v61;
	v12 =	vmul.f32 v55, v62  }
0xfa: {  	v28 =	vbroadcast v9, $0x5;
	v27 =	vld.idx.msk [tilespmem:v2+s22+$0x60 ss:$0x1], $0xffff;
	[tilespmem:v1+s13+$0x50 ss:$0x1] =	vst.idx.msk $0xffff, v22;
	v11 =	vmul.f32 v57, v23  }
0xfb: {  	v31 =	vbroadcast v10, $0x5;
	v29 =	vld.idx.msk [tilespmem:v2+s11+$0x60 ss:$0x1], $0xffff;
	[tilespmem:v1+s14+$0x50 ss:$0x1] =	vst.idx.msk $0xffff, v12;
	v30 =	vmul.f32 v60, v26  }
0xfc: {  	v32 =	vbroadcast v3, $0x6;
	[tilespmem:v1+s15+$0x50 ss:$0x1] =	vst.idx.msk $0xffff, v11;
	v33 =	vld.idx.msk [tilespmem:v2+s23+$0x60 ss:$0x1], $0xffff;
	v14 =	vmul.f32 v63, v28  }
0xfd: {  	v34 =	vbroadcast v4, $0x6;
	[tilespmem:v1+s18+$0x50 ss:$0x1] =	vst.idx.msk $0xffff, v30;
	v35 =	vld.idx.msk [tilespmem:v2+s25+$0x60 ss:$0x1], $0xffff;
	v13 =	vmul.f32 v24, v31  }
0xfe: {  	v37 =	vbroadcast v5, $0x6;
	v36 =	vmul.f32 v25, v32;
	v38 =	vld.idx.msk [tilespmem:v2+s26+$0x60 ss:$0x1], $0xffff;
	[tilespmem:v1+s10+$0x50 ss:$0x1] =	vst.idx.msk $0xffff, v14  }
0xff: {  	v40 =	vbroadcast v6, $0x6;
	v39 =	vmul.f32 v27, v34;
	v41 =	vld.idx.msk [tilespmem:v2+s28+$0x60 ss:$0x1], $0xffff;
	[tilespmem:v1+s3+$0x50 ss:$0x1] =	vst.idx.msk $0xffff, v13  }
0x100: {  	v43 =	vbroadcast v7, $0x6;
	[tilespmem:v1+s8+$0x60 ss:$0x1] =	vst.idx.msk $0xffff, v36;
	v42 =	vmul.f32 v29, v37;
	v44 =	vld.idx.msk [tilespmem:v2+s19+$0x60 ss:$0x1], $0xffff  }
0x101: {  	v46 =	vbroadcast v8, $0x6;
	v45 =	vld.idx.msk [tilespmem:v2+s21+$0x70 ss:$0x1], $0xffff;
	[tilespmem:v1+s12+$0x60 ss:$0x1] =	vst.idx.msk $0xffff, v39;
	v11 =	vmul.f32 v33, v40  }
0x102: {  	v48 =	vbroadcast v9, $0x6;
	v47 =	vld.idx.msk [tilespmem:v2+s22+$0x70 ss:$0x1], $0xffff;
	[tilespmem:v1+s13+$0x60 ss:$0x1] =	vst.idx.msk $0xffff, v42;
	v12 =	vmul.f32 v35, v43  }
0x103: {  	v51 =	vbroadcast v10, $0x6;
	v49 =	vld.idx.msk [tilespmem:v2+s11+$0x70 ss:$0x1], $0xffff;
	[tilespmem:v1+s14+$0x60 ss:$0x1] =	vst.idx.msk $0xffff, v11;
	v50 =	vmul.f32 v38, v46  }
0x104: {  	v3 =	vbroadcast v3, $0x7;
	v52 =	vld.idx.msk [tilespmem:v2+s23+$0x70 ss:$0x1], $0xffff;
	[tilespmem:v1+s15+$0x60 ss:$0x1] =	vst.idx.msk $0xffff, v12;
	v53 =	vmul.f32 v41, v48  }
0x105: {  	v4 =	vbroadcast v4, $0x7;
	v54 =	vld.idx.msk [tilespmem:v2+s25+$0x70 ss:$0x1], $0xffff;
	[tilespmem:v1+s18+$0x60 ss:$0x1] =	vst.idx.msk $0xffff, v50;
	v55 =	vmul.f32 v44, v51  }
0x106: {  	v5 =	vbroadcast v5, $0x7;
	v3 =	vmul.f32 v45, v3;
	v56 =	vld.idx.msk [tilespmem:v2+s26+$0x70 ss:$0x1], $0xffff;
	[tilespmem:v1+s10+$0x60 ss:$0x1] =	vst.idx.msk $0xffff, v53  }
0x107: {  	v6 =	vbroadcast v6, $0x7;
	v4 =	vmul.f32 v47, v4;
	v12 =	vld.idx.msk [tilespmem:v2+s28+$0x70 ss:$0x1], $0xffff;
	[tilespmem:v1+s3+$0x60 ss:$0x1] =	vst.idx.msk $0xffff, v55  }
0x108: {  	v7 =	vbroadcast v7, $0x7;
	[tilespmem:v1+s8+$0x70 ss:$0x1] =	vst.idx.msk $0xffff, v3;
	v5 =	vmul.f32 v49, v5;
	v3 =	vld.idx.msk [tilespmem:v2+s19+$0x70 ss:$0x1], $0xffff  }
0x109: {  	v58 =	vbroadcast v8, $0x7;
	[tilespmem:v1+s12+$0x70 ss:$0x1] =	vst.idx.msk $0xffff, v4;
	v57 =	vmul.f32 v52, v6  }
0x10a: {  	p0 =	slt.u32 s20, $0x30;
	v60 =	vbroadcast v9, $0x7;
	[tilespmem:v1+s13+$0x70 ss:$0x1] =	vst.idx.msk $0xffff, v5;
	v59 =	vmul.f32 v54, v7  }
.Ltmp0:
0x10b: {  	v62 =	vbroadcast v10, $0x7;
	[tilespmem:v1+s14+$0x70 ss:$0x1] =	vst.idx.msk $0xffff, v57;
	v61 =	vmul.f32 v56, v58;
	(pc) =	sbr.rel @p0 .LBB2_3-.Ltmp0, $4  }
0x10c: {  	[tilespmem:v1+s15+$0x70 ss:$0x1] =	vst.idx.msk $0xffff, v59;
	v63 =	vmul.f32 v12, v60  }
0x10d: {  	[tilespmem:v1+s18+$0x70 ss:$0x1] =	vst.idx.msk $0xffff, v61;
	v3 =	vmul.f32 v3, v62  }
0x10e: {  	s29 =	sadd.s32 $0x10, s20;
	[tilespmem:v1+s10+$0x70 ss:$0x1] =	vst.idx.msk $0xffff, v63  }
0x10f: {  	s20 =	smov.u32 s29;
	[tilespmem:v1+s3+$0x70 ss:$0x1] =	vst.idx.msk $0xffff, v3  }
0x110: {  	p0 =	sne.s32 s0, $0x9E  }
.Ltmp1:
0x111: {  	_ = 	snop;
	(pc) =	sbr.rel @p0 .LBB2_2-.Ltmp1, $4  }
0x112: {  	s2 =	sshll.u32 s30, $0x7  }
0x113: {  	s2 =	sand.u32 $0x180, s2  }
0x114: {  	s3 =	sadd.s32 $0x3, s31;
	s30 =	smov.u32 s0;
	s2 =	sor.u32 $0x40, s2  }
0x115: {  	[spmem:s1] =	stream.indirect.scatter.add.f32 [tilespmem:s4], [sflag:s3], $0x90, s2, s17, $0xb8;
	[tilespmem:$0x1FD80] =	vst v63  }
0x116: {  	s0 =	simm.s32 $0x3  }
0x117: {  	_ =	swait.ge [sflag:s0], $0x2400  }
0x118: {  	[sflag:s0] =	ssyncset.done $0x0  }
0x119: {  	s28 =	simm.s32 $0x4;
	[sflag:s0] =	ssyncadd.s32 $0xFFFFDC00  }
0x11a: {  	_ =	swait.ge [sflag:s28], $0x2400  }
0x11b: {  	[sflag:s28] =	ssyncset.done $0x0  }
0x11c: {  	[sflag:s28] =	ssyncadd.s32 $0xFFFFDC00  }
0x11d: {  	[bflag:$0x0] =	sbarrier.arrive $0xFFFF  }
0x11e: {  	s29 =	rddreg [dreg:$0x5]  }
0x11f: {  	s2 =	rddreg [dreg:$0x9]  }
0x120: {  	s30 =	simm.s32 $0x5;
	s3 =	rddreg [dreg:$0xb];
	s0 =	sor.u32 $0x1C05, s29  }
0x121: {  	[hbm:s2], [sflag:s0] =	dma.local [spmem:s3], $0x2C70  }
0x122: {  	_ =	swait.ge [sflag:s30], $0x2C70  }
0x123: {  	s4 =	rddreg [dreg:$0xc]  }
0x124: {  	s31 =	rddreg [dreg:$0xa];
	s4 =	sadd.s32 $0x1, s4  }
0x125: {  	p0 =	sne.s32 s4, s31  }
.Ltmp2:
0x126: {  	_ = 	snop;
	(pc) =	sbr.rel @p0 .LBB2_1-.Ltmp2, $3  }
0x127: {  	_ =	sdelay $0x1  }
0x128: {  	[sflag:s30] =	ssyncset.done $0x0  }
0x129: {  	[sflag:s30] =	ssyncadd.s32 $0xFFFFD390  }
0x12a: {  	_ =	sfence.sel $0x180000  }
0x12b: {  	[bflag:$0x0] =	sbarrier.arrive $0xFFFF  }
0x12c: {  	_ =	strace $0x90000047  }
0x12d: {  	s0 =	stileid.u32;
	[bflag:$0x2] =	sbarrier.arrive $0xFFFF  }
0x12e: {  	p0 =	sne.s32 s0, $0x0;
	s0 =	rddreg [dreg:$0x3]  }
0x12f: {  	s0 =	sadd.s32 @!p0 $0x100000, s0  }
0x130: {  	[sflag:s0] =	ssyncadd.tile.s32 @!p0 $0x1;
	_ =	shalt  }
.Lfunc_end2:
_tile_overlayer_lowered:
.L_overlay_start_2:
0x131: {  	(tag) =	ssettag $0x2  }
0x132: {  	s0 =	rddreg [dreg:$0x0];
	s2 =	stileid.u32  }
0x133: {  	s1 =	rddreg [dreg:$0x1];
	p0 =	sne.s32 s2, $0x0  }
0x134: {  	s3 =	rddreg [dreg:$0x2];
	[bflag:$0x3] =	sbarrier.arrive $0xFFFF;
	s2 =	simm.s32 @!p0 $0x1C05  }
0x135: {  	[timem:s3], [sflag:s2] =	dma.local @!p0 [hbm:s0], s1  }
0x136: {  	s0 =	simm.s32 @!p0 $0x5  }
0x137: {  	_ =	swait.ge @!p0 [sflag:s0], s1  }
0x138: {  	s1 =	ssub.s32 @!p0 $0x0, s1;
	[sflag:s0] =	ssyncset.done @!p0 $0x0  }
0x139: {  	[sflag:s0] =	ssyncadd.s32 @!p0 s1  }
0x13a: {  	[bflag:$0x3] =	sbarrier.arrive $0xFFFF  }
0x13b: {  	_ =	shalt  }

</sc_bundles>
